<compile_context>
chip_gen: v7x
topology: tpu7x:2x2x1
jax: 0.10.2.dev20260603
libtpu: 0.0.44.dev20260713+nightly
codegen_flags: <defaults>
</compile_context>

<pallas_src>
import functools

import jax
import jax.numpy as jnp
from jax import lax
from jax.experimental import pallas as pl
from jax.experimental.pallas import tpu as pltpu
from jax.experimental.pallas import tpu_sc as plsc

D = 768
H = 12
DH = 64
HALF = DH // 2
V = 32000
F = 1024
L = 2
E = 8
S = 2048
THETA = 10000.0

MOE_BLK = 128
P = S + E * MOE_BLK

_NC = 2
_NS = 16
_NW = _NC * _NS



def _sc_mesh():
    return plsc.VectorSubcoreMesh(core_axis_name="c", subcore_axis_name="s")


def _sc_gather(table, idx):
    n, d = idx.shape[0], table.shape[1]
    bpw = n // _NW

    @functools.partial(
        pl.kernel,
        mesh=_sc_mesh(),
        out_type=jax.ShapeDtypeStruct((n, d), jnp.float32),
        scratch_types=[
            pltpu.VMEM((bpw,), jnp.int32),
            pltpu.VMEM((bpw, d), jnp.float32),
            pltpu.SemaphoreType.DMA,
        ],
    )
    def k(table_hbm, idx_hbm, out_hbm, idx_v, rows_v, sem):
        wid = lax.axis_index("s") * _NC + lax.axis_index("c")
        base = wid * bpw
        pltpu.sync_copy(idx_hbm.at[pl.ds(base, bpw)], idx_v)
        pltpu.async_copy(table_hbm.at[idx_v], rows_v, sem).wait()
        pltpu.sync_copy(rows_v, out_hbm.at[pl.ds(base, bpw)])

    return k(table, idx)


def _sc_scatter(rows, idx, n_out):
    n, d = rows.shape
    bpw = n // _NW

    @functools.partial(
        pl.kernel,
        mesh=_sc_mesh(),
        out_type=jax.ShapeDtypeStruct((n_out, d), jnp.float32),
        scratch_types=[
            pltpu.VMEM((bpw,), jnp.int32),
            pltpu.VMEM((bpw, d), jnp.float32),
            pltpu.SemaphoreType.DMA,
        ],
    )
    def k(rows_hbm, idx_hbm, out_hbm, idx_v, rows_v, sem):
        wid = lax.axis_index("s") * _NC + lax.axis_index("c")
        base = wid * bpw
        pltpu.sync_copy(idx_hbm.at[pl.ds(base, bpw)], idx_v)
        pltpu.sync_copy(rows_hbm.at[pl.ds(base, bpw)], rows_v)
        pltpu.async_copy(rows_v, out_hbm.at[idx_v], sem).wait()

    return k(rows, idx)



def _rmsnorm_body(a_ref, w_ref, n_ref):
    s = a_ref[...]
    ms = jnp.mean(s * s, axis=-1, keepdims=True)
    n_ref[...] = s * lax.rsqrt(ms + 1e-6) * w_ref[...]


def _rmsnorm(a, w):
    bm = 256
    return pl.pallas_call(
        _rmsnorm_body,
        grid=(S // bm,),
        in_specs=[
            pl.BlockSpec((bm, D), lambda i: (i, 0)),
            pl.BlockSpec((1, D), lambda i: (0, 0)),
        ],
        out_specs=pl.BlockSpec((bm, D), lambda i: (i, 0)),
        out_shape=jax.ShapeDtypeStruct((S, D), jnp.float32),
    )(a, w.reshape(1, D))


def _mm_body(x_ref, w_ref, o_ref):
    o_ref[...] = jnp.dot(x_ref[...], w_ref[...],
                         preferred_element_type=jnp.float32)


def _mm_bias_body(x_ref, w_ref, b_ref, o_ref):
    o_ref[...] = b_ref[...] + jnp.dot(x_ref[...], w_ref[...],
                                      preferred_element_type=jnp.float32)


def _mm(x, w, bm, bn, bias=None):
    m, kd = x.shape
    n = w.shape[1]
    grid = (m // bm, n // bn)
    in_specs = [
        pl.BlockSpec((bm, kd), lambda i, j: (i, 0)),
        pl.BlockSpec((kd, bn), lambda i, j: (0, j)),
    ]
    args = [x, w]
    body = _mm_body
    if bias is not None:
        in_specs.append(pl.BlockSpec((1, bn), lambda i, j: (0, j)))
        args.append(bias)
        body = _mm_bias_body
    return pl.pallas_call(
        body,
        grid=grid,
        in_specs=in_specs,
        out_specs=pl.BlockSpec((bm, bn), lambda i, j: (i, j)),
        out_shape=jax.ShapeDtypeStruct((m, n), jnp.float32),
    )(*args)


NCHUNK = S // 128


def _plan_body(lg_ref, dst_ref, be_ref):
    f32 = jnp.float32
    colI = lax.broadcasted_iota(jnp.int32, (128, 128), 1)
    rowI = lax.broadcasted_iota(jnp.int32, (128, 128), 0)
    valid = colI < E
    tril = (rowI > colI).astype(f32)
    triu = (rowI < colI).astype(f32)
    ident = (rowI == colI).astype(f32)

    running = jnp.zeros((1, 128), f32)
    eidx = []
    rank = []
    for c in range(NCHUNK):
        lg = jnp.where(valid, lg_ref[c * 128:(c + 1) * 128, :],
                       jnp.float32(-1e30))
        mx = jnp.max(lg, axis=1, keepdims=True)
        idx = jnp.min(jnp.where(lg == mx, colI, 10**9), axis=1, keepdims=True)
        onehot = (colI == idx).astype(f32)
        prefix = jnp.dot(tril, onehot, preferred_element_type=f32) + running
        rank.append(jnp.sum(prefix * onehot, axis=1, keepdims=True))
        eidx.append(idx)
        running = running + jnp.sum(onehot, axis=0, keepdims=True)

    counts = running
    nblk = jnp.floor((counts + (MOE_BLK - 1)) * (1.0 / MOE_BLK))
    offb = jnp.dot(nblk, triu, preferred_element_type=f32)
    offtok = offb * MOE_BLK

    offb_cv = lax.dot_general(ident, offb, (((1,), (1,)), ((), ())),
                              preferred_element_type=f32)
    bmat = ((offb_cv <= colI.astype(f32)) & (rowI < E)).astype(f32)
    be = jnp.clip(jnp.sum(bmat, axis=0, keepdims=True) - 1.0, 0.0, E - 1.0)
    be_ref[...] = be.astype(jnp.int32)

    acc = jnp.zeros((128, 128), f32)
    for c in range(NCHUNK):
        onehot = (colI == eidx[c]).astype(f32)
        off_sel = jnp.sum(onehot * offtok, axis=1, keepdims=True)
        dstc = off_sel + rank[c]
        acc = jnp.where(colI == c, dstc, acc)
    dst_ref[...] = acc.astype(jnp.int32)


def _plan(logits):
    dst_t, be = pl.pallas_call(
        _plan_body,
        grid=(1,),
        in_specs=[pl.BlockSpec((S, 128), lambda i: (0, 0))],
        out_specs=[
            pl.BlockSpec((128, 128), lambda i: (0, 0)),
            pl.BlockSpec((1, 128), lambda i: (0, 0)),
        ],
        out_shape=[
            jax.ShapeDtypeStruct((128, 128), jnp.int32),
            jax.ShapeDtypeStruct((1, 128), jnp.int32),
        ],
    )(logits)
    dst = dst_t[:, :NCHUNK].T.reshape(S)
    return dst, be.reshape(128)


def _ffn_body(be_ref, x_ref, w1_ref, w2_ref, o_ref):
    h = jnp.maximum(
        jnp.dot(x_ref[...], w1_ref[0], preferred_element_type=jnp.float32),
        0.0)
    o_ref[...] = jnp.dot(h, w2_ref[0], preferred_element_type=jnp.float32)


def _moe_ffn(be, xp, w1l, w2l):
    grid_spec = pltpu.PrefetchScalarGridSpec(
        num_scalar_prefetch=1,
        grid=(P // MOE_BLK,),
        in_specs=[
            pl.BlockSpec((MOE_BLK, D), lambda b, be: (b, 0)),
            pl.BlockSpec((1, D, F), lambda b, be: (be[b], 0, 0)),
            pl.BlockSpec((1, F, D), lambda b, be: (be[b], 0, 0)),
        ],
        out_specs=pl.BlockSpec((MOE_BLK, D), lambda b, be: (b, 0)),
    )
    return pl.pallas_call(
        _ffn_body,
        grid_spec=grid_spec,
        out_shape=jax.ShapeDtypeStruct((P, D), jnp.float32),
    )(be, xp, w1l, w2l)



def _rmsnorm_ref(x, w):
    return x * jax.lax.rsqrt(jnp.mean(x * x, axis=-1, keepdims=True) + 1e-6) * w


def _rope_ref(x, pos):
    inv_freq = 1.0 / (THETA ** (jnp.arange(HALF, dtype=jnp.float32) / HALF))
    ang = pos[:, :, None].astype(jnp.float32) * inv_freq[None, None, :]
    cos = jnp.cos(ang)[:, :, None, :]
    sin = jnp.sin(ang)[:, :, None, :]
    x1 = x[..., :HALF]
    x2 = x[..., HALF:]
    return jnp.concatenate([x1 * cos - x2 * sin, x1 * sin + x2 * cos], axis=-1)


def _attn_ref(x, wq, wk, wv, wo, pos):
    b, s, _ = x.shape
    q = (x @ wq).reshape(b, s, H, DH)
    k = (x @ wk).reshape(b, s, H, DH)
    v = (x @ wv).reshape(b, s, H, DH)
    q = _rope_ref(q, pos)
    k = _rope_ref(k, pos)
    q = q.transpose(0, 2, 1, 3)
    k = k.transpose(0, 2, 1, 3)
    v = v.transpose(0, 2, 1, 3)
    scores = (q @ k.transpose(0, 1, 3, 2)) / jnp.sqrt(jnp.float32(DH))
    mask = jnp.tril(jnp.ones((s, s), dtype=bool))
    scores = jnp.where(mask[None, None, :, :], scores, jnp.float32(-1e9))
    p = jax.nn.softmax(scores, axis=-1)
    o = (p @ v).transpose(0, 2, 1, 3).reshape(b, s, D)
    return o @ wo



def kernel(token_ids, emb, wq, wk, wv, wo, ln1, ln2, router_w, w1, w2,
           ln_f, out_w, out_b):
    b, s = token_ids.shape
    pos = jnp.broadcast_to(jnp.arange(s)[None, :], (b, s))
    ids = token_ids.reshape(S).astype(jnp.int32)

    x = _sc_gather(emb, ids)[None]
    for l in range(L):
        x = x + _attn_ref(_rmsnorm_ref(x, ln1[l]), wq[l], wk[l], wv[l],
                          wo[l], pos)
        n2 = _rmsnorm_ref(x[0], ln2[l])
        logits = jnp.pad(n2 @ router_w[l], ((0, 0), (0, 128 - E)))
        dst, be = _plan(logits)
        xp = _sc_scatter(n2, dst, P)
        yp = _moe_ffn(be, xp, w1[l], w2[l])
        x = x + _sc_gather(yp, dst)[None]
    nf = _rmsnorm(x[0], ln_f)
    logits_out = _mm(nf, out_w, bm=2048, bn=1280, bias=out_b.reshape(1, V))
    return logits_out.reshape(1, S, V)

# --- scband reference (transcript-rebuilt; emitter-appended) ---
"""Pipeline reference for scband-mo-etransformer-lm-73512660238762 (READ-ONLY COPY).

The authoritative reference and input builder live on the scoring server;
editing this copy changes nothing except your own understanding.
"""

import jax, jax.numpy as jnp
import numpy as np

D = 768
H = 12
DH = D // H
V = 32000
F = 1024
L = 2
E = 8
K = 1
B = 1
S = 2048
THETA = 10000.0


def setup_inputs(seed: int = 0) -> dict:
    key = jax.random.key(seed)
    ks = jax.random.split(key, 12)
    token_ids = jax.random.randint(ks[0], (B, S), 0, V)
    emb = jax.random.normal(ks[1], (V, D), dtype=jnp.float32) * 0.02
    wq = jax.random.normal(ks[2], (L, D, D), dtype=jnp.float32) * 0.02
    wk = jax.random.normal(ks[3], (L, D, D), dtype=jnp.float32) * 0.02
    wv = jax.random.normal(ks[4], (L, D, D), dtype=jnp.float32) * 0.02
    wo = jax.random.normal(ks[5], (L, D, D), dtype=jnp.float32) * 0.02
    ln1 = jnp.ones((L, D), dtype=jnp.float32)
    ln2 = jnp.ones((L, D), dtype=jnp.float32)
    router_w = jax.random.normal(ks[6], (L, D, E), dtype=jnp.float32) * 0.02
    w1 = jax.random.normal(ks[7], (L, E, D, F), dtype=jnp.float32) * 0.02
    w2 = jax.random.normal(ks[8], (L, E, F, D), dtype=jnp.float32) * 0.02
    ln_f = jnp.ones((D,), dtype=jnp.float32)
    out_w = jax.random.normal(ks[9], (D, V), dtype=jnp.float32) * 0.02
    out_b = jnp.zeros((V,), dtype=jnp.float32)
    return {"token_ids": token_ids, "emb": emb, "wq": wq, "wk": wk, "wv": wv,
            "wo": wo, "ln1": ln1, "ln2": ln2, "router_w": router_w, "w1": w1,
            "w2": w2, "ln_f": ln_f, "out_w": out_w, "out_b": out_b}


def _rmsnorm(x, w):
    return x * jax.lax.rsqrt(jnp.mean(x * x, axis=-1, keepdims=True) + 1e-6) * w


def _rope(x, pos):
    # x: [B, S, H, DH], pos: [B, S]
    half = DH // 2
    inv_freq = 1.0 / (THETA ** (jnp.arange(half, dtype=jnp.float32) / half))
    ang = pos[:, :, None].astype(jnp.float32) * inv_freq[None, None, :]
    cos = jnp.cos(ang)[:, :, None, :]
    sin = jnp.sin(ang)[:, :, None, :]
    x1 = x[..., :half]
    x2 = x[..., half:]
    return jnp.concatenate([x1 * cos - x2 * sin, x1 * sin + x2 * cos], axis=-1)


def _attn(x, wq, wk, wv, wo, pos):
    b, s, _ = x.shape
    q = (x @ wq).reshape(b, s, H, DH)
    k = (x @ wk).reshape(b, s, H, DH)
    v = (x @ wv).reshape(b, s, H, DH)
    q = _rope(q, pos)
    k = _rope(k, pos)
    q = q.transpose(0, 2, 1, 3)
    k = k.transpose(0, 2, 1, 3)
    v = v.transpose(0, 2, 1, 3)
    scores = (q @ k.transpose(0, 1, 3, 2)) / jnp.sqrt(jnp.float32(DH))
    mask = jnp.tril(jnp.ones((s, s), dtype=bool))
    scores = jnp.where(mask[None, None, :, :], scores, jnp.float32(-1e9))
    p = jax.nn.softmax(scores, axis=-1)
    o = (p @ v).transpose(0, 2, 1, 3).reshape(b, s, D)
    return o @ wo


def _moe(x2d, rw, w1, w2):
    # x2d: [T, D]; top-k router with softmax gating, renormalized over selected experts
    logits = x2d @ rw
    probs = jax.nn.softmax(logits, axis=-1)
    gv, gi = jax.lax.top_k(probs, K)
    gv = gv / jnp.sum(gv, axis=-1, keepdims=True)
    out = jnp.zeros_like(x2d)
    for e in range(E):
        ge = jnp.sum(jnp.where(gi == e, gv, jnp.float32(0.0)), axis=-1)
        h = jax.nn.relu(x2d @ w1[e]) @ w2[e]
        out = out + ge[:, None] * h
    return out


def _forward(token_ids, emb, wq, wk, wv, wo, ln1, ln2, router_w, w1, w2, ln_f, out_w, out_b):
    b, s = token_ids.shape
    pos = jnp.broadcast_to(jnp.arange(s)[None, :], (b, s))
    x = jnp.take(emb, token_ids, axis=0)
    for l in range(L):
        x = x + _attn(_rmsnorm(x, ln1[l]), wq[l], wk[l], wv[l], wo[l], pos)
        x2 = _rmsnorm(x, ln2[l]).reshape(-1, D)
        x = x + _moe(x2, router_w[l], w1[l], w2[l]).reshape(x.shape)
    x = _rmsnorm(x, ln_f)
    return x @ out_w + out_b


def reference(token_ids, emb, wq, wk, wv, wo, ln1, ln2, router_w, w1, w2, ln_f, out_w, out_b):
    return _forward(token_ids, emb, wq, wk, wv, wo, ln1, ln2, router_w, w1, w2, ln_f, out_w, out_b)

if __name__ == "__main__":
    import jax
    _d = setup_inputs()
    print(jax.jit(kernel)(*tuple(_d.values())))

</pallas_src>

<mosaic_0001>
#map = affine_map<(d0, d1) -> (0, 0)>
#map1 = affine_map<(d0, d1) -> (0)>
module attributes {stable_mosaic.version = 14 : i64} {
  func.func @k(%arg0: i32, %arg1: i32, %arg2: memref<2048x768xf32, #tpu.memory_space<hbm>>, %arg3: memref<2048xi32, #tpu.memory_space<hbm>>, %arg4: memref<3072x768xf32, #tpu.memory_space<hbm>>, %arg5: memref<64xi32, #tpu.memory_space<vmem>>, %arg6: memref<64x768xf32, #tpu.memory_space<vmem>>, %arg7: memref<!tpu.dma_semaphore, #tpu.memory_space<semaphore_mem>>) attributes {dimension_semantics = [#tpu.dimension_semantics<core_parallel>, #tpu.dimension_semantics<subcore_parallel>], iteration_bounds = array<i64: 2, 16>, scalar_prefetch = 0 : i64, scratch_operands = 3 : i64, tpu.core_type = #tpu.core_type<sc_vector_subcore>, window_params = [{transform_indices = #map}, {transform_indices = #map1}, {transform_indices = #map}]} {
    %mul3A = arith.constant 2 : i32
    %mul3A_0 = arith.muli %arg1, %mul3A : i32
    %add3A = arith.addi %mul3A_0, %arg0 : i32
    %mul3A_1 = arith.constant 64 : i32
    %mul3A_2 = arith.muli %add3A, %mul3A_1 : i32
    "tpu.region"() ({
      %run_scoped3A = tpu.sem_alloc : memref<!tpu.dma_semaphore, #tpu.memory_space<semaphore_mem>>
      %dma_start3A_7 = tpu.memref_slice %arg3[%mul3A_2] : memref<2048xi32, #tpu.memory_space<hbm>> -> memref<64xi32, #tpu.memory_space<hbm>>
      %dma_start3A_8 = tpu.memref_slice %arg3[%mul3A_2] : memref<2048xi32, #tpu.memory_space<hbm>> -> memref<64xi32, #tpu.memory_space<hbm>>
      tpu.enqueue_dma source(%dma_start3A_8 : memref<64xi32, #tpu.memory_space<hbm>>) target(%arg5 : memref<64xi32, #tpu.memory_space<vmem>>) target_semaphore(%run_scoped3A : memref<!tpu.dma_semaphore, #tpu.memory_space<semaphore_mem>>)
      %dma_wait3A_9 = tpu.memref_slice %arg3[%mul3A_2] : memref<2048xi32, #tpu.memory_space<hbm>> -> memref<64xi32, #tpu.memory_space<hbm>>
      %dma_wait3A_10 = tpu.memref_slice %arg3[%mul3A_2] : memref<2048xi32, #tpu.memory_space<hbm>> -> memref<64xi32, #tpu.memory_space<hbm>>
      tpu.wait_dma2 semaphore(%run_scoped3A : memref<!tpu.dma_semaphore, #tpu.memory_space<semaphore_mem>>) src(%dma_wait3A_10 : memref<64xi32, #tpu.memory_space<hbm>>) dst(%arg5 : memref<64xi32, #tpu.memory_space<vmem>>)
      tpu.yield
    }) : () -> ()
    "tpu.region"() ({
      %run_scoped3A = tpu.sem_alloc : memref<!tpu.dma_semaphore, #tpu.memory_space<semaphore_mem>>
      %dma_start3A_7 = arith.constant 0 : i32
      %dma_start3A_8 = tpu.memref_slice %arg2[%mul3A_2, %dma_start3A_7] : memref<2048x768xf32, #tpu.memory_space<hbm>> -> memref<64x768xf32, #tpu.memory_space<hbm>>
      %dma_start3A_9 = arith.constant 0 : i32
      %dma_start3A_10 = tpu.memref_slice %arg2[%mul3A_2, %dma_start3A_9] : memref<2048x768xf32, #tpu.memory_space<hbm>> -> memref<64x768xf32, #tpu.memory_space<hbm>>
      tpu.enqueue_dma source(%dma_start3A_10 : memref<64x768xf32, #tpu.memory_space<hbm>>) target(%arg6 : memref<64x768xf32, #tpu.memory_space<vmem>>) target_semaphore(%run_scoped3A : memref<!tpu.dma_semaphore, #tpu.memory_space<semaphore_mem>>)
      %dma_wait3A_11 = arith.constant 0 : i32
      %dma_wait3A_12 = tpu.memref_slice %arg2[%mul3A_2, %dma_wait3A_11] : memref<2048x768xf32, #tpu.memory_space<hbm>> -> memref<64x768xf32, #tpu.memory_space<hbm>>
      %dma_wait3A_13 = arith.constant 0 : i32
      %dma_wait3A_14 = tpu.memref_slice %arg2[%mul3A_2, %dma_wait3A_13] : memref<2048x768xf32, #tpu.memory_space<hbm>> -> memref<64x768xf32, #tpu.memory_space<hbm>>
      tpu.wait_dma2 semaphore(%run_scoped3A : memref<!tpu.dma_semaphore, #tpu.memory_space<semaphore_mem>>) src(%dma_wait3A_14 : memref<64x768xf32, #tpu.memory_space<hbm>>) dst(%arg6 : memref<64x768xf32, #tpu.memory_space<vmem>>)
      tpu.yield
    }) : () -> ()
    %dma_start3A = arith.constant 0 : i32
    %dma_start3A_3 = arith.constant 0 : i32
    %dma_start3A_4 = tpu.memref_slice %arg4[%dma_start3A, %dma_start3A_3] : memref<3072x768xf32, #tpu.memory_space<hbm>> -> memref<3072x768xf32, #tpu.memory_space<hbm>>
    tpu.enqueue_indirect_dma source(%arg6 : memref<64x768xf32, #tpu.memory_space<vmem>>) target(%dma_start3A_4 : memref<3072x768xf32, #tpu.memory_space<hbm>>) offsets(%arg5 : memref<64xi32, #tpu.memory_space<vmem>>) semaphore(%arg7 : memref<!tpu.dma_semaphore, #tpu.memory_space<semaphore_mem>>)
    %dma_wait3A = arith.constant 0 : i32
    %dma_wait3A_5 = arith.constant 0 : i32
    %dma_wait3A_6 = tpu.memref_slice %arg4[%dma_wait3A, %dma_wait3A_5] : memref<3072x768xf32, #tpu.memory_space<hbm>> -> memref<3072x768xf32, #tpu.memory_space<hbm>>
    tpu.wait_indirect_dma semaphore(%arg7 : memref<!tpu.dma_semaphore, #tpu.memory_space<semaphore_mem>>) src(%arg6 : memref<64x768xf32, #tpu.memory_space<vmem>>) dst(%dma_wait3A_6 : memref<3072x768xf32, #tpu.memory_space<hbm>>)
    return
  }
}

#map = affine_map<(d0, d1) -> (0, 0)>
#map1 = affine_map<(d0, d1) -> (0)>
module attributes {stable_mosaic.version = 14 : i64} {
  func.func @k(%arg0: i32, %arg1: i32, %arg2: memref<2048x768xf32, #tpu.memory_space<hbm>>, %arg3: memref<2048xi32, #tpu.memory_space<hbm>>, %arg4: memref<3072x768xf32, #tpu.memory_space<hbm>>, %arg5: memref<64xi32, #tpu.memory_space<vmem>>, %arg6: memref<64x768xf32, #tpu.memory_space<vmem>>, %arg7: memref<!tpu.dma_semaphore, #tpu.memory_space<semaphore_mem>>) attributes {dimension_semantics = [#tpu.dimension_semantics<core_parallel>, #tpu.dimension_semantics<subcore_parallel>], iteration_bounds = array<i64: 2, 16>, scalar_prefetch = 0 : i64, scratch_operands = 3 : i64, tpu.core_type = #tpu.core_type<sc_vector_subcore>, window_params = [{transform_indices = #map}, {transform_indices = #map1}, {transform_indices = #map}]} {
    %mul3A = arith.constant 2 : i32
    %mul3A_0 = arith.muli %arg1, %mul3A : i32
    %add3A = arith.addi %mul3A_0, %arg0 : i32
    %mul3A_1 = arith.constant 64 : i32
    %mul3A_2 = arith.muli %add3A, %mul3A_1 : i32
    "tpu.region"() ({
      %run_scoped3A = tpu.sem_alloc : memref<!tpu.dma_semaphore, #tpu.memory_space<semaphore_mem>>
      %dma_start3A_7 = tpu.memref_slice %arg3[%mul3A_2] : memref<2048xi32, #tpu.memory_space<hbm>> -> memref<64xi32, #tpu.memory_space<hbm>>
      %dma_start3A_8 = tpu.memref_slice %arg3[%mul3A_2] : memref<2048xi32, #tpu.memory_space<hbm>> -> memref<64xi32, #tpu.memory_space<hbm>>
      tpu.enqueue_dma source(%dma_start3A_8 : memref<64xi32, #tpu.memory_space<hbm>>) target(%arg5 : memref<64xi32, #tpu.memory_space<vmem>>) target_semaphore(%run_scoped3A : memref<!tpu.dma_semaphore, #tpu.memory_space<semaphore_mem>>)
      %dma_wait3A_9 = tpu.memref_slice %arg3[%mul3A_2] : memref<2048xi32, #tpu.memory_space<hbm>> -> memref<64xi32, #tpu.memory_space<hbm>>
      %dma_wait3A_10 = tpu.memref_slice %arg3[%mul3A_2] : memref<2048xi32, #tpu.memory_space<hbm>> -> memref<64xi32, #tpu.memory_space<hbm>>
      tpu.wait_dma2 semaphore(%run_scoped3A : memref<!tpu.dma_semaphore, #tpu.memory_space<semaphore_mem>>) src(%dma_wait3A_10 : memref<64xi32, #tpu.memory_space<hbm>>) dst(%arg5 : memref<64xi32, #tpu.memory_space<vmem>>)
      tpu.yield
    }) : () -> ()
    "tpu.region"() ({
      %run_scoped3A = tpu.sem_alloc : memref<!tpu.dma_semaphore, #tpu.memory_space<semaphore_mem>>
      %dma_start3A_7 = arith.constant 0 : i32
      %dma_start3A_8 = tpu.memref_slice %arg2[%mul3A_2, %dma_start3A_7] : memref<2048x768xf32, #tpu.memory_space<hbm>> -> memref<64x768xf32, #tpu.memory_space<hbm>>
      %dma_start3A_9 = arith.constant 0 : i32
      %dma_start3A_10 = tpu.memref_slice %arg2[%mul3A_2, %dma_start3A_9] : memref<2048x768xf32, #tpu.memory_space<hbm>> -> memref<64x768xf32, #tpu.memory_space<hbm>>
      tpu.enqueue_dma source(%dma_start3A_10 : memref<64x768xf32, #tpu.memory_space<hbm>>) target(%arg6 : memref<64x768xf32, #tpu.memory_space<vmem>>) target_semaphore(%run_scoped3A : memref<!tpu.dma_semaphore, #tpu.memory_space<semaphore_mem>>)
      %dma_wait3A_11 = arith.constant 0 : i32
      %dma_wait3A_12 = tpu.memref_slice %arg2[%mul3A_2, %dma_wait3A_11] : memref<2048x768xf32, #tpu.memory_space<hbm>> -> memref<64x768xf32, #tpu.memory_space<hbm>>
      %dma_wait3A_13 = arith.constant 0 : i32
      %dma_wait3A_14 = tpu.memref_slice %arg2[%mul3A_2, %dma_wait3A_13] : memref<2048x768xf32, #tpu.memory_space<hbm>> -> memref<64x768xf32, #tpu.memory_space<hbm>>
      tpu.wait_dma2 semaphore(%run_scoped3A : memref<!tpu.dma_semaphore, #tpu.memory_space<semaphore_mem>>) src(%dma_wait3A_14 : memref<64x768xf32, #tpu.memory_space<hbm>>) dst(%arg6 : memref<64x768xf32, #tpu.memory_space<vmem>>)
      tpu.yield
    }) : () -> ()
    %dma_start3A = arith.constant 0 : i32
    %dma_start3A_3 = arith.constant 0 : i32
    %dma_start3A_4 = tpu.memref_slice %arg4[%dma_start3A, %dma_start3A_3] : memref<3072x768xf32, #tpu.memory_space<hbm>> -> memref<3072x768xf32, #tpu.memory_space<hbm>>
    tpu.enqueue_indirect_dma source(%arg6 : memref<64x768xf32, #tpu.memory_space<vmem>>) target(%dma_start3A_4 : memref<3072x768xf32, #tpu.memory_space<hbm>>) offsets(%arg5 : memref<64xi32, #tpu.memory_space<vmem>>) semaphore(%arg7 : memref<!tpu.dma_semaphore, #tpu.memory_space<semaphore_mem>>)
    %dma_wait3A = arith.constant 0 : i32
    %dma_wait3A_5 = arith.constant 0 : i32
    %dma_wait3A_6 = tpu.memref_slice %arg4[%dma_wait3A, %dma_wait3A_5] : memref<3072x768xf32, #tpu.memory_space<hbm>> -> memref<3072x768xf32, #tpu.memory_space<hbm>>
    tpu.wait_indirect_dma semaphore(%arg7 : memref<!tpu.dma_semaphore, #tpu.memory_space<semaphore_mem>>) src(%arg6 : memref<64x768xf32, #tpu.memory_space<vmem>>) dst(%dma_wait3A_6 : memref<3072x768xf32, #tpu.memory_space<hbm>>)
    return
  }
}

#map = affine_map<(d0, d1) -> (0, 0)>
#map1 = affine_map<(d0, d1) -> (0)>
module attributes {stable_mosaic.version = 14 : i64} {
  func.func @k(%arg0: i32, %arg1: i32, %arg2: memref<3072x768xf32, #tpu.memory_space<hbm>>, %arg3: memref<2048xi32, #tpu.memory_space<hbm>>, %arg4: memref<2048x768xf32, #tpu.memory_space<hbm>>, %arg5: memref<64xi32, #tpu.memory_space<vmem>>, %arg6: memref<64x768xf32, #tpu.memory_space<vmem>>, %arg7: memref<!tpu.dma_semaphore, #tpu.memory_space<semaphore_mem>>) attributes {dimension_semantics = [#tpu.dimension_semantics<core_parallel>, #tpu.dimension_semantics<subcore_parallel>], iteration_bounds = array<i64: 2, 16>, scalar_prefetch = 0 : i64, scratch_operands = 3 : i64, tpu.core_type = #tpu.core_type<sc_vector_subcore>, window_params = [{transform_indices = #map}, {transform_indices = #map1}, {transform_indices = #map}]} {
    %mul3A = arith.constant 2 : i32
    %mul3A_0 = arith.muli %arg1, %mul3A : i32
    %add3A = arith.addi %mul3A_0, %arg0 : i32
    %mul3A_1 = arith.constant 64 : i32
    %mul3A_2 = arith.muli %add3A, %mul3A_1 : i32
    "tpu.region"() ({
      %run_scoped3A = tpu.sem_alloc : memref<!tpu.dma_semaphore, #tpu.memory_space<semaphore_mem>>
      %dma_start3A_7 = tpu.memref_slice %arg3[%mul3A_2] : memref<2048xi32, #tpu.memory_space<hbm>> -> memref<64xi32, #tpu.memory_space<hbm>>
      %dma_start3A_8 = tpu.memref_slice %arg3[%mul3A_2] : memref<2048xi32, #tpu.memory_space<hbm>> -> memref<64xi32, #tpu.memory_space<hbm>>
      tpu.enqueue_dma source(%dma_start3A_8 : memref<64xi32, #tpu.memory_space<hbm>>) target(%arg5 : memref<64xi32, #tpu.memory_space<vmem>>) target_semaphore(%run_scoped3A : memref<!tpu.dma_semaphore, #tpu.memory_space<semaphore_mem>>)
      %dma_wait3A_9 = tpu.memref_slice %arg3[%mul3A_2] : memref<2048xi32, #tpu.memory_space<hbm>> -> memref<64xi32, #tpu.memory_space<hbm>>
      %dma_wait3A_10 = tpu.memref_slice %arg3[%mul3A_2] : memref<2048xi32, #tpu.memory_space<hbm>> -> memref<64xi32, #tpu.memory_space<hbm>>
      tpu.wait_dma2 semaphore(%run_scoped3A : memref<!tpu.dma_semaphore, #tpu.memory_space<semaphore_mem>>) src(%dma_wait3A_10 : memref<64xi32, #tpu.memory_space<hbm>>) dst(%arg5 : memref<64xi32, #tpu.memory_space<vmem>>)
      tpu.yield
    }) : () -> ()
    %dma_start3A = arith.constant 0 : i32
    %dma_start3A_3 = arith.constant 0 : i32
    %dma_start3A_4 = tpu.memref_slice %arg2[%dma_start3A, %dma_start3A_3] : memref<3072x768xf32, #tpu.memory_space<hbm>> -> memref<3072x768xf32, #tpu.memory_space<hbm>>
    tpu.enqueue_indirect_dma source(%dma_start3A_4 : memref<3072x768xf32, #tpu.memory_space<hbm>>) target(%arg6 : memref<64x768xf32, #tpu.memory_space<vmem>>) offsets(%arg5 : memref<64xi32, #tpu.memory_space<vmem>>) semaphore(%arg7 : memref<!tpu.dma_semaphore, #tpu.memory_space<semaphore_mem>>)
    %dma_wait3A = arith.constant 0 : i32
    %dma_wait3A_5 = arith.constant 0 : i32
    %dma_wait3A_6 = tpu.memref_slice %arg2[%dma_wait3A, %dma_wait3A_5] : memref<3072x768xf32, #tpu.memory_space<hbm>> -> memref<3072x768xf32, #tpu.memory_space<hbm>>
    tpu.wait_indirect_dma semaphore(%arg7 : memref<!tpu.dma_semaphore, #tpu.memory_space<semaphore_mem>>) src(%dma_wait3A_6 : memref<3072x768xf32, #tpu.memory_space<hbm>>) dst(%arg6 : memref<64x768xf32, #tpu.memory_space<vmem>>)
    "tpu.region"() ({
      %run_scoped3A = tpu.sem_alloc : memref<!tpu.dma_semaphore, #tpu.memory_space<semaphore_mem>>
      %dma_start3A_7 = arith.constant 0 : i32
      %dma_start3A_8 = tpu.memref_slice %arg4[%mul3A_2, %dma_start3A_7] : memref<2048x768xf32, #tpu.memory_space<hbm>> -> memref<64x768xf32, #tpu.memory_space<hbm>>
      %dma_start3A_9 = arith.constant 0 : i32
      %dma_start3A_10 = tpu.memref_slice %arg4[%mul3A_2, %dma_start3A_9] : memref<2048x768xf32, #tpu.memory_space<hbm>> -> memref<64x768xf32, #tpu.memory_space<hbm>>
      tpu.enqueue_dma source(%arg6 : memref<64x768xf32, #tpu.memory_space<vmem>>) target(%dma_start3A_10 : memref<64x768xf32, #tpu.memory_space<hbm>>) target_semaphore(%run_scoped3A : memref<!tpu.dma_semaphore, #tpu.memory_space<semaphore_mem>>)
      %dma_wait3A_11 = arith.constant 0 : i32
      %dma_wait3A_12 = tpu.memref_slice %arg4[%mul3A_2, %dma_wait3A_11] : memref<2048x768xf32, #tpu.memory_space<hbm>> -> memref<64x768xf32, #tpu.memory_space<hbm>>
      %dma_wait3A_13 = arith.constant 0 : i32
      %dma_wait3A_14 = tpu.memref_slice %arg4[%mul3A_2, %dma_wait3A_13] : memref<2048x768xf32, #tpu.memory_space<hbm>> -> memref<64x768xf32, #tpu.memory_space<hbm>>
      tpu.wait_dma2 semaphore(%run_scoped3A : memref<!tpu.dma_semaphore, #tpu.memory_space<semaphore_mem>>) src(%arg6 : memref<64x768xf32, #tpu.memory_space<vmem>>) dst(%dma_wait3A_14 : memref<64x768xf32, #tpu.memory_space<hbm>>)
      tpu.yield
    }) : () -> ()
    return
  }
}

#map = affine_map<(d0, d1) -> (0, 0)>
#map1 = affine_map<(d0, d1) -> (0)>
module attributes {stable_mosaic.version = 14 : i64} {
  func.func @k(%arg0: i32, %arg1: i32, %arg2: memref<32000x768xf32, #tpu.memory_space<hbm>>, %arg3: memref<2048xi32, #tpu.memory_space<hbm>>, %arg4: memref<2048x768xf32, #tpu.memory_space<hbm>>, %arg5: memref<64xi32, #tpu.memory_space<vmem>>, %arg6: memref<64x768xf32, #tpu.memory_space<vmem>>, %arg7: memref<!tpu.dma_semaphore, #tpu.memory_space<semaphore_mem>>) attributes {dimension_semantics = [#tpu.dimension_semantics<core_parallel>, #tpu.dimension_semantics<subcore_parallel>], iteration_bounds = array<i64: 2, 16>, scalar_prefetch = 0 : i64, scratch_operands = 3 : i64, tpu.core_type = #tpu.core_type<sc_vector_subcore>, window_params = [{transform_indices = #map}, {transform_indices = #map1}, {transform_indices = #map}]} {
    %mul3A = arith.constant 2 : i32
    %mul3A_0 = arith.muli %arg1, %mul3A : i32
    %add3A = arith.addi %mul3A_0, %arg0 : i32
    %mul3A_1 = arith.constant 64 : i32
    %mul3A_2 = arith.muli %add3A, %mul3A_1 : i32
    "tpu.region"() ({
      %run_scoped3A = tpu.sem_alloc : memref<!tpu.dma_semaphore, #tpu.memory_space<semaphore_mem>>
      %dma_start3A_7 = tpu.memref_slice %arg3[%mul3A_2] : memref<2048xi32, #tpu.memory_space<hbm>> -> memref<64xi32, #tpu.memory_space<hbm>>
      %dma_start3A_8 = tpu.memref_slice %arg3[%mul3A_2] : memref<2048xi32, #tpu.memory_space<hbm>> -> memref<64xi32, #tpu.memory_space<hbm>>
      tpu.enqueue_dma source(%dma_start3A_8 : memref<64xi32, #tpu.memory_space<hbm>>) target(%arg5 : memref<64xi32, #tpu.memory_space<vmem>>) target_semaphore(%run_scoped3A : memref<!tpu.dma_semaphore, #tpu.memory_space<semaphore_mem>>)
      %dma_wait3A_9 = tpu.memref_slice %arg3[%mul3A_2] : memref<2048xi32, #tpu.memory_space<hbm>> -> memref<64xi32, #tpu.memory_space<hbm>>
      %dma_wait3A_10 = tpu.memref_slice %arg3[%mul3A_2] : memref<2048xi32, #tpu.memory_space<hbm>> -> memref<64xi32, #tpu.memory_space<hbm>>
      tpu.wait_dma2 semaphore(%run_scoped3A : memref<!tpu.dma_semaphore, #tpu.memory_space<semaphore_mem>>) src(%dma_wait3A_10 : memref<64xi32, #tpu.memory_space<hbm>>) dst(%arg5 : memref<64xi32, #tpu.memory_space<vmem>>)
      tpu.yield
    }) : () -> ()
    %dma_start3A = arith.constant 0 : i32
    %dma_start3A_3 = arith.constant 0 : i32
    %dma_start3A_4 = tpu.memref_slice %arg2[%dma_start3A, %dma_start3A_3] : memref<32000x768xf32, #tpu.memory_space<hbm>> -> memref<32000x768xf32, #tpu.memory_space<hbm>>
    tpu.enqueue_indirect_dma source(%dma_start3A_4 : memref<32000x768xf32, #tpu.memory_space<hbm>>) target(%arg6 : memref<64x768xf32, #tpu.memory_space<vmem>>) offsets(%arg5 : memref<64xi32, #tpu.memory_space<vmem>>) semaphore(%arg7 : memref<!tpu.dma_semaphore, #tpu.memory_space<semaphore_mem>>)
    %dma_wait3A = arith.constant 0 : i32
    %dma_wait3A_5 = arith.constant 0 : i32
    %dma_wait3A_6 = tpu.memref_slice %arg2[%dma_wait3A, %dma_wait3A_5] : memref<32000x768xf32, #tpu.memory_space<hbm>> -> memref<32000x768xf32, #tpu.memory_space<hbm>>
    tpu.wait_indirect_dma semaphore(%arg7 : memref<!tpu.dma_semaphore, #tpu.memory_space<semaphore_mem>>) src(%dma_wait3A_6 : memref<32000x768xf32, #tpu.memory_space<hbm>>) dst(%arg6 : memref<64x768xf32, #tpu.memory_space<vmem>>)
    "tpu.region"() ({
      %run_scoped3A = tpu.sem_alloc : memref<!tpu.dma_semaphore, #tpu.memory_space<semaphore_mem>>
      %dma_start3A_7 = arith.constant 0 : i32
      %dma_start3A_8 = tpu.memref_slice %arg4[%mul3A_2, %dma_start3A_7] : memref<2048x768xf32, #tpu.memory_space<hbm>> -> memref<64x768xf32, #tpu.memory_space<hbm>>
      %dma_start3A_9 = arith.constant 0 : i32
      %dma_start3A_10 = tpu.memref_slice %arg4[%mul3A_2, %dma_start3A_9] : memref<2048x768xf32, #tpu.memory_space<hbm>> -> memref<64x768xf32, #tpu.memory_space<hbm>>
      tpu.enqueue_dma source(%arg6 : memref<64x768xf32, #tpu.memory_space<vmem>>) target(%dma_start3A_10 : memref<64x768xf32, #tpu.memory_space<hbm>>) target_semaphore(%run_scoped3A : memref<!tpu.dma_semaphore, #tpu.memory_space<semaphore_mem>>)
      %dma_wait3A_11 = arith.constant 0 : i32
      %dma_wait3A_12 = tpu.memref_slice %arg4[%mul3A_2, %dma_wait3A_11] : memref<2048x768xf32, #tpu.memory_space<hbm>> -> memref<64x768xf32, #tpu.memory_space<hbm>>
      %dma_wait3A_13 = arith.constant 0 : i32
      %dma_wait3A_14 = tpu.memref_slice %arg4[%mul3A_2, %dma_wait3A_13] : memref<2048x768xf32, #tpu.memory_space<hbm>> -> memref<64x768xf32, #tpu.memory_space<hbm>>
      tpu.wait_dma2 semaphore(%run_scoped3A : memref<!tpu.dma_semaphore, #tpu.memory_space<semaphore_mem>>) src(%arg6 : memref<64x768xf32, #tpu.memory_space<vmem>>) dst(%dma_wait3A_14 : memref<64x768xf32, #tpu.memory_space<hbm>>)
      tpu.yield
    }) : () -> ()
    return
  }
}

#map = affine_map<(d0, d1) -> (0, 0)>
#map1 = affine_map<(d0, d1) -> (0)>
module attributes {stable_mosaic.version = 14 : i64} {
  func.func @k(%arg0: i32, %arg1: i32, %arg2: memref<3072x768xf32, #tpu.memory_space<hbm>>, %arg3: memref<2048xi32, #tpu.memory_space<hbm>>, %arg4: memref<2048x768xf32, #tpu.memory_space<hbm>>, %arg5: memref<64xi32, #tpu.memory_space<vmem>>, %arg6: memref<64x768xf32, #tpu.memory_space<vmem>>, %arg7: memref<!tpu.dma_semaphore, #tpu.memory_space<semaphore_mem>>) attributes {dimension_semantics = [#tpu.dimension_semantics<core_parallel>, #tpu.dimension_semantics<subcore_parallel>], iteration_bounds = array<i64: 2, 16>, scalar_prefetch = 0 : i64, scratch_operands = 3 : i64, tpu.core_type = #tpu.core_type<sc_vector_subcore>, window_params = [{transform_indices = #map}, {transform_indices = #map1}, {transform_indices = #map}]} {
    %mul3A = arith.constant 2 : i32
    %mul3A_0 = arith.muli %arg1, %mul3A : i32
    %add3A = arith.addi %mul3A_0, %arg0 : i32
    %mul3A_1 = arith.constant 64 : i32
    %mul3A_2 = arith.muli %add3A, %mul3A_1 : i32
    "tpu.region"() ({
      %run_scoped3A = tpu.sem_alloc : memref<!tpu.dma_semaphore, #tpu.memory_space<semaphore_mem>>
      %dma_start3A_7 = tpu.memref_slice %arg3[%mul3A_2] : memref<2048xi32, #tpu.memory_space<hbm>> -> memref<64xi32, #tpu.memory_space<hbm>>
      %dma_start3A_8 = tpu.memref_slice %arg3[%mul3A_2] : memref<2048xi32, #tpu.memory_space<hbm>> -> memref<64xi32, #tpu.memory_space<hbm>>
      tpu.enqueue_dma source(%dma_start3A_8 : memref<64xi32, #tpu.memory_space<hbm>>) target(%arg5 : memref<64xi32, #tpu.memory_space<vmem>>) target_semaphore(%run_scoped3A : memref<!tpu.dma_semaphore, #tpu.memory_space<semaphore_mem>>)
      %dma_wait3A_9 = tpu.memref_slice %arg3[%mul3A_2] : memref<2048xi32, #tpu.memory_space<hbm>> -> memref<64xi32, #tpu.memory_space<hbm>>
      %dma_wait3A_10 = tpu.memref_slice %arg3[%mul3A_2] : memref<2048xi32, #tpu.memory_space<hbm>> -> memref<64xi32, #tpu.memory_space<hbm>>
      tpu.wait_dma2 semaphore(%run_scoped3A : memref<!tpu.dma_semaphore, #tpu.memory_space<semaphore_mem>>) src(%dma_wait3A_10 : memref<64xi32, #tpu.memory_space<hbm>>) dst(%arg5 : memref<64xi32, #tpu.memory_space<vmem>>)
      tpu.yield
    }) : () -> ()
    %dma_start3A = arith.constant 0 : i32
    %dma_start3A_3 = arith.constant 0 : i32
    %dma_start3A_4 = tpu.memref_slice %arg2[%dma_start3A, %dma_start3A_3] : memref<3072x768xf32, #tpu.memory_space<hbm>> -> memref<3072x768xf32, #tpu.memory_space<hbm>>
    tpu.enqueue_indirect_dma source(%dma_start3A_4 : memref<3072x768xf32, #tpu.memory_space<hbm>>) target(%arg6 : memref<64x768xf32, #tpu.memory_space<vmem>>) offsets(%arg5 : memref<64xi32, #tpu.memory_space<vmem>>) semaphore(%arg7 : memref<!tpu.dma_semaphore, #tpu.memory_space<semaphore_mem>>)
    %dma_wait3A = arith.constant 0 : i32
    %dma_wait3A_5 = arith.constant 0 : i32
    %dma_wait3A_6 = tpu.memref_slice %arg2[%dma_wait3A, %dma_wait3A_5] : memref<3072x768xf32, #tpu.memory_space<hbm>> -> memref<3072x768xf32, #tpu.memory_space<hbm>>
    tpu.wait_indirect_dma semaphore(%arg7 : memref<!tpu.dma_semaphore, #tpu.memory_space<semaphore_mem>>) src(%dma_wait3A_6 : memref<3072x768xf32, #tpu.memory_space<hbm>>) dst(%arg6 : memref<64x768xf32, #tpu.memory_space<vmem>>)
    "tpu.region"() ({
      %run_scoped3A = tpu.sem_alloc : memref<!tpu.dma_semaphore, #tpu.memory_space<semaphore_mem>>
      %dma_start3A_7 = arith.constant 0 : i32
      %dma_start3A_8 = tpu.memref_slice %arg4[%mul3A_2, %dma_start3A_7] : memref<2048x768xf32, #tpu.memory_space<hbm>> -> memref<64x768xf32, #tpu.memory_space<hbm>>
      %dma_start3A_9 = arith.constant 0 : i32
      %dma_start3A_10 = tpu.memref_slice %arg4[%mul3A_2, %dma_start3A_9] : memref<2048x768xf32, #tpu.memory_space<hbm>> -> memref<64x768xf32, #tpu.memory_space<hbm>>
      tpu.enqueue_dma source(%arg6 : memref<64x768xf32, #tpu.memory_space<vmem>>) target(%dma_start3A_10 : memref<64x768xf32, #tpu.memory_space<hbm>>) target_semaphore(%run_scoped3A : memref<!tpu.dma_semaphore, #tpu.memory_space<semaphore_mem>>)
      %dma_wait3A_11 = arith.constant 0 : i32
      %dma_wait3A_12 = tpu.memref_slice %arg4[%mul3A_2, %dma_wait3A_11] : memref<2048x768xf32, #tpu.memory_space<hbm>> -> memref<64x768xf32, #tpu.memory_space<hbm>>
      %dma_wait3A_13 = arith.constant 0 : i32
      %dma_wait3A_14 = tpu.memref_slice %arg4[%mul3A_2, %dma_wait3A_13] : memref<2048x768xf32, #tpu.memory_space<hbm>> -> memref<64x768xf32, #tpu.memory_space<hbm>>
      tpu.wait_dma2 semaphore(%run_scoped3A : memref<!tpu.dma_semaphore, #tpu.memory_space<semaphore_mem>>) src(%arg6 : memref<64x768xf32, #tpu.memory_space<vmem>>) dst(%dma_wait3A_14 : memref<64x768xf32, #tpu.memory_space<hbm>>)
      tpu.yield
    }) : () -> ()
    return
  }
}

module {
  func.func @main(%arg0: i32, %arg1: i32, %arg2: i32, %arg3: memref<1x1024x1024xf32, #tpu.memory_space<vmem>>, %arg4: memref<1x1024x64xf32, #tpu.memory_space<vmem>>, %arg5: memref<1x1024x64xf32, #tpu.memory_space<vmem>>, %arg6: memref<1x1024x1xf32, #tpu.memory_space<vmem>>, %arg7: memref<1x1024x1xf32, #tpu.memory_space<vmem>>) attributes {dimension_semantics = [#tpu.dimension_semantics<parallel>, #tpu.dimension_semantics<parallel>, #tpu.dimension_semantics<arbitrary>], iteration_bounds = array<i64: 12, 2, 2>, scratch_operands = 2 : i64, window_params = [{transform_indices = @qk_fn, window_bounds = array<i64: 1, 1024, 1024>}, {transform_indices = @v_fn, window_bounds = array<i64: 1, 1024, 64>}, {transform_indices = @oi_fn, window_bounds = array<i64: 1, 1024, 64>}]} {
    %c0 = arith.constant 0 : index
    %c0_i32 = arith.constant 0 : i32
    %0 = arith.cmpi eq, %c0_i32, %arg2 : i32
    scf.if %0 {
      %cst_3 = arith.constant dense<0.000000e+00> : vector<1x1024x64xf32>
      vector.store %cst_3, %arg5[%c0, %c0, %c0] : memref<1x1024x64xf32, #tpu.memory_space<vmem>>, vector<1x1024x64xf32>
      %cst_4 = arith.constant dense<0xFF800000> : vector<1x1024x1xf32>
      vector.store %cst_4, %arg6[%c0, %c0, %c0] : memref<1x1024x1xf32, #tpu.memory_space<vmem>>, vector<1x1024x1xf32>
      %cst_5 = arith.constant dense<0.000000e+00> : vector<1x1024x1xf32>
      vector.store %cst_5, %arg7[%c0, %c0, %c0] : memref<1x1024x1xf32, #tpu.memory_space<vmem>>, vector<1x1024x1xf32>
    }
    %1 = vector.load %arg3[%c0, %c0, %c0] : memref<1x1024x1024xf32, #tpu.memory_space<vmem>>, vector<1x1024x1024xf32>
    %cst = arith.constant dense<0xFF800000> : vector<1x1024xf32>
    %2 = vector.multi_reduction <maximumf>, %1, %cst [2] : vector<1x1024x1024xf32> to vector<1x1024xf32>
    %3 = vector.shape_cast %2 : vector<1x1024xf32> to vector<1x1024x1xf32>
    %4 = vector.load %arg6[%c0, %c0, %c0] : memref<1x1024x1xf32, #tpu.memory_space<vmem>>, vector<1x1024x1xf32>
    %5 = arith.maximumf %4, %3 : vector<1x1024x1xf32>
    %cst_0 = arith.constant dense<0.000000e+00> : vector<1x1024x1xf32>
    %6 = arith.cmpf oeq, %4, %5 : vector<1x1024x1xf32>
    %7 = arith.subf %4, %5 : vector<1x1024x1xf32>
    %8 = arith.select %6, %cst_0, %7 : vector<1x1024x1xi1>, vector<1x1024x1xf32>
    %9 = vector.broadcast %5 : vector<1x1024x1xf32> to vector<1x1024x1024xf32>
    %10 = arith.subf %1, %9 : vector<1x1024x1024xf32>
    %11 = math.exp %10 : vector<1x1024x1024xf32>
    %cst_1 = arith.constant dense<0.000000e+00> : vector<1x1024xf32>
    %12 = vector.multi_reduction <add>, %11, %cst_1 [2] : vector<1x1024x1024xf32> to vector<1x1024xf32>
    %13 = vector.shape_cast %12 : vector<1x1024xf32> to vector<1x1024x1xf32>
    %14 = vector.load %arg7[%c0, %c0, %c0] : memref<1x1024x1xf32, #tpu.memory_space<vmem>>, vector<1x1024x1xf32>
    %15 = math.exp %8 : vector<1x1024x1xf32>
    %16 = arith.mulf %15, %14 : vector<1x1024x1xf32>
    %17 = arith.addf %16, %13 : vector<1x1024x1xf32>
    %18 = vector.load %arg5[%c0, %c0, %c0] : memref<1x1024x64xf32, #tpu.memory_space<vmem>>, vector<1x1024x64xf32>
    %19 = math.exp %8 : vector<1x1024x1xf32>
    %20 = arith.mulf %19, %14 : vector<1x1024x1xf32>
    %21 = vector.broadcast %20 : vector<1x1024x1xf32> to vector<1x1024x64xf32>
    %22 = arith.mulf %21, %18 : vector<1x1024x64xf32>
    %23 = vector.load %arg4[%c0, %c0, %c0] : memref<1x1024x64xf32, #tpu.memory_space<vmem>>, vector<1x1024x64xf32>
    %24 = vector.shape_cast %23 : vector<1x1024x64xf32> to vector<1024x64xf32>
    %25 = vector.shape_cast %11 : vector<1x1024x1024xf32> to vector<1024x1024xf32>
    %26 = vector.shape_cast %22 : vector<1x1024x64xf32> to vector<1024x64xf32>
    %27 = tpu.matmul %25, %24, %26 {dimension_numbers = #tpu.dot_dimension_numbers<[1], [0], [0], [1], [0, 0, 1, 1], [], []>, precision = #tpu.contract_precision<bf16>, transpose_lhs_hint = false} : vector<1024x1024xf32>, vector<1024x64xf32>, vector<1024x64xf32> -> vector<1024x64xf32>
    %28 = vector.shape_cast %27 : vector<1024x64xf32> to vector<1x1024x64xf32>
    %cst_2 = arith.constant dense<1.000000e+00> : vector<1x1024x1xf32>
    %29 = arith.divf %cst_2, %17 : vector<1x1024x1xf32>
    %30 = vector.broadcast %29 : vector<1x1024x1xf32> to vector<1x1024x64xf32>
    %31 = arith.mulf %28, %30 : vector<1x1024x64xf32>
    %32 = vector.shape_cast %31 : vector<1x1024x64xf32> to vector<1x1024x64xf32>
    vector.store %32, %arg5[%c0, %c0, %c0] : memref<1x1024x64xf32, #tpu.memory_space<vmem>>, vector<1x1024x64xf32>
    vector.store %5, %arg6[%c0, %c0, %c0] : memref<1x1024x1xf32, #tpu.memory_space<vmem>>, vector<1x1024x1xf32>
    vector.store %17, %arg7[%c0, %c0, %c0] : memref<1x1024x1xf32, #tpu.memory_space<vmem>>, vector<1x1024x1xf32>
    return
  }
  func.func @qk_fn(%arg0: i32, %arg1: i32, %arg2: i32) -> (i32, i32, i32) {
    return %arg0, %arg1, %arg2 : i32, i32, i32
  }
  func.func @v_fn(%arg0: i32, %arg1: i32, %arg2: i32) -> (i32, i32, i32) {
    %c0_i32 = arith.constant 0 : i32
    return %arg0, %arg2, %c0_i32 : i32, i32, i32
  }
  func.func @oi_fn(%arg0: i32, %arg1: i32, %arg2: i32) -> (i32, i32, i32) {
    %c0_i32 = arith.constant 0 : i32
    return %arg0, %arg1, %c0_i32 : i32, i32, i32
  }
}

module attributes {stable_mosaic.version = 14 : i64} {
  func.func @_plan_body(%arg0: i32, %arg1: memref<2048x128xf32, #tpu.memory_space<vmem>>, %arg2: memref<128x128xi32, #tpu.memory_space<vmem>>, %arg3: memref<1x128xi32, #tpu.memory_space<vmem>>) attributes {dimension_semantics = [#tpu.dimension_semantics<arbitrary>], iteration_bounds = array<i64: 1>, scalar_prefetch = 0 : i64, scratch_operands = 0 : i64, tpu.core_type = #tpu.core_type<tc>, window_params = [{pipeline_mode = #tpu.pipeline_mode<synchronous>, transform_indices = @transform_0, window_bounds = array<i64: 2048, 128>}, {pipeline_mode = #tpu.pipeline_mode<synchronous>, transform_indices = @transform_1, window_bounds = array<i64: 128, 128>}, {pipeline_mode = #tpu.pipeline_mode<synchronous>, transform_indices = @transform_2, window_bounds = array<i64: 1, 128>}]} {
    %iota3A = tpu.iota {dimensions = array<i32: 1>} : vector<128x128xi32>
    %iota3A_0 = tpu.iota {dimensions = array<i32: 0>} : vector<128x128xi32>
    %lt3A = arith.constant 8 : i32
    %lt3A_1 = vector.broadcast %lt3A : i32 to vector<128x128xi32>
    %lt3A_2 = arith.cmpi slt, %iota3A, %lt3A_1 : vector<128x128xi32>
    %gt3A = arith.cmpi sgt, %iota3A_0, %iota3A : vector<128x128xi32>
    %convert_element_type3A = arith.extui %gt3A : vector<128x128xi1> to vector<128x128xi32>
    %convert_element_type3A_3 = arith.sitofp %convert_element_type3A : vector<128x128xi32> to vector<128x128xf32>
    %lt3A_4 = arith.cmpi slt, %iota3A_0, %iota3A : vector<128x128xi32>
    %convert_element_type3A_5 = arith.extui %lt3A_4 : vector<128x128xi1> to vector<128x128xi32>
    %convert_element_type3A_6 = arith.sitofp %convert_element_type3A_5 : vector<128x128xi32> to vector<128x128xf32>
    %eq3A = arith.cmpi eq, %iota3A_0, %iota3A : vector<128x128xi32>
    %convert_element_type3A_7 = arith.extui %eq3A : vector<128x128xi1> to vector<128x128xi32>
    %convert_element_type3A_8 = arith.sitofp %convert_element_type3A_7 : vector<128x128xi32> to vector<128x128xf32>
    %broadcast_in_dim3A = arith.constant 0.000000e+00 : f32
    %broadcast_in_dim3A_9 = vector.broadcast %broadcast_in_dim3A : f32 to vector<1x128xf32>
    %get3A = arith.constant 0 : index
    %get3A_10 = arith.constant 0 : index
    %get3A_11 = vector.load %arg1[%get3A, %get3A_10] : memref<2048x128xf32, #tpu.memory_space<vmem>>, vector<128x128xf32>
    %jit3A = arith.constant -1.000000e+30 : f32
    %broadcast_in_dim3A_12 = vector.broadcast %jit3A : f32 to vector<128x128xf32>
    %select_n3A = arith.select %lt3A_2, %get3A_11, %broadcast_in_dim3A_12 : vector<128x128xi1>, vector<128x128xf32>
    %reduce_max3A = arith.constant dense<0xFF800000> : vector<128xf32>
    %reduce_max3A_13 = vector.multi_reduction <maximumf>, %select_n3A, %reduce_max3A [1] : vector<128x128xf32> to vector<128xf32>
    %broadcast_in_dim3A_14 = vector.shape_cast %reduce_max3A_13 : vector<128xf32> to vector<128x1xf32>
    %eq3A_15 = vector.broadcast %broadcast_in_dim3A_14 : vector<128x1xf32> to vector<128x128xf32>
    %eq3A_16 = arith.cmpf oeq, %select_n3A, %eq3A_15 : vector<128x128xf32>
    %jit3A_17 = arith.constant 1000000000 : i32
    %broadcast_in_dim3A_18 = vector.broadcast %jit3A_17 : i32 to vector<128x128xi32>
    %select_n3A_19 = arith.select %eq3A_16, %iota3A, %broadcast_in_dim3A_18 : vector<128x128xi1>, vector<128x128xi32>
    %reduce_min3A = arith.constant dense<2147483647> : vector<128xi32>
    %reduce_min3A_20 = vector.multi_reduction <minsi>, %select_n3A_19, %reduce_min3A [1] : vector<128x128xi32> to vector<128xi32>
    %broadcast_in_dim3A_21 = vector.shape_cast %reduce_min3A_20 : vector<128xi32> to vector<128x1xi32>
    %eq3A_22 = vector.broadcast %broadcast_in_dim3A_21 : vector<128x1xi32> to vector<128x128xi32>
    %eq3A_23 = arith.cmpi eq, %iota3A, %eq3A_22 : vector<128x128xi32>
    %convert_element_type3A_24 = arith.extui %eq3A_23 : vector<128x128xi1> to vector<128x128xi32>
    %convert_element_type3A_25 = arith.sitofp %convert_element_type3A_24 : vector<128x128xi32> to vector<128x128xf32>
    %dot_general3A = arith.constant dense<0.000000e+00> : vector<128x128xf32>
    %dot_general3A_26 = tpu.matmul %convert_element_type3A_3, %convert_element_type3A_25, %dot_general3A {dimension_numbers = #tpu.dot_dimension_numbers<[1], [0], [0], [1], [0, 0, 1, 1], [], []>, transpose_lhs_hint = false} : vector<128x128xf32>, vector<128x128xf32>, vector<128x128xf32> -> vector<128x128xf32>
    %add3A = vector.broadcast %broadcast_in_dim3A_9 : vector<1x128xf32> to vector<128x128xf32>
    %add3A_27 = arith.addf %dot_general3A_26, %add3A : vector<128x128xf32>
    %mul3A = arith.mulf %add3A_27, %convert_element_type3A_25 : vector<128x128xf32>
    %reduce_sum3A = arith.constant dense<0.000000e+00> : vector<128xf32>
    %reduce_sum3A_28 = vector.multi_reduction <add>, %mul3A, %reduce_sum3A [1] : vector<128x128xf32> to vector<128xf32>
    %broadcast_in_dim3A_29 = vector.shape_cast %reduce_sum3A_28 : vector<128xf32> to vector<128x1xf32>
    %reduce_sum3A_30 = arith.constant dense<0.000000e+00> : vector<128xf32>
    %reduce_sum3A_31 = vector.multi_reduction <add>, %convert_element_type3A_25, %reduce_sum3A_30 [0] : vector<128x128xf32> to vector<128xf32>
    %broadcast_in_dim3A_32 = vector.shape_cast %reduce_sum3A_31 : vector<128xf32> to vector<1x128xf32>
    %add3A_33 = arith.addf %broadcast_in_dim3A_9, %broadcast_in_dim3A_32 : vector<1x128xf32>
    %get3A_34 = arith.constant 128 : index
    %get3A_35 = arith.constant 0 : index
    %get3A_36 = vector.load %arg1[%get3A_34, %get3A_35] : memref<2048x128xf32, #tpu.memory_space<vmem>>, vector<128x128xf32>
    %jit3A_37 = arith.constant -1.000000e+30 : f32
    %broadcast_in_dim3A_38 = vector.broadcast %jit3A_37 : f32 to vector<128x128xf32>
    %select_n3A_39 = arith.select %lt3A_2, %get3A_36, %broadcast_in_dim3A_38 : vector<128x128xi1>, vector<128x128xf32>
    %reduce_max3A_40 = arith.constant dense<0xFF800000> : vector<128xf32>
    %reduce_max3A_41 = vector.multi_reduction <maximumf>, %select_n3A_39, %reduce_max3A_40 [1] : vector<128x128xf32> to vector<128xf32>
    %broadcast_in_dim3A_42 = vector.shape_cast %reduce_max3A_41 : vector<128xf32> to vector<128x1xf32>
    %eq3A_43 = vector.broadcast %broadcast_in_dim3A_42 : vector<128x1xf32> to vector<128x128xf32>
    %eq3A_44 = arith.cmpf oeq, %select_n3A_39, %eq3A_43 : vector<128x128xf32>
    %jit3A_45 = arith.constant 1000000000 : i32
    %broadcast_in_dim3A_46 = vector.broadcast %jit3A_45 : i32 to vector<128x128xi32>
    %select_n3A_47 = arith.select %eq3A_44, %iota3A, %broadcast_in_dim3A_46 : vector<128x128xi1>, vector<128x128xi32>
    %reduce_min3A_48 = arith.constant dense<2147483647> : vector<128xi32>
    %reduce_min3A_49 = vector.multi_reduction <minsi>, %select_n3A_47, %reduce_min3A_48 [1] : vector<128x128xi32> to vector<128xi32>
    %broadcast_in_dim3A_50 = vector.shape_cast %reduce_min3A_49 : vector<128xi32> to vector<128x1xi32>
    %eq3A_51 = vector.broadcast %broadcast_in_dim3A_50 : vector<128x1xi32> to vector<128x128xi32>
    %eq3A_52 = arith.cmpi eq, %iota3A, %eq3A_51 : vector<128x128xi32>
    %convert_element_type3A_53 = arith.extui %eq3A_52 : vector<128x128xi1> to vector<128x128xi32>
    %convert_element_type3A_54 = arith.sitofp %convert_element_type3A_53 : vector<128x128xi32> to vector<128x128xf32>
    %dot_general3A_55 = arith.constant dense<0.000000e+00> : vector<128x128xf32>
    %dot_general3A_56 = tpu.matmul %convert_element_type3A_3, %convert_element_type3A_54, %dot_general3A_55 {dimension_numbers = #tpu.dot_dimension_numbers<[1], [0], [0], [1], [0, 0, 1, 1], [], []>, transpose_lhs_hint = false} : vector<128x128xf32>, vector<128x128xf32>, vector<128x128xf32> -> vector<128x128xf32>
    %add3A_57 = vector.broadcast %add3A_33 : vector<1x128xf32> to vector<128x128xf32>
    %add3A_58 = arith.addf %dot_general3A_56, %add3A_57 : vector<128x128xf32>
    %mul3A_59 = arith.mulf %add3A_58, %convert_element_type3A_54 : vector<128x128xf32>
    %reduce_sum3A_60 = arith.constant dense<0.000000e+00> : vector<128xf32>
    %reduce_sum3A_61 = vector.multi_reduction <add>, %mul3A_59, %reduce_sum3A_60 [1] : vector<128x128xf32> to vector<128xf32>
    %broadcast_in_dim3A_62 = vector.shape_cast %reduce_sum3A_61 : vector<128xf32> to vector<128x1xf32>
    %reduce_sum3A_63 = arith.constant dense<0.000000e+00> : vector<128xf32>
    %reduce_sum3A_64 = vector.multi_reduction <add>, %convert_element_type3A_54, %reduce_sum3A_63 [0] : vector<128x128xf32> to vector<128xf32>
    %broadcast_in_dim3A_65 = vector.shape_cast %reduce_sum3A_64 : vector<128xf32> to vector<1x128xf32>
    %add3A_66 = arith.addf %add3A_33, %broadcast_in_dim3A_65 : vector<1x128xf32>
    %get3A_67 = arith.constant 256 : index
    %get3A_68 = arith.constant 0 : index
    %get3A_69 = vector.load %arg1[%get3A_67, %get3A_68] : memref<2048x128xf32, #tpu.memory_space<vmem>>, vector<128x128xf32>
    %jit3A_70 = arith.constant -1.000000e+30 : f32
    %broadcast_in_dim3A_71 = vector.broadcast %jit3A_70 : f32 to vector<128x128xf32>
    %select_n3A_72 = arith.select %lt3A_2, %get3A_69, %broadcast_in_dim3A_71 : vector<128x128xi1>, vector<128x128xf32>
    %reduce_max3A_73 = arith.constant dense<0xFF800000> : vector<128xf32>
    %reduce_max3A_74 = vector.multi_reduction <maximumf>, %select_n3A_72, %reduce_max3A_73 [1] : vector<128x128xf32> to vector<128xf32>
    %broadcast_in_dim3A_75 = vector.shape_cast %reduce_max3A_74 : vector<128xf32> to vector<128x1xf32>
    %eq3A_76 = vector.broadcast %broadcast_in_dim3A_75 : vector<128x1xf32> to vector<128x128xf32>
    %eq3A_77 = arith.cmpf oeq, %select_n3A_72, %eq3A_76 : vector<128x128xf32>
    %jit3A_78 = arith.constant 1000000000 : i32
    %broadcast_in_dim3A_79 = vector.broadcast %jit3A_78 : i32 to vector<128x128xi32>
    %select_n3A_80 = arith.select %eq3A_77, %iota3A, %broadcast_in_dim3A_79 : vector<128x128xi1>, vector<128x128xi32>
    %reduce_min3A_81 = arith.constant dense<2147483647> : vector<128xi32>
    %reduce_min3A_82 = vector.multi_reduction <minsi>, %select_n3A_80, %reduce_min3A_81 [1] : vector<128x128xi32> to vector<128xi32>
    %broadcast_in_dim3A_83 = vector.shape_cast %reduce_min3A_82 : vector<128xi32> to vector<128x1xi32>
    %eq3A_84 = vector.broadcast %broadcast_in_dim3A_83 : vector<128x1xi32> to vector<128x128xi32>
    %eq3A_85 = arith.cmpi eq, %iota3A, %eq3A_84 : vector<128x128xi32>
    %convert_element_type3A_86 = arith.extui %eq3A_85 : vector<128x128xi1> to vector<128x128xi32>
    %convert_element_type3A_87 = arith.sitofp %convert_element_type3A_86 : vector<128x128xi32> to vector<128x128xf32>
    %dot_general3A_88 = arith.constant dense<0.000000e+00> : vector<128x128xf32>
    %dot_general3A_89 = tpu.matmul %convert_element_type3A_3, %convert_element_type3A_87, %dot_general3A_88 {dimension_numbers = #tpu.dot_dimension_numbers<[1], [0], [0], [1], [0, 0, 1, 1], [], []>, transpose_lhs_hint = false} : vector<128x128xf32>, vector<128x128xf32>, vector<128x128xf32> -> vector<128x128xf32>
    %add3A_90 = vector.broadcast %add3A_66 : vector<1x128xf32> to vector<128x128xf32>
    %add3A_91 = arith.addf %dot_general3A_89, %add3A_90 : vector<128x128xf32>
    %mul3A_92 = arith.mulf %add3A_91, %convert_element_type3A_87 : vector<128x128xf32>
    %reduce_sum3A_93 = arith.constant dense<0.000000e+00> : vector<128xf32>
    %reduce_sum3A_94 = vector.multi_reduction <add>, %mul3A_92, %reduce_sum3A_93 [1] : vector<128x128xf32> to vector<128xf32>
    %broadcast_in_dim3A_95 = vector.shape_cast %reduce_sum3A_94 : vector<128xf32> to vector<128x1xf32>
    %reduce_sum3A_96 = arith.constant dense<0.000000e+00> : vector<128xf32>
    %reduce_sum3A_97 = vector.multi_reduction <add>, %convert_element_type3A_87, %reduce_sum3A_96 [0] : vector<128x128xf32> to vector<128xf32>
    %broadcast_in_dim3A_98 = vector.shape_cast %reduce_sum3A_97 : vector<128xf32> to vector<1x128xf32>
    %add3A_99 = arith.addf %add3A_66, %broadcast_in_dim3A_98 : vector<1x128xf32>
    %get3A_100 = arith.constant 384 : index
    %get3A_101 = arith.constant 0 : index
    %get3A_102 = vector.load %arg1[%get3A_100, %get3A_101] : memref<2048x128xf32, #tpu.memory_space<vmem>>, vector<128x128xf32>
    %jit3A_103 = arith.constant -1.000000e+30 : f32
    %broadcast_in_dim3A_104 = vector.broadcast %jit3A_103 : f32 to vector<128x128xf32>
    %select_n3A_105 = arith.select %lt3A_2, %get3A_102, %broadcast_in_dim3A_104 : vector<128x128xi1>, vector<128x128xf32>
    %reduce_max3A_106 = arith.constant dense<0xFF800000> : vector<128xf32>
    %reduce_max3A_107 = vector.multi_reduction <maximumf>, %select_n3A_105, %reduce_max3A_106 [1] : vector<128x128xf32> to vector<128xf32>
    %broadcast_in_dim3A_108 = vector.shape_cast %reduce_max3A_107 : vector<128xf32> to vector<128x1xf32>
    %eq3A_109 = vector.broadcast %broadcast_in_dim3A_108 : vector<128x1xf32> to vector<128x128xf32>
    %eq3A_110 = arith.cmpf oeq, %select_n3A_105, %eq3A_109 : vector<128x128xf32>
    %jit3A_111 = arith.constant 1000000000 : i32
    %broadcast_in_dim3A_112 = vector.broadcast %jit3A_111 : i32 to vector<128x128xi32>
    %select_n3A_113 = arith.select %eq3A_110, %iota3A, %broadcast_in_dim3A_112 : vector<128x128xi1>, vector<128x128xi32>
    %reduce_min3A_114 = arith.constant dense<2147483647> : vector<128xi32>
    %reduce_min3A_115 = vector.multi_reduction <minsi>, %select_n3A_113, %reduce_min3A_114 [1] : vector<128x128xi32> to vector<128xi32>
    %broadcast_in_dim3A_116 = vector.shape_cast %reduce_min3A_115 : vector<128xi32> to vector<128x1xi32>
    %eq3A_117 = vector.broadcast %broadcast_in_dim3A_116 : vector<128x1xi32> to vector<128x128xi32>
    %eq3A_118 = arith.cmpi eq, %iota3A, %eq3A_117 : vector<128x128xi32>
    %convert_element_type3A_119 = arith.extui %eq3A_118 : vector<128x128xi1> to vector<128x128xi32>
    %convert_element_type3A_120 = arith.sitofp %convert_element_type3A_119 : vector<128x128xi32> to vector<128x128xf32>
    %dot_general3A_121 = arith.constant dense<0.000000e+00> : vector<128x128xf32>
    %dot_general3A_122 = tpu.matmul %convert_element_type3A_3, %convert_element_type3A_120, %dot_general3A_121 {dimension_numbers = #tpu.dot_dimension_numbers<[1], [0], [0], [1], [0, 0, 1, 1], [], []>, transpose_lhs_hint = false} : vector<128x128xf32>, vector<128x128xf32>, vector<128x128xf32> -> vector<128x128xf32>
    %add3A_123 = vector.broadcast %add3A_99 : vector<1x128xf32> to vector<128x128xf32>
    %add3A_124 = arith.addf %dot_general3A_122, %add3A_123 : vector<128x128xf32>
    %mul3A_125 = arith.mulf %add3A_124, %convert_element_type3A_120 : vector<128x128xf32>
    %reduce_sum3A_126 = arith.constant dense<0.000000e+00> : vector<128xf32>
    %reduce_sum3A_127 = vector.multi_reduction <add>, %mul3A_125, %reduce_sum3A_126 [1] : vector<128x128xf32> to vector<128xf32>
    %broadcast_in_dim3A_128 = vector.shape_cast %reduce_sum3A_127 : vector<128xf32> to vector<128x1xf32>
    %reduce_sum3A_129 = arith.constant dense<0.000000e+00> : vector<128xf32>
    %reduce_sum3A_130 = vector.multi_reduction <add>, %convert_element_type3A_120, %reduce_sum3A_129 [0] : vector<128x128xf32> to vector<128xf32>
    %broadcast_in_dim3A_131 = vector.shape_cast %reduce_sum3A_130 : vector<128xf32> to vector<1x128xf32>
    %add3A_132 = arith.addf %add3A_99, %broadcast_in_dim3A_131 : vector<1x128xf32>
    %get3A_133 = arith.constant 512 : index
    %get3A_134 = arith.constant 0 : index
    %get3A_135 = vector.load %arg1[%get3A_133, %get3A_134] : memref<2048x128xf32, #tpu.memory_space<vmem>>, vector<128x128xf32>
    %jit3A_136 = arith.constant -1.000000e+30 : f32
    %broadcast_in_dim3A_137 = vector.broadcast %jit3A_136 : f32 to vector<128x128xf32>
    %select_n3A_138 = arith.select %lt3A_2, %get3A_135, %broadcast_in_dim3A_137 : vector<128x128xi1>, vector<128x128xf32>
    %reduce_max3A_139 = arith.constant dense<0xFF800000> : vector<128xf32>
    %reduce_max3A_140 = vector.multi_reduction <maximumf>, %select_n3A_138, %reduce_max3A_139 [1] : vector<128x128xf32> to vector<128xf32>
    %broadcast_in_dim3A_141 = vector.shape_cast %reduce_max3A_140 : vector<128xf32> to vector<128x1xf32>
    %eq3A_142 = vector.broadcast %broadcast_in_dim3A_141 : vector<128x1xf32> to vector<128x128xf32>
    %eq3A_143 = arith.cmpf oeq, %select_n3A_138, %eq3A_142 : vector<128x128xf32>
    %jit3A_144 = arith.constant 1000000000 : i32
    %broadcast_in_dim3A_145 = vector.broadcast %jit3A_144 : i32 to vector<128x128xi32>
    %select_n3A_146 = arith.select %eq3A_143, %iota3A, %broadcast_in_dim3A_145 : vector<128x128xi1>, vector<128x128xi32>
    %reduce_min3A_147 = arith.constant dense<2147483647> : vector<128xi32>
    %reduce_min3A_148 = vector.multi_reduction <minsi>, %select_n3A_146, %reduce_min3A_147 [1] : vector<128x128xi32> to vector<128xi32>
    %broadcast_in_dim3A_149 = vector.shape_cast %reduce_min3A_148 : vector<128xi32> to vector<128x1xi32>
    %eq3A_150 = vector.broadcast %broadcast_in_dim3A_149 : vector<128x1xi32> to vector<128x128xi32>
    %eq3A_151 = arith.cmpi eq, %iota3A, %eq3A_150 : vector<128x128xi32>
    %convert_element_type3A_152 = arith.extui %eq3A_151 : vector<128x128xi1> to vector<128x128xi32>
    %convert_element_type3A_153 = arith.sitofp %convert_element_type3A_152 : vector<128x128xi32> to vector<128x128xf32>
    %dot_general3A_154 = arith.constant dense<0.000000e+00> : vector<128x128xf32>
    %dot_general3A_155 = tpu.matmul %convert_element_type3A_3, %convert_element_type3A_153, %dot_general3A_154 {dimension_numbers = #tpu.dot_dimension_numbers<[1], [0], [0], [1], [0, 0, 1, 1], [], []>, transpose_lhs_hint = false} : vector<128x128xf32>, vector<128x128xf32>, vector<128x128xf32> -> vector<128x128xf32>
    %add3A_156 = vector.broadcast %add3A_132 : vector<1x128xf32> to vector<128x128xf32>
    %add3A_157 = arith.addf %dot_general3A_155, %add3A_156 : vector<128x128xf32>
    %mul3A_158 = arith.mulf %add3A_157, %convert_element_type3A_153 : vector<128x128xf32>
    %reduce_sum3A_159 = arith.constant dense<0.000000e+00> : vector<128xf32>
    %reduce_sum3A_160 = vector.multi_reduction <add>, %mul3A_158, %reduce_sum3A_159 [1] : vector<128x128xf32> to vector<128xf32>
    %broadcast_in_dim3A_161 = vector.shape_cast %reduce_sum3A_160 : vector<128xf32> to vector<128x1xf32>
    %reduce_sum3A_162 = arith.constant dense<0.000000e+00> : vector<128xf32>
    %reduce_sum3A_163 = vector.multi_reduction <add>, %convert_element_type3A_153, %reduce_sum3A_162 [0] : vector<128x128xf32> to vector<128xf32>
    %broadcast_in_dim3A_164 = vector.shape_cast %reduce_sum3A_163 : vector<128xf32> to vector<1x128xf32>
    %add3A_165 = arith.addf %add3A_132, %broadcast_in_dim3A_164 : vector<1x128xf32>
    %get3A_166 = arith.constant 640 : index
    %get3A_167 = arith.constant 0 : index
    %get3A_168 = vector.load %arg1[%get3A_166, %get3A_167] : memref<2048x128xf32, #tpu.memory_space<vmem>>, vector<128x128xf32>
    %jit3A_169 = arith.constant -1.000000e+30 : f32
    %broadcast_in_dim3A_170 = vector.broadcast %jit3A_169 : f32 to vector<128x128xf32>
    %select_n3A_171 = arith.select %lt3A_2, %get3A_168, %broadcast_in_dim3A_170 : vector<128x128xi1>, vector<128x128xf32>
    %reduce_max3A_172 = arith.constant dense<0xFF800000> : vector<128xf32>
    %reduce_max3A_173 = vector.multi_reduction <maximumf>, %select_n3A_171, %reduce_max3A_172 [1] : vector<128x128xf32> to vector<128xf32>
    %broadcast_in_dim3A_174 = vector.shape_cast %reduce_max3A_173 : vector<128xf32> to vector<128x1xf32>
    %eq3A_175 = vector.broadcast %broadcast_in_dim3A_174 : vector<128x1xf32> to vector<128x128xf32>
    %eq3A_176 = arith.cmpf oeq, %select_n3A_171, %eq3A_175 : vector<128x128xf32>
    %jit3A_177 = arith.constant 1000000000 : i32
    %broadcast_in_dim3A_178 = vector.broadcast %jit3A_177 : i32 to vector<128x128xi32>
    %select_n3A_179 = arith.select %eq3A_176, %iota3A, %broadcast_in_dim3A_178 : vector<128x128xi1>, vector<128x128xi32>
    %reduce_min3A_180 = arith.constant dense<2147483647> : vector<128xi32>
    %reduce_min3A_181 = vector.multi_reduction <minsi>, %select_n3A_179, %reduce_min3A_180 [1] : vector<128x128xi32> to vector<128xi32>
    %broadcast_in_dim3A_182 = vector.shape_cast %reduce_min3A_181 : vector<128xi32> to vector<128x1xi32>
    %eq3A_183 = vector.broadcast %broadcast_in_dim3A_182 : vector<128x1xi32> to vector<128x128xi32>
    %eq3A_184 = arith.cmpi eq, %iota3A, %eq3A_183 : vector<128x128xi32>
    %convert_element_type3A_185 = arith.extui %eq3A_184 : vector<128x128xi1> to vector<128x128xi32>
    %convert_element_type3A_186 = arith.sitofp %convert_element_type3A_185 : vector<128x128xi32> to vector<128x128xf32>
    %dot_general3A_187 = arith.constant dense<0.000000e+00> : vector<128x128xf32>
    %dot_general3A_188 = tpu.matmul %convert_element_type3A_3, %convert_element_type3A_186, %dot_general3A_187 {dimension_numbers = #tpu.dot_dimension_numbers<[1], [0], [0], [1], [0, 0, 1, 1], [], []>, transpose_lhs_hint = false} : vector<128x128xf32>, vector<128x128xf32>, vector<128x128xf32> -> vector<128x128xf32>
    %add3A_189 = vector.broadcast %add3A_165 : vector<1x128xf32> to vector<128x128xf32>
    %add3A_190 = arith.addf %dot_general3A_188, %add3A_189 : vector<128x128xf32>
    %mul3A_191 = arith.mulf %add3A_190, %convert_element_type3A_186 : vector<128x128xf32>
    %reduce_sum3A_192 = arith.constant dense<0.000000e+00> : vector<128xf32>
    %reduce_sum3A_193 = vector.multi_reduction <add>, %mul3A_191, %reduce_sum3A_192 [1] : vector<128x128xf32> to vector<128xf32>
    %broadcast_in_dim3A_194 = vector.shape_cast %reduce_sum3A_193 : vector<128xf32> to vector<128x1xf32>
    %reduce_sum3A_195 = arith.constant dense<0.000000e+00> : vector<128xf32>
    %reduce_sum3A_196 = vector.multi_reduction <add>, %convert_element_type3A_186, %reduce_sum3A_195 [0] : vector<128x128xf32> to vector<128xf32>
    %broadcast_in_dim3A_197 = vector.shape_cast %reduce_sum3A_196 : vector<128xf32> to vector<1x128xf32>
    %add3A_198 = arith.addf %add3A_165, %broadcast_in_dim3A_197 : vector<1x128xf32>
    %get3A_199 = arith.constant 768 : index
    %get3A_200 = arith.constant 0 : index
    %get3A_201 = vector.load %arg1[%get3A_199, %get3A_200] : memref<2048x128xf32, #tpu.memory_space<vmem>>, vector<128x128xf32>
    %jit3A_202 = arith.constant -1.000000e+30 : f32
    %broadcast_in_dim3A_203 = vector.broadcast %jit3A_202 : f32 to vector<128x128xf32>
    %select_n3A_204 = arith.select %lt3A_2, %get3A_201, %broadcast_in_dim3A_203 : vector<128x128xi1>, vector<128x128xf32>
    %reduce_max3A_205 = arith.constant dense<0xFF800000> : vector<128xf32>
    %reduce_max3A_206 = vector.multi_reduction <maximumf>, %select_n3A_204, %reduce_max3A_205 [1] : vector<128x128xf32> to vector<128xf32>
    %broadcast_in_dim3A_207 = vector.shape_cast %reduce_max3A_206 : vector<128xf32> to vector<128x1xf32>
    %eq3A_208 = vector.broadcast %broadcast_in_dim3A_207 : vector<128x1xf32> to vector<128x128xf32>
    %eq3A_209 = arith.cmpf oeq, %select_n3A_204, %eq3A_208 : vector<128x128xf32>
    %jit3A_210 = arith.constant 1000000000 : i32
    %broadcast_in_dim3A_211 = vector.broadcast %jit3A_210 : i32 to vector<128x128xi32>
    %select_n3A_212 = arith.select %eq3A_209, %iota3A, %broadcast_in_dim3A_211 : vector<128x128xi1>, vector<128x128xi32>
    %reduce_min3A_213 = arith.constant dense<2147483647> : vector<128xi32>
    %reduce_min3A_214 = vector.multi_reduction <minsi>, %select_n3A_212, %reduce_min3A_213 [1] : vector<128x128xi32> to vector<128xi32>
    %broadcast_in_dim3A_215 = vector.shape_cast %reduce_min3A_214 : vector<128xi32> to vector<128x1xi32>
    %eq3A_216 = vector.broadcast %broadcast_in_dim3A_215 : vector<128x1xi32> to vector<128x128xi32>
    %eq3A_217 = arith.cmpi eq, %iota3A, %eq3A_216 : vector<128x128xi32>
    %convert_element_type3A_218 = arith.extui %eq3A_217 : vector<128x128xi1> to vector<128x128xi32>
    %convert_element_type3A_219 = arith.sitofp %convert_element_type3A_218 : vector<128x128xi32> to vector<128x128xf32>
    %dot_general3A_220 = arith.constant dense<0.000000e+00> : vector<128x128xf32>
    %dot_general3A_221 = tpu.matmul %convert_element_type3A_3, %convert_element_type3A_219, %dot_general3A_220 {dimension_numbers = #tpu.dot_dimension_numbers<[1], [0], [0], [1], [0, 0, 1, 1], [], []>, transpose_lhs_hint = false} : vector<128x128xf32>, vector<128x128xf32>, vector<128x128xf32> -> vector<128x128xf32>
    %add3A_222 = vector.broadcast %add3A_198 : vector<1x128xf32> to vector<128x128xf32>
    %add3A_223 = arith.addf %dot_general3A_221, %add3A_222 : vector<128x128xf32>
    %mul3A_224 = arith.mulf %add3A_223, %convert_element_type3A_219 : vector<128x128xf32>
    %reduce_sum3A_225 = arith.constant dense<0.000000e+00> : vector<128xf32>
    %reduce_sum3A_226 = vector.multi_reduction <add>, %mul3A_224, %reduce_sum3A_225 [1] : vector<128x128xf32> to vector<128xf32>
    %broadcast_in_dim3A_227 = vector.shape_cast %reduce_sum3A_226 : vector<128xf32> to vector<128x1xf32>
    %reduce_sum3A_228 = arith.constant dense<0.000000e+00> : vector<128xf32>
    %reduce_sum3A_229 = vector.multi_reduction <add>, %convert_element_type3A_219, %reduce_sum3A_228 [0] : vector<128x128xf32> to vector<128xf32>
    %broadcast_in_dim3A_230 = vector.shape_cast %reduce_sum3A_229 : vector<128xf32> to vector<1x128xf32>
    %add3A_231 = arith.addf %add3A_198, %broadcast_in_dim3A_230 : vector<1x128xf32>
    %get3A_232 = arith.constant 896 : index
    %get3A_233 = arith.constant 0 : index
    %get3A_234 = vector.load %arg1[%get3A_232, %get3A_233] : memref<2048x128xf32, #tpu.memory_space<vmem>>, vector<128x128xf32>
    %jit3A_235 = arith.constant -1.000000e+30 : f32
    %broadcast_in_dim3A_236 = vector.broadcast %jit3A_235 : f32 to vector<128x128xf32>
    %select_n3A_237 = arith.select %lt3A_2, %get3A_234, %broadcast_in_dim3A_236 : vector<128x128xi1>, vector<128x128xf32>
    %reduce_max3A_238 = arith.constant dense<0xFF800000> : vector<128xf32>
    %reduce_max3A_239 = vector.multi_reduction <maximumf>, %select_n3A_237, %reduce_max3A_238 [1] : vector<128x128xf32> to vector<128xf32>
    %broadcast_in_dim3A_240 = vector.shape_cast %reduce_max3A_239 : vector<128xf32> to vector<128x1xf32>
    %eq3A_241 = vector.broadcast %broadcast_in_dim3A_240 : vector<128x1xf32> to vector<128x128xf32>
    %eq3A_242 = arith.cmpf oeq, %select_n3A_237, %eq3A_241 : vector<128x128xf32>
    %jit3A_243 = arith.constant 1000000000 : i32
    %broadcast_in_dim3A_244 = vector.broadcast %jit3A_243 : i32 to vector<128x128xi32>
    %select_n3A_245 = arith.select %eq3A_242, %iota3A, %broadcast_in_dim3A_244 : vector<128x128xi1>, vector<128x128xi32>
    %reduce_min3A_246 = arith.constant dense<2147483647> : vector<128xi32>
    %reduce_min3A_247 = vector.multi_reduction <minsi>, %select_n3A_245, %reduce_min3A_246 [1] : vector<128x128xi32> to vector<128xi32>
    %broadcast_in_dim3A_248 = vector.shape_cast %reduce_min3A_247 : vector<128xi32> to vector<128x1xi32>
    %eq3A_249 = vector.broadcast %broadcast_in_dim3A_248 : vector<128x1xi32> to vector<128x128xi32>
    %eq3A_250 = arith.cmpi eq, %iota3A, %eq3A_249 : vector<128x128xi32>
    %convert_element_type3A_251 = arith.extui %eq3A_250 : vector<128x128xi1> to vector<128x128xi32>
    %convert_element_type3A_252 = arith.sitofp %convert_element_type3A_251 : vector<128x128xi32> to vector<128x128xf32>
    %dot_general3A_253 = arith.constant dense<0.000000e+00> : vector<128x128xf32>
    %dot_general3A_254 = tpu.matmul %convert_element_type3A_3, %convert_element_type3A_252, %dot_general3A_253 {dimension_numbers = #tpu.dot_dimension_numbers<[1], [0], [0], [1], [0, 0, 1, 1], [], []>, transpose_lhs_hint = false} : vector<128x128xf32>, vector<128x128xf32>, vector<128x128xf32> -> vector<128x128xf32>
    %add3A_255 = vector.broadcast %add3A_231 : vector<1x128xf32> to vector<128x128xf32>
    %add3A_256 = arith.addf %dot_general3A_254, %add3A_255 : vector<128x128xf32>
    %mul3A_257 = arith.mulf %add3A_256, %convert_element_type3A_252 : vector<128x128xf32>
    %reduce_sum3A_258 = arith.constant dense<0.000000e+00> : vector<128xf32>
    %reduce_sum3A_259 = vector.multi_reduction <add>, %mul3A_257, %reduce_sum3A_258 [1] : vector<128x128xf32> to vector<128xf32>
    %broadcast_in_dim3A_260 = vector.shape_cast %reduce_sum3A_259 : vector<128xf32> to vector<128x1xf32>
    %reduce_sum3A_261 = arith.constant dense<0.000000e+00> : vector<128xf32>
    %reduce_sum3A_262 = vector.multi_reduction <add>, %convert_element_type3A_252, %reduce_sum3A_261 [0] : vector<128x128xf32> to vector<128xf32>
    %broadcast_in_dim3A_263 = vector.shape_cast %reduce_sum3A_262 : vector<128xf32> to vector<1x128xf32>
    %add3A_264 = arith.addf %add3A_231, %broadcast_in_dim3A_263 : vector<1x128xf32>
    %get3A_265 = arith.constant 1024 : index
    %get3A_266 = arith.constant 0 : index
    %get3A_267 = vector.load %arg1[%get3A_265, %get3A_266] : memref<2048x128xf32, #tpu.memory_space<vmem>>, vector<128x128xf32>
    %jit3A_268 = arith.constant -1.000000e+30 : f32
    %broadcast_in_dim3A_269 = vector.broadcast %jit3A_268 : f32 to vector<128x128xf32>
    %select_n3A_270 = arith.select %lt3A_2, %get3A_267, %broadcast_in_dim3A_269 : vector<128x128xi1>, vector<128x128xf32>
    %reduce_max3A_271 = arith.constant dense<0xFF800000> : vector<128xf32>
    %reduce_max3A_272 = vector.multi_reduction <maximumf>, %select_n3A_270, %reduce_max3A_271 [1] : vector<128x128xf32> to vector<128xf32>
    %broadcast_in_dim3A_273 = vector.shape_cast %reduce_max3A_272 : vector<128xf32> to vector<128x1xf32>
    %eq3A_274 = vector.broadcast %broadcast_in_dim3A_273 : vector<128x1xf32> to vector<128x128xf32>
    %eq3A_275 = arith.cmpf oeq, %select_n3A_270, %eq3A_274 : vector<128x128xf32>
    %jit3A_276 = arith.constant 1000000000 : i32
    %broadcast_in_dim3A_277 = vector.broadcast %jit3A_276 : i32 to vector<128x128xi32>
    %select_n3A_278 = arith.select %eq3A_275, %iota3A, %broadcast_in_dim3A_277 : vector<128x128xi1>, vector<128x128xi32>
    %reduce_min3A_279 = arith.constant dense<2147483647> : vector<128xi32>
    %reduce_min3A_280 = vector.multi_reduction <minsi>, %select_n3A_278, %reduce_min3A_279 [1] : vector<128x128xi32> to vector<128xi32>
    %broadcast_in_dim3A_281 = vector.shape_cast %reduce_min3A_280 : vector<128xi32> to vector<128x1xi32>
    %eq3A_282 = vector.broadcast %broadcast_in_dim3A_281 : vector<128x1xi32> to vector<128x128xi32>
    %eq3A_283 = arith.cmpi eq, %iota3A, %eq3A_282 : vector<128x128xi32>
    %convert_element_type3A_284 = arith.extui %eq3A_283 : vector<128x128xi1> to vector<128x128xi32>
    %convert_element_type3A_285 = arith.sitofp %convert_element_type3A_284 : vector<128x128xi32> to vector<128x128xf32>
    %dot_general3A_286 = arith.constant dense<0.000000e+00> : vector<128x128xf32>
    %dot_general3A_287 = tpu.matmul %convert_element_type3A_3, %convert_element_type3A_285, %dot_general3A_286 {dimension_numbers = #tpu.dot_dimension_numbers<[1], [0], [0], [1], [0, 0, 1, 1], [], []>, transpose_lhs_hint = false} : vector<128x128xf32>, vector<128x128xf32>, vector<128x128xf32> -> vector<128x128xf32>
    %add3A_288 = vector.broadcast %add3A_264 : vector<1x128xf32> to vector<128x128xf32>
    %add3A_289 = arith.addf %dot_general3A_287, %add3A_288 : vector<128x128xf32>
    %mul3A_290 = arith.mulf %add3A_289, %convert_element_type3A_285 : vector<128x128xf32>
    %reduce_sum3A_291 = arith.constant dense<0.000000e+00> : vector<128xf32>
    %reduce_sum3A_292 = vector.multi_reduction <add>, %mul3A_290, %reduce_sum3A_291 [1] : vector<128x128xf32> to vector<128xf32>
    %broadcast_in_dim3A_293 = vector.shape_cast %reduce_sum3A_292 : vector<128xf32> to vector<128x1xf32>
    %reduce_sum3A_294 = arith.constant dense<0.000000e+00> : vector<128xf32>
    %reduce_sum3A_295 = vector.multi_reduction <add>, %convert_element_type3A_285, %reduce_sum3A_294 [0] : vector<128x128xf32> to vector<128xf32>
    %broadcast_in_dim3A_296 = vector.shape_cast %reduce_sum3A_295 : vector<128xf32> to vector<1x128xf32>
    %add3A_297 = arith.addf %add3A_264, %broadcast_in_dim3A_296 : vector<1x128xf32>
    %get3A_298 = arith.constant 1152 : index
    %get3A_299 = arith.constant 0 : index
    %get3A_300 = vector.load %arg1[%get3A_298, %get3A_299] : memref<2048x128xf32, #tpu.memory_space<vmem>>, vector<128x128xf32>
    %jit3A_301 = arith.constant -1.000000e+30 : f32
    %broadcast_in_dim3A_302 = vector.broadcast %jit3A_301 : f32 to vector<128x128xf32>
    %select_n3A_303 = arith.select %lt3A_2, %get3A_300, %broadcast_in_dim3A_302 : vector<128x128xi1>, vector<128x128xf32>
    %reduce_max3A_304 = arith.constant dense<0xFF800000> : vector<128xf32>
    %reduce_max3A_305 = vector.multi_reduction <maximumf>, %select_n3A_303, %reduce_max3A_304 [1] : vector<128x128xf32> to vector<128xf32>
    %broadcast_in_dim3A_306 = vector.shape_cast %reduce_max3A_305 : vector<128xf32> to vector<128x1xf32>
    %eq3A_307 = vector.broadcast %broadcast_in_dim3A_306 : vector<128x1xf32> to vector<128x128xf32>
    %eq3A_308 = arith.cmpf oeq, %select_n3A_303, %eq3A_307 : vector<128x128xf32>
    %jit3A_309 = arith.constant 1000000000 : i32
    %broadcast_in_dim3A_310 = vector.broadcast %jit3A_309 : i32 to vector<128x128xi32>
    %select_n3A_311 = arith.select %eq3A_308, %iota3A, %broadcast_in_dim3A_310 : vector<128x128xi1>, vector<128x128xi32>
    %reduce_min3A_312 = arith.constant dense<2147483647> : vector<128xi32>
    %reduce_min3A_313 = vector.multi_reduction <minsi>, %select_n3A_311, %reduce_min3A_312 [1] : vector<128x128xi32> to vector<128xi32>
    %broadcast_in_dim3A_314 = vector.shape_cast %reduce_min3A_313 : vector<128xi32> to vector<128x1xi32>
    %eq3A_315 = vector.broadcast %broadcast_in_dim3A_314 : vector<128x1xi32> to vector<128x128xi32>
    %eq3A_316 = arith.cmpi eq, %iota3A, %eq3A_315 : vector<128x128xi32>
    %convert_element_type3A_317 = arith.extui %eq3A_316 : vector<128x128xi1> to vector<128x128xi32>
    %convert_element_type3A_318 = arith.sitofp %convert_element_type3A_317 : vector<128x128xi32> to vector<128x128xf32>
    %dot_general3A_319 = arith.constant dense<0.000000e+00> : vector<128x128xf32>
    %dot_general3A_320 = tpu.matmul %convert_element_type3A_3, %convert_element_type3A_318, %dot_general3A_319 {dimension_numbers = #tpu.dot_dimension_numbers<[1], [0], [0], [1], [0, 0, 1, 1], [], []>, transpose_lhs_hint = false} : vector<128x128xf32>, vector<128x128xf32>, vector<128x128xf32> -> vector<128x128xf32>
    %add3A_321 = vector.broadcast %add3A_297 : vector<1x128xf32> to vector<128x128xf32>
    %add3A_322 = arith.addf %dot_general3A_320, %add3A_321 : vector<128x128xf32>
    %mul3A_323 = arith.mulf %add3A_322, %convert_element_type3A_318 : vector<128x128xf32>
    %reduce_sum3A_324 = arith.constant dense<0.000000e+00> : vector<128xf32>
    %reduce_sum3A_325 = vector.multi_reduction <add>, %mul3A_323, %reduce_sum3A_324 [1] : vector<128x128xf32> to vector<128xf32>
    %broadcast_in_dim3A_326 = vector.shape_cast %reduce_sum3A_325 : vector<128xf32> to vector<128x1xf32>
    %reduce_sum3A_327 = arith.constant dense<0.000000e+00> : vector<128xf32>
    %reduce_sum3A_328 = vector.multi_reduction <add>, %convert_element_type3A_318, %reduce_sum3A_327 [0] : vector<128x128xf32> to vector<128xf32>
    %broadcast_in_dim3A_329 = vector.shape_cast %reduce_sum3A_328 : vector<128xf32> to vector<1x128xf32>
    %add3A_330 = arith.addf %add3A_297, %broadcast_in_dim3A_329 : vector<1x128xf32>
    %get3A_331 = arith.constant 1280 : index
    %get3A_332 = arith.constant 0 : index
    %get3A_333 = vector.load %arg1[%get3A_331, %get3A_332] : memref<2048x128xf32, #tpu.memory_space<vmem>>, vector<128x128xf32>
    %jit3A_334 = arith.constant -1.000000e+30 : f32
    %broadcast_in_dim3A_335 = vector.broadcast %jit3A_334 : f32 to vector<128x128xf32>
    %select_n3A_336 = arith.select %lt3A_2, %get3A_333, %broadcast_in_dim3A_335 : vector<128x128xi1>, vector<128x128xf32>
    %reduce_max3A_337 = arith.constant dense<0xFF800000> : vector<128xf32>
    %reduce_max3A_338 = vector.multi_reduction <maximumf>, %select_n3A_336, %reduce_max3A_337 [1] : vector<128x128xf32> to vector<128xf32>
    %broadcast_in_dim3A_339 = vector.shape_cast %reduce_max3A_338 : vector<128xf32> to vector<128x1xf32>
    %eq3A_340 = vector.broadcast %broadcast_in_dim3A_339 : vector<128x1xf32> to vector<128x128xf32>
    %eq3A_341 = arith.cmpf oeq, %select_n3A_336, %eq3A_340 : vector<128x128xf32>
    %jit3A_342 = arith.constant 1000000000 : i32
    %broadcast_in_dim3A_343 = vector.broadcast %jit3A_342 : i32 to vector<128x128xi32>
    %select_n3A_344 = arith.select %eq3A_341, %iota3A, %broadcast_in_dim3A_343 : vector<128x128xi1>, vector<128x128xi32>
    %reduce_min3A_345 = arith.constant dense<2147483647> : vector<128xi32>
    %reduce_min3A_346 = vector.multi_reduction <minsi>, %select_n3A_344, %reduce_min3A_345 [1] : vector<128x128xi32> to vector<128xi32>
    %broadcast_in_dim3A_347 = vector.shape_cast %reduce_min3A_346 : vector<128xi32> to vector<128x1xi32>
    %eq3A_348 = vector.broadcast %broadcast_in_dim3A_347 : vector<128x1xi32> to vector<128x128xi32>
    %eq3A_349 = arith.cmpi eq, %iota3A, %eq3A_348 : vector<128x128xi32>
    %convert_element_type3A_350 = arith.extui %eq3A_349 : vector<128x128xi1> to vector<128x128xi32>
    %convert_element_type3A_351 = arith.sitofp %convert_element_type3A_350 : vector<128x128xi32> to vector<128x128xf32>
    %dot_general3A_352 = arith.constant dense<0.000000e+00> : vector<128x128xf32>
    %dot_general3A_353 = tpu.matmul %convert_element_type3A_3, %convert_element_type3A_351, %dot_general3A_352 {dimension_numbers = #tpu.dot_dimension_numbers<[1], [0], [0], [1], [0, 0, 1, 1], [], []>, transpose_lhs_hint = false} : vector<128x128xf32>, vector<128x128xf32>, vector<128x128xf32> -> vector<128x128xf32>
    %add3A_354 = vector.broadcast %add3A_330 : vector<1x128xf32> to vector<128x128xf32>
    %add3A_355 = arith.addf %dot_general3A_353, %add3A_354 : vector<128x128xf32>
    %mul3A_356 = arith.mulf %add3A_355, %convert_element_type3A_351 : vector<128x128xf32>
    %reduce_sum3A_357 = arith.constant dense<0.000000e+00> : vector<128xf32>
    %reduce_sum3A_358 = vector.multi_reduction <add>, %mul3A_356, %reduce_sum3A_357 [1] : vector<128x128xf32> to vector<128xf32>
    %broadcast_in_dim3A_359 = vector.shape_cast %reduce_sum3A_358 : vector<128xf32> to vector<128x1xf32>
    %reduce_sum3A_360 = arith.constant dense<0.000000e+00> : vector<128xf32>
    %reduce_sum3A_361 = vector.multi_reduction <add>, %convert_element_type3A_351, %reduce_sum3A_360 [0] : vector<128x128xf32> to vector<128xf32>
    %broadcast_in_dim3A_362 = vector.shape_cast %reduce_sum3A_361 : vector<128xf32> to vector<1x128xf32>
    %add3A_363 = arith.addf %add3A_330, %broadcast_in_dim3A_362 : vector<1x128xf32>
    %get3A_364 = arith.constant 1408 : index
    %get3A_365 = arith.constant 0 : index
    %get3A_366 = vector.load %arg1[%get3A_364, %get3A_365] : memref<2048x128xf32, #tpu.memory_space<vmem>>, vector<128x128xf32>
    %jit3A_367 = arith.constant -1.000000e+30 : f32
    %broadcast_in_dim3A_368 = vector.broadcast %jit3A_367 : f32 to vector<128x128xf32>
    %select_n3A_369 = arith.select %lt3A_2, %get3A_366, %broadcast_in_dim3A_368 : vector<128x128xi1>, vector<128x128xf32>
    %reduce_max3A_370 = arith.constant dense<0xFF800000> : vector<128xf32>
    %reduce_max3A_371 = vector.multi_reduction <maximumf>, %select_n3A_369, %reduce_max3A_370 [1] : vector<128x128xf32> to vector<128xf32>
    %broadcast_in_dim3A_372 = vector.shape_cast %reduce_max3A_371 : vector<128xf32> to vector<128x1xf32>
    %eq3A_373 = vector.broadcast %broadcast_in_dim3A_372 : vector<128x1xf32> to vector<128x128xf32>
    %eq3A_374 = arith.cmpf oeq, %select_n3A_369, %eq3A_373 : vector<128x128xf32>
    %jit3A_375 = arith.constant 1000000000 : i32
    %broadcast_in_dim3A_376 = vector.broadcast %jit3A_375 : i32 to vector<128x128xi32>
    %select_n3A_377 = arith.select %eq3A_374, %iota3A, %broadcast_in_dim3A_376 : vector<128x128xi1>, vector<128x128xi32>
    %reduce_min3A_378 = arith.constant dense<2147483647> : vector<128xi32>
    %reduce_min3A_379 = vector.multi_reduction <minsi>, %select_n3A_377, %reduce_min3A_378 [1] : vector<128x128xi32> to vector<128xi32>
    %broadcast_in_dim3A_380 = vector.shape_cast %reduce_min3A_379 : vector<128xi32> to vector<128x1xi32>
    %eq3A_381 = vector.broadcast %broadcast_in_dim3A_380 : vector<128x1xi32> to vector<128x128xi32>
    %eq3A_382 = arith.cmpi eq, %iota3A, %eq3A_381 : vector<128x128xi32>
    %convert_element_type3A_383 = arith.extui %eq3A_382 : vector<128x128xi1> to vector<128x128xi32>
    %convert_element_type3A_384 = arith.sitofp %convert_element_type3A_383 : vector<128x128xi32> to vector<128x128xf32>
    %dot_general3A_385 = arith.constant dense<0.000000e+00> : vector<128x128xf32>
    %dot_general3A_386 = tpu.matmul %convert_element_type3A_3, %convert_element_type3A_384, %dot_general3A_385 {dimension_numbers = #tpu.dot_dimension_numbers<[1], [0], [0], [1], [0, 0, 1, 1], [], []>, transpose_lhs_hint = false} : vector<128x128xf32>, vector<128x128xf32>, vector<128x128xf32> -> vector<128x128xf32>
    %add3A_387 = vector.broadcast %add3A_363 : vector<1x128xf32> to vector<128x128xf32>
    %add3A_388 = arith.addf %dot_general3A_386, %add3A_387 : vector<128x128xf32>
    %mul3A_389 = arith.mulf %add3A_388, %convert_element_type3A_384 : vector<128x128xf32>
    %reduce_sum3A_390 = arith.constant dense<0.000000e+00> : vector<128xf32>
    %reduce_sum3A_391 = vector.multi_reduction <add>, %mul3A_389, %reduce_sum3A_390 [1] : vector<128x128xf32> to vector<128xf32>
    %broadcast_in_dim3A_392 = vector.shape_cast %reduce_sum3A_391 : vector<128xf32> to vector<128x1xf32>
    %reduce_sum3A_393 = arith.constant dense<0.000000e+00> : vector<128xf32>
    %reduce_sum3A_394 = vector.multi_reduction <add>, %convert_element_type3A_384, %reduce_sum3A_393 [0] : vector<128x128xf32> to vector<128xf32>
    %broadcast_in_dim3A_395 = vector.shape_cast %reduce_sum3A_394 : vector<128xf32> to vector<1x128xf32>
    %add3A_396 = arith.addf %add3A_363, %broadcast_in_dim3A_395 : vector<1x128xf32>
    %get3A_397 = arith.constant 1536 : index
    %get3A_398 = arith.constant 0 : index
    %get3A_399 = vector.load %arg1[%get3A_397, %get3A_398] : memref<2048x128xf32, #tpu.memory_space<vmem>>, vector<128x128xf32>
    %jit3A_400 = arith.constant -1.000000e+30 : f32
    %broadcast_in_dim3A_401 = vector.broadcast %jit3A_400 : f32 to vector<128x128xf32>
    %select_n3A_402 = arith.select %lt3A_2, %get3A_399, %broadcast_in_dim3A_401 : vector<128x128xi1>, vector<128x128xf32>
    %reduce_max3A_403 = arith.constant dense<0xFF800000> : vector<128xf32>
    %reduce_max3A_404 = vector.multi_reduction <maximumf>, %select_n3A_402, %reduce_max3A_403 [1] : vector<128x128xf32> to vector<128xf32>
    %broadcast_in_dim3A_405 = vector.shape_cast %reduce_max3A_404 : vector<128xf32> to vector<128x1xf32>
    %eq3A_406 = vector.broadcast %broadcast_in_dim3A_405 : vector<128x1xf32> to vector<128x128xf32>
    %eq3A_407 = arith.cmpf oeq, %select_n3A_402, %eq3A_406 : vector<128x128xf32>
    %jit3A_408 = arith.constant 1000000000 : i32
    %broadcast_in_dim3A_409 = vector.broadcast %jit3A_408 : i32 to vector<128x128xi32>
    %select_n3A_410 = arith.select %eq3A_407, %iota3A, %broadcast_in_dim3A_409 : vector<128x128xi1>, vector<128x128xi32>
    %reduce_min3A_411 = arith.constant dense<2147483647> : vector<128xi32>
    %reduce_min3A_412 = vector.multi_reduction <minsi>, %select_n3A_410, %reduce_min3A_411 [1] : vector<128x128xi32> to vector<128xi32>
    %broadcast_in_dim3A_413 = vector.shape_cast %reduce_min3A_412 : vector<128xi32> to vector<128x1xi32>
    %eq3A_414 = vector.broadcast %broadcast_in_dim3A_413 : vector<128x1xi32> to vector<128x128xi32>
    %eq3A_415 = arith.cmpi eq, %iota3A, %eq3A_414 : vector<128x128xi32>
    %convert_element_type3A_416 = arith.extui %eq3A_415 : vector<128x128xi1> to vector<128x128xi32>
    %convert_element_type3A_417 = arith.sitofp %convert_element_type3A_416 : vector<128x128xi32> to vector<128x128xf32>
    %dot_general3A_418 = arith.constant dense<0.000000e+00> : vector<128x128xf32>
    %dot_general3A_419 = tpu.matmul %convert_element_type3A_3, %convert_element_type3A_417, %dot_general3A_418 {dimension_numbers = #tpu.dot_dimension_numbers<[1], [0], [0], [1], [0, 0, 1, 1], [], []>, transpose_lhs_hint = false} : vector<128x128xf32>, vector<128x128xf32>, vector<128x128xf32> -> vector<128x128xf32>
    %add3A_420 = vector.broadcast %add3A_396 : vector<1x128xf32> to vector<128x128xf32>
    %add3A_421 = arith.addf %dot_general3A_419, %add3A_420 : vector<128x128xf32>
    %mul3A_422 = arith.mulf %add3A_421, %convert_element_type3A_417 : vector<128x128xf32>
    %reduce_sum3A_423 = arith.constant dense<0.000000e+00> : vector<128xf32>
    %reduce_sum3A_424 = vector.multi_reduction <add>, %mul3A_422, %reduce_sum3A_423 [1] : vector<128x128xf32> to vector<128xf32>
    %broadcast_in_dim3A_425 = vector.shape_cast %reduce_sum3A_424 : vector<128xf32> to vector<128x1xf32>
    %reduce_sum3A_426 = arith.constant dense<0.000000e+00> : vector<128xf32>
    %reduce_sum3A_427 = vector.multi_reduction <add>, %convert_element_type3A_417, %reduce_sum3A_426 [0] : vector<128x128xf32> to vector<128xf32>
    %broadcast_in_dim3A_428 = vector.shape_cast %reduce_sum3A_427 : vector<128xf32> to vector<1x128xf32>
    %add3A_429 = arith.addf %add3A_396, %broadcast_in_dim3A_428 : vector<1x128xf32>
    %get3A_430 = arith.constant 1664 : index
    %get3A_431 = arith.constant 0 : index
    %get3A_432 = vector.load %arg1[%get3A_430, %get3A_431] : memref<2048x128xf32, #tpu.memory_space<vmem>>, vector<128x128xf32>
    %jit3A_433 = arith.constant -1.000000e+30 : f32
    %broadcast_in_dim3A_434 = vector.broadcast %jit3A_433 : f32 to vector<128x128xf32>
    %select_n3A_435 = arith.select %lt3A_2, %get3A_432, %broadcast_in_dim3A_434 : vector<128x128xi1>, vector<128x128xf32>
    %reduce_max3A_436 = arith.constant dense<0xFF800000> : vector<128xf32>
    %reduce_max3A_437 = vector.multi_reduction <maximumf>, %select_n3A_435, %reduce_max3A_436 [1] : vector<128x128xf32> to vector<128xf32>
    %broadcast_in_dim3A_438 = vector.shape_cast %reduce_max3A_437 : vector<128xf32> to vector<128x1xf32>
    %eq3A_439 = vector.broadcast %broadcast_in_dim3A_438 : vector<128x1xf32> to vector<128x128xf32>
    %eq3A_440 = arith.cmpf oeq, %select_n3A_435, %eq3A_439 : vector<128x128xf32>
    %jit3A_441 = arith.constant 1000000000 : i32
    %broadcast_in_dim3A_442 = vector.broadcast %jit3A_441 : i32 to vector<128x128xi32>
    %select_n3A_443 = arith.select %eq3A_440, %iota3A, %broadcast_in_dim3A_442 : vector<128x128xi1>, vector<128x128xi32>
    %reduce_min3A_444 = arith.constant dense<2147483647> : vector<128xi32>
    %reduce_min3A_445 = vector.multi_reduction <minsi>, %select_n3A_443, %reduce_min3A_444 [1] : vector<128x128xi32> to vector<128xi32>
    %broadcast_in_dim3A_446 = vector.shape_cast %reduce_min3A_445 : vector<128xi32> to vector<128x1xi32>
    %eq3A_447 = vector.broadcast %broadcast_in_dim3A_446 : vector<128x1xi32> to vector<128x128xi32>
    %eq3A_448 = arith.cmpi eq, %iota3A, %eq3A_447 : vector<128x128xi32>
    %convert_element_type3A_449 = arith.extui %eq3A_448 : vector<128x128xi1> to vector<128x128xi32>
    %convert_element_type3A_450 = arith.sitofp %convert_element_type3A_449 : vector<128x128xi32> to vector<128x128xf32>
    %dot_general3A_451 = arith.constant dense<0.000000e+00> : vector<128x128xf32>
    %dot_general3A_452 = tpu.matmul %convert_element_type3A_3, %convert_element_type3A_450, %dot_general3A_451 {dimension_numbers = #tpu.dot_dimension_numbers<[1], [0], [0], [1], [0, 0, 1, 1], [], []>, transpose_lhs_hint = false} : vector<128x128xf32>, vector<128x128xf32>, vector<128x128xf32> -> vector<128x128xf32>
    %add3A_453 = vector.broadcast %add3A_429 : vector<1x128xf32> to vector<128x128xf32>
    %add3A_454 = arith.addf %dot_general3A_452, %add3A_453 : vector<128x128xf32>
    %mul3A_455 = arith.mulf %add3A_454, %convert_element_type3A_450 : vector<128x128xf32>
    %reduce_sum3A_456 = arith.constant dense<0.000000e+00> : vector<128xf32>
    %reduce_sum3A_457 = vector.multi_reduction <add>, %mul3A_455, %reduce_sum3A_456 [1] : vector<128x128xf32> to vector<128xf32>
    %broadcast_in_dim3A_458 = vector.shape_cast %reduce_sum3A_457 : vector<128xf32> to vector<128x1xf32>
    %reduce_sum3A_459 = arith.constant dense<0.000000e+00> : vector<128xf32>
    %reduce_sum3A_460 = vector.multi_reduction <add>, %convert_element_type3A_450, %reduce_sum3A_459 [0] : vector<128x128xf32> to vector<128xf32>
    %broadcast_in_dim3A_461 = vector.shape_cast %reduce_sum3A_460 : vector<128xf32> to vector<1x128xf32>
    %add3A_462 = arith.addf %add3A_429, %broadcast_in_dim3A_461 : vector<1x128xf32>
    %get3A_463 = arith.constant 1792 : index
    %get3A_464 = arith.constant 0 : index
    %get3A_465 = vector.load %arg1[%get3A_463, %get3A_464] : memref<2048x128xf32, #tpu.memory_space<vmem>>, vector<128x128xf32>
    %jit3A_466 = arith.constant -1.000000e+30 : f32
    %broadcast_in_dim3A_467 = vector.broadcast %jit3A_466 : f32 to vector<128x128xf32>
    %select_n3A_468 = arith.select %lt3A_2, %get3A_465, %broadcast_in_dim3A_467 : vector<128x128xi1>, vector<128x128xf32>
    %reduce_max3A_469 = arith.constant dense<0xFF800000> : vector<128xf32>
    %reduce_max3A_470 = vector.multi_reduction <maximumf>, %select_n3A_468, %reduce_max3A_469 [1] : vector<128x128xf32> to vector<128xf32>
    %broadcast_in_dim3A_471 = vector.shape_cast %reduce_max3A_470 : vector<128xf32> to vector<128x1xf32>
    %eq3A_472 = vector.broadcast %broadcast_in_dim3A_471 : vector<128x1xf32> to vector<128x128xf32>
    %eq3A_473 = arith.cmpf oeq, %select_n3A_468, %eq3A_472 : vector<128x128xf32>
    %jit3A_474 = arith.constant 1000000000 : i32
    %broadcast_in_dim3A_475 = vector.broadcast %jit3A_474 : i32 to vector<128x128xi32>
    %select_n3A_476 = arith.select %eq3A_473, %iota3A, %broadcast_in_dim3A_475 : vector<128x128xi1>, vector<128x128xi32>
    %reduce_min3A_477 = arith.constant dense<2147483647> : vector<128xi32>
    %reduce_min3A_478 = vector.multi_reduction <minsi>, %select_n3A_476, %reduce_min3A_477 [1] : vector<128x128xi32> to vector<128xi32>
    %broadcast_in_dim3A_479 = vector.shape_cast %reduce_min3A_478 : vector<128xi32> to vector<128x1xi32>
    %eq3A_480 = vector.broadcast %broadcast_in_dim3A_479 : vector<128x1xi32> to vector<128x128xi32>
    %eq3A_481 = arith.cmpi eq, %iota3A, %eq3A_480 : vector<128x128xi32>
    %convert_element_type3A_482 = arith.extui %eq3A_481 : vector<128x128xi1> to vector<128x128xi32>
    %convert_element_type3A_483 = arith.sitofp %convert_element_type3A_482 : vector<128x128xi32> to vector<128x128xf32>
    %dot_general3A_484 = arith.constant dense<0.000000e+00> : vector<128x128xf32>
    %dot_general3A_485 = tpu.matmul %convert_element_type3A_3, %convert_element_type3A_483, %dot_general3A_484 {dimension_numbers = #tpu.dot_dimension_numbers<[1], [0], [0], [1], [0, 0, 1, 1], [], []>, transpose_lhs_hint = false} : vector<128x128xf32>, vector<128x128xf32>, vector<128x128xf32> -> vector<128x128xf32>
    %add3A_486 = vector.broadcast %add3A_462 : vector<1x128xf32> to vector<128x128xf32>
    %add3A_487 = arith.addf %dot_general3A_485, %add3A_486 : vector<128x128xf32>
    %mul3A_488 = arith.mulf %add3A_487, %convert_element_type3A_483 : vector<128x128xf32>
    %reduce_sum3A_489 = arith.constant dense<0.000000e+00> : vector<128xf32>
    %reduce_sum3A_490 = vector.multi_reduction <add>, %mul3A_488, %reduce_sum3A_489 [1] : vector<128x128xf32> to vector<128xf32>
    %broadcast_in_dim3A_491 = vector.shape_cast %reduce_sum3A_490 : vector<128xf32> to vector<128x1xf32>
    %reduce_sum3A_492 = arith.constant dense<0.000000e+00> : vector<128xf32>
    %reduce_sum3A_493 = vector.multi_reduction <add>, %convert_element_type3A_483, %reduce_sum3A_492 [0] : vector<128x128xf32> to vector<128xf32>
    %broadcast_in_dim3A_494 = vector.shape_cast %reduce_sum3A_493 : vector<128xf32> to vector<1x128xf32>
    %add3A_495 = arith.addf %add3A_462, %broadcast_in_dim3A_494 : vector<1x128xf32>
    %get3A_496 = arith.constant 1920 : index
    %get3A_497 = arith.constant 0 : index
    %get3A_498 = vector.load %arg1[%get3A_496, %get3A_497] : memref<2048x128xf32, #tpu.memory_space<vmem>>, vector<128x128xf32>
    %jit3A_499 = arith.constant -1.000000e+30 : f32
    %broadcast_in_dim3A_500 = vector.broadcast %jit3A_499 : f32 to vector<128x128xf32>
    %select_n3A_501 = arith.select %lt3A_2, %get3A_498, %broadcast_in_dim3A_500 : vector<128x128xi1>, vector<128x128xf32>
    %reduce_max3A_502 = arith.constant dense<0xFF800000> : vector<128xf32>
    %reduce_max3A_503 = vector.multi_reduction <maximumf>, %select_n3A_501, %reduce_max3A_502 [1] : vector<128x128xf32> to vector<128xf32>
    %broadcast_in_dim3A_504 = vector.shape_cast %reduce_max3A_503 : vector<128xf32> to vector<128x1xf32>
    %eq3A_505 = vector.broadcast %broadcast_in_dim3A_504 : vector<128x1xf32> to vector<128x128xf32>
    %eq3A_506 = arith.cmpf oeq, %select_n3A_501, %eq3A_505 : vector<128x128xf32>
    %jit3A_507 = arith.constant 1000000000 : i32
    %broadcast_in_dim3A_508 = vector.broadcast %jit3A_507 : i32 to vector<128x128xi32>
    %select_n3A_509 = arith.select %eq3A_506, %iota3A, %broadcast_in_dim3A_508 : vector<128x128xi1>, vector<128x128xi32>
    %reduce_min3A_510 = arith.constant dense<2147483647> : vector<128xi32>
    %reduce_min3A_511 = vector.multi_reduction <minsi>, %select_n3A_509, %reduce_min3A_510 [1] : vector<128x128xi32> to vector<128xi32>
    %broadcast_in_dim3A_512 = vector.shape_cast %reduce_min3A_511 : vector<128xi32> to vector<128x1xi32>
    %eq3A_513 = vector.broadcast %broadcast_in_dim3A_512 : vector<128x1xi32> to vector<128x128xi32>
    %eq3A_514 = arith.cmpi eq, %iota3A, %eq3A_513 : vector<128x128xi32>
    %convert_element_type3A_515 = arith.extui %eq3A_514 : vector<128x128xi1> to vector<128x128xi32>
    %convert_element_type3A_516 = arith.sitofp %convert_element_type3A_515 : vector<128x128xi32> to vector<128x128xf32>
    %dot_general3A_517 = arith.constant dense<0.000000e+00> : vector<128x128xf32>
    %dot_general3A_518 = tpu.matmul %convert_element_type3A_3, %convert_element_type3A_516, %dot_general3A_517 {dimension_numbers = #tpu.dot_dimension_numbers<[1], [0], [0], [1], [0, 0, 1, 1], [], []>, transpose_lhs_hint = false} : vector<128x128xf32>, vector<128x128xf32>, vector<128x128xf32> -> vector<128x128xf32>
    %add3A_519 = vector.broadcast %add3A_495 : vector<1x128xf32> to vector<128x128xf32>
    %add3A_520 = arith.addf %dot_general3A_518, %add3A_519 : vector<128x128xf32>
    %mul3A_521 = arith.mulf %add3A_520, %convert_element_type3A_516 : vector<128x128xf32>
    %reduce_sum3A_522 = arith.constant dense<0.000000e+00> : vector<128xf32>
    %reduce_sum3A_523 = vector.multi_reduction <add>, %mul3A_521, %reduce_sum3A_522 [1] : vector<128x128xf32> to vector<128xf32>
    %broadcast_in_dim3A_524 = vector.shape_cast %reduce_sum3A_523 : vector<128xf32> to vector<128x1xf32>
    %reduce_sum3A_525 = arith.constant dense<0.000000e+00> : vector<128xf32>
    %reduce_sum3A_526 = vector.multi_reduction <add>, %convert_element_type3A_516, %reduce_sum3A_525 [0] : vector<128x128xf32> to vector<128xf32>
    %broadcast_in_dim3A_527 = vector.shape_cast %reduce_sum3A_526 : vector<128xf32> to vector<1x128xf32>
    %add3A_528 = arith.addf %add3A_495, %broadcast_in_dim3A_527 : vector<1x128xf32>
    %add3A_529 = arith.constant 1.270000e+02 : f32
    %add3A_530 = vector.broadcast %add3A_529 : f32 to vector<1x128xf32>
    %add3A_531 = arith.addf %add3A_528, %add3A_530 : vector<1x128xf32>
    %mul3A_532 = arith.constant 7.812500e-03 : f32
    %mul3A_533 = vector.broadcast %mul3A_532 : f32 to vector<1x128xf32>
    %mul3A_534 = arith.mulf %add3A_531, %mul3A_533 : vector<1x128xf32>
    %floor3A = math.floor %mul3A_534 : vector<1x128xf32>
    %dot_general3A_535 = arith.constant dense<0.000000e+00> : vector<1x128xf32>
    %dot_general3A_536 = tpu.matmul %floor3A, %convert_element_type3A_6, %dot_general3A_535 {dimension_numbers = #tpu.dot_dimension_numbers<[1], [0], [0], [1], [0, 0, 1, 1], [], []>, transpose_lhs_hint = false} : vector<1x128xf32>, vector<128x128xf32>, vector<1x128xf32> -> vector<1x128xf32>
    %mul3A_537 = arith.constant 1.280000e+02 : f32
    %mul3A_538 = vector.broadcast %mul3A_537 : f32 to vector<1x128xf32>
    %mul3A_539 = arith.mulf %dot_general3A_536, %mul3A_538 : vector<1x128xf32>
    %dot_general3A_540 = arith.constant dense<0.000000e+00> : vector<128x1xf32>
    %dot_general3A_541 = tpu.matmul %convert_element_type3A_8, %dot_general3A_536, %dot_general3A_540 {dimension_numbers = #tpu.dot_dimension_numbers<[1], [1], [0], [0], [0, 0, 1, 0], [], []>, transpose_lhs_hint = false} : vector<128x128xf32>, vector<1x128xf32>, vector<128x1xf32> -> vector<128x1xf32>
    %convert_element_type3A_542 = arith.sitofp %iota3A : vector<128x128xi32> to vector<128x128xf32>
    %le3A = vector.broadcast %dot_general3A_541 : vector<128x1xf32> to vector<128x128xf32>
    %le3A_543 = arith.cmpf ole, %le3A, %convert_element_type3A_542 : vector<128x128xf32>
    %lt3A_544 = arith.constant 8 : i32
    %lt3A_545 = vector.broadcast %lt3A_544 : i32 to vector<128x128xi32>
    %lt3A_546 = arith.cmpi slt, %iota3A_0, %lt3A_545 : vector<128x128xi32>
    %and3A = arith.andi %le3A_543, %lt3A_546 : vector<128x128xi1>
    %convert_element_type3A_547 = arith.extui %and3A : vector<128x128xi1> to vector<128x128xi32>
    %convert_element_type3A_548 = arith.sitofp %convert_element_type3A_547 : vector<128x128xi32> to vector<128x128xf32>
    %reduce_sum3A_549 = arith.constant dense<0.000000e+00> : vector<128xf32>
    %reduce_sum3A_550 = vector.multi_reduction <add>, %convert_element_type3A_548, %reduce_sum3A_549 [0] : vector<128x128xf32> to vector<128xf32>
    %broadcast_in_dim3A_551 = vector.shape_cast %reduce_sum3A_550 : vector<128xf32> to vector<1x128xf32>
    %sub3A = arith.constant 1.000000e+00 : f32
    %sub3A_552 = vector.broadcast %sub3A : f32 to vector<1x128xf32>
    %sub3A_553 = arith.subf %broadcast_in_dim3A_551, %sub3A_552 : vector<1x128xf32>
    %jit3A_554 = arith.constant 0.000000e+00 : f32
    %jit3A_555 = arith.constant 7.000000e+00 : f32
    %max3A = vector.broadcast %jit3A_554 : f32 to vector<1x128xf32>
    %max3A_556 = arith.maximumf %max3A, %sub3A_553 : vector<1x128xf32>
    %min3A = vector.broadcast %jit3A_555 : f32 to vector<1x128xf32>
    %min3A_557 = arith.minimumf %min3A, %max3A_556 : vector<1x128xf32>
    %convert_element_type3A_558 = arith.fptosi %min3A_557 : vector<1x128xf32> to vector<1x128xi32>
    %swap3A = arith.constant 0 : index
    %swap3A_559 = arith.constant 0 : index
    %swap3A_560 = vector.load %arg3[%swap3A, %swap3A_559] : memref<1x128xi32, #tpu.memory_space<vmem>>, vector<1x128xi32>
    tpu.vector_store %arg3[%swap3A, %swap3A_559], %convert_element_type3A_558 {strides = array<i32>} : memref<1x128xi32, #tpu.memory_space<vmem>>, vector<1x128xi32>,
    %broadcast_in_dim3A_561 = arith.constant 0.000000e+00 : f32
    %broadcast_in_dim3A_562 = vector.broadcast %broadcast_in_dim3A_561 : f32 to vector<128x128xf32>
    %eq3A_563 = vector.broadcast %broadcast_in_dim3A_21 : vector<128x1xi32> to vector<128x128xi32>
    %eq3A_564 = arith.cmpi eq, %iota3A, %eq3A_563 : vector<128x128xi32>
    %convert_element_type3A_565 = arith.extui %eq3A_564 : vector<128x128xi1> to vector<128x128xi32>
    %convert_element_type3A_566 = arith.sitofp %convert_element_type3A_565 : vector<128x128xi32> to vector<128x128xf32>
    %mul3A_567 = vector.broadcast %mul3A_539 : vector<1x128xf32> to vector<128x128xf32>
    %mul3A_568 = arith.mulf %convert_element_type3A_566, %mul3A_567 : vector<128x128xf32>
    %reduce_sum3A_569 = arith.constant dense<0.000000e+00> : vector<128xf32>
    %reduce_sum3A_570 = vector.multi_reduction <add>, %mul3A_568, %reduce_sum3A_569 [1] : vector<128x128xf32> to vector<128xf32>
    %broadcast_in_dim3A_571 = vector.shape_cast %reduce_sum3A_570 : vector<128xf32> to vector<128x1xf32>
    %add3A_572 = arith.addf %broadcast_in_dim3A_571, %broadcast_in_dim3A_29 : vector<128x1xf32>
    %eq3A_573 = arith.constant 0 : i32
    %eq3A_574 = vector.broadcast %eq3A_573 : i32 to vector<128x128xi32>
    %eq3A_575 = arith.cmpi eq, %iota3A, %eq3A_574 : vector<128x128xi32>
    %broadcast_in_dim3A_576 = vector.shape_cast %add3A_572 : vector<128x1xf32> to vector<128x1xf32>
    %broadcast_in_dim3A_577 = vector.broadcast %broadcast_in_dim3A_576 : vector<128x1xf32> to vector<128x128xf32>
    %select_n3A_578 = arith.select %eq3A_575, %broadcast_in_dim3A_577, %broadcast_in_dim3A_562 : vector<128x128xi1>, vector<128x128xf32>
    %eq3A_579 = vector.broadcast %broadcast_in_dim3A_50 : vector<128x1xi32> to vector<128x128xi32>
    %eq3A_580 = arith.cmpi eq, %iota3A, %eq3A_579 : vector<128x128xi32>
    %convert_element_type3A_581 = arith.extui %eq3A_580 : vector<128x128xi1> to vector<128x128xi32>
    %convert_element_type3A_582 = arith.sitofp %convert_element_type3A_581 : vector<128x128xi32> to vector<128x128xf32>
    %mul3A_583 = vector.broadcast %mul3A_539 : vector<1x128xf32> to vector<128x128xf32>
    %mul3A_584 = arith.mulf %convert_element_type3A_582, %mul3A_583 : vector<128x128xf32>
    %reduce_sum3A_585 = arith.constant dense<0.000000e+00> : vector<128xf32>
    %reduce_sum3A_586 = vector.multi_reduction <add>, %mul3A_584, %reduce_sum3A_585 [1] : vector<128x128xf32> to vector<128xf32>
    %broadcast_in_dim3A_587 = vector.shape_cast %reduce_sum3A_586 : vector<128xf32> to vector<128x1xf32>
    %add3A_588 = arith.addf %broadcast_in_dim3A_587, %broadcast_in_dim3A_62 : vector<128x1xf32>
    %eq3A_589 = arith.constant 1 : i32
    %eq3A_590 = vector.broadcast %eq3A_589 : i32 to vector<128x128xi32>
    %eq3A_591 = arith.cmpi eq, %iota3A, %eq3A_590 : vector<128x128xi32>
    %broadcast_in_dim3A_592 = vector.shape_cast %add3A_588 : vector<128x1xf32> to vector<128x1xf32>
    %broadcast_in_dim3A_593 = vector.broadcast %broadcast_in_dim3A_592 : vector<128x1xf32> to vector<128x128xf32>
    %select_n3A_594 = arith.select %eq3A_591, %broadcast_in_dim3A_593, %select_n3A_578 : vector<128x128xi1>, vector<128x128xf32>
    %eq3A_595 = vector.broadcast %broadcast_in_dim3A_83 : vector<128x1xi32> to vector<128x128xi32>
    %eq3A_596 = arith.cmpi eq, %iota3A, %eq3A_595 : vector<128x128xi32>
    %convert_element_type3A_597 = arith.extui %eq3A_596 : vector<128x128xi1> to vector<128x128xi32>
    %convert_element_type3A_598 = arith.sitofp %convert_element_type3A_597 : vector<128x128xi32> to vector<128x128xf32>
    %mul3A_599 = vector.broadcast %mul3A_539 : vector<1x128xf32> to vector<128x128xf32>
    %mul3A_600 = arith.mulf %convert_element_type3A_598, %mul3A_599 : vector<128x128xf32>
    %reduce_sum3A_601 = arith.constant dense<0.000000e+00> : vector<128xf32>
    %reduce_sum3A_602 = vector.multi_reduction <add>, %mul3A_600, %reduce_sum3A_601 [1] : vector<128x128xf32> to vector<128xf32>
    %broadcast_in_dim3A_603 = vector.shape_cast %reduce_sum3A_602 : vector<128xf32> to vector<128x1xf32>
    %add3A_604 = arith.addf %broadcast_in_dim3A_603, %broadcast_in_dim3A_95 : vector<128x1xf32>
    %eq3A_605 = arith.constant 2 : i32
    %eq3A_606 = vector.broadcast %eq3A_605 : i32 to vector<128x128xi32>
    %eq3A_607 = arith.cmpi eq, %iota3A, %eq3A_606 : vector<128x128xi32>
    %broadcast_in_dim3A_608 = vector.shape_cast %add3A_604 : vector<128x1xf32> to vector<128x1xf32>
    %broadcast_in_dim3A_609 = vector.broadcast %broadcast_in_dim3A_608 : vector<128x1xf32> to vector<128x128xf32>
    %select_n3A_610 = arith.select %eq3A_607, %broadcast_in_dim3A_609, %select_n3A_594 : vector<128x128xi1>, vector<128x128xf32>
    %eq3A_611 = vector.broadcast %broadcast_in_dim3A_116 : vector<128x1xi32> to vector<128x128xi32>
    %eq3A_612 = arith.cmpi eq, %iota3A, %eq3A_611 : vector<128x128xi32>
    %convert_element_type3A_613 = arith.extui %eq3A_612 : vector<128x128xi1> to vector<128x128xi32>
    %convert_element_type3A_614 = arith.sitofp %convert_element_type3A_613 : vector<128x128xi32> to vector<128x128xf32>
    %mul3A_615 = vector.broadcast %mul3A_539 : vector<1x128xf32> to vector<128x128xf32>
    %mul3A_616 = arith.mulf %convert_element_type3A_614, %mul3A_615 : vector<128x128xf32>
    %reduce_sum3A_617 = arith.constant dense<0.000000e+00> : vector<128xf32>
    %reduce_sum3A_618 = vector.multi_reduction <add>, %mul3A_616, %reduce_sum3A_617 [1] : vector<128x128xf32> to vector<128xf32>
    %broadcast_in_dim3A_619 = vector.shape_cast %reduce_sum3A_618 : vector<128xf32> to vector<128x1xf32>
    %add3A_620 = arith.addf %broadcast_in_dim3A_619, %broadcast_in_dim3A_128 : vector<128x1xf32>
    %eq3A_621 = arith.constant 3 : i32
    %eq3A_622 = vector.broadcast %eq3A_621 : i32 to vector<128x128xi32>
    %eq3A_623 = arith.cmpi eq, %iota3A, %eq3A_622 : vector<128x128xi32>
    %broadcast_in_dim3A_624 = vector.shape_cast %add3A_620 : vector<128x1xf32> to vector<128x1xf32>
    %broadcast_in_dim3A_625 = vector.broadcast %broadcast_in_dim3A_624 : vector<128x1xf32> to vector<128x128xf32>
    %select_n3A_626 = arith.select %eq3A_623, %broadcast_in_dim3A_625, %select_n3A_610 : vector<128x128xi1>, vector<128x128xf32>
    %eq3A_627 = vector.broadcast %broadcast_in_dim3A_149 : vector<128x1xi32> to vector<128x128xi32>
    %eq3A_628 = arith.cmpi eq, %iota3A, %eq3A_627 : vector<128x128xi32>
    %convert_element_type3A_629 = arith.extui %eq3A_628 : vector<128x128xi1> to vector<128x128xi32>
    %convert_element_type3A_630 = arith.sitofp %convert_element_type3A_629 : vector<128x128xi32> to vector<128x128xf32>
    %mul3A_631 = vector.broadcast %mul3A_539 : vector<1x128xf32> to vector<128x128xf32>
    %mul3A_632 = arith.mulf %convert_element_type3A_630, %mul3A_631 : vector<128x128xf32>
    %reduce_sum3A_633 = arith.constant dense<0.000000e+00> : vector<128xf32>
    %reduce_sum3A_634 = vector.multi_reduction <add>, %mul3A_632, %reduce_sum3A_633 [1] : vector<128x128xf32> to vector<128xf32>
    %broadcast_in_dim3A_635 = vector.shape_cast %reduce_sum3A_634 : vector<128xf32> to vector<128x1xf32>
    %add3A_636 = arith.addf %broadcast_in_dim3A_635, %broadcast_in_dim3A_161 : vector<128x1xf32>
    %eq3A_637 = arith.constant 4 : i32
    %eq3A_638 = vector.broadcast %eq3A_637 : i32 to vector<128x128xi32>
    %eq3A_639 = arith.cmpi eq, %iota3A, %eq3A_638 : vector<128x128xi32>
    %broadcast_in_dim3A_640 = vector.shape_cast %add3A_636 : vector<128x1xf32> to vector<128x1xf32>
    %broadcast_in_dim3A_641 = vector.broadcast %broadcast_in_dim3A_640 : vector<128x1xf32> to vector<128x128xf32>
    %select_n3A_642 = arith.select %eq3A_639, %broadcast_in_dim3A_641, %select_n3A_626 : vector<128x128xi1>, vector<128x128xf32>
    %eq3A_643 = vector.broadcast %broadcast_in_dim3A_182 : vector<128x1xi32> to vector<128x128xi32>
    %eq3A_644 = arith.cmpi eq, %iota3A, %eq3A_643 : vector<128x128xi32>
    %convert_element_type3A_645 = arith.extui %eq3A_644 : vector<128x128xi1> to vector<128x128xi32>
    %convert_element_type3A_646 = arith.sitofp %convert_element_type3A_645 : vector<128x128xi32> to vector<128x128xf32>
    %mul3A_647 = vector.broadcast %mul3A_539 : vector<1x128xf32> to vector<128x128xf32>
    %mul3A_648 = arith.mulf %convert_element_type3A_646, %mul3A_647 : vector<128x128xf32>
    %reduce_sum3A_649 = arith.constant dense<0.000000e+00> : vector<128xf32>
    %reduce_sum3A_650 = vector.multi_reduction <add>, %mul3A_648, %reduce_sum3A_649 [1] : vector<128x128xf32> to vector<128xf32>
    %broadcast_in_dim3A_651 = vector.shape_cast %reduce_sum3A_650 : vector<128xf32> to vector<128x1xf32>
    %add3A_652 = arith.addf %broadcast_in_dim3A_651, %broadcast_in_dim3A_194 : vector<128x1xf32>
    %eq3A_653 = arith.constant 5 : i32
    %eq3A_654 = vector.broadcast %eq3A_653 : i32 to vector<128x128xi32>
    %eq3A_655 = arith.cmpi eq, %iota3A, %eq3A_654 : vector<128x128xi32>
    %broadcast_in_dim3A_656 = vector.shape_cast %add3A_652 : vector<128x1xf32> to vector<128x1xf32>
    %broadcast_in_dim3A_657 = vector.broadcast %broadcast_in_dim3A_656 : vector<128x1xf32> to vector<128x128xf32>
    %select_n3A_658 = arith.select %eq3A_655, %broadcast_in_dim3A_657, %select_n3A_642 : vector<128x128xi1>, vector<128x128xf32>
    %eq3A_659 = vector.broadcast %broadcast_in_dim3A_215 : vector<128x1xi32> to vector<128x128xi32>
    %eq3A_660 = arith.cmpi eq, %iota3A, %eq3A_659 : vector<128x128xi32>
    %convert_element_type3A_661 = arith.extui %eq3A_660 : vector<128x128xi1> to vector<128x128xi32>
    %convert_element_type3A_662 = arith.sitofp %convert_element_type3A_661 : vector<128x128xi32> to vector<128x128xf32>
    %mul3A_663 = vector.broadcast %mul3A_539 : vector<1x128xf32> to vector<128x128xf32>
    %mul3A_664 = arith.mulf %convert_element_type3A_662, %mul3A_663 : vector<128x128xf32>
    %reduce_sum3A_665 = arith.constant dense<0.000000e+00> : vector<128xf32>
    %reduce_sum3A_666 = vector.multi_reduction <add>, %mul3A_664, %reduce_sum3A_665 [1] : vector<128x128xf32> to vector<128xf32>
    %broadcast_in_dim3A_667 = vector.shape_cast %reduce_sum3A_666 : vector<128xf32> to vector<128x1xf32>
    %add3A_668 = arith.addf %broadcast_in_dim3A_667, %broadcast_in_dim3A_227 : vector<128x1xf32>
    %eq3A_669 = arith.constant 6 : i32
    %eq3A_670 = vector.broadcast %eq3A_669 : i32 to vector<128x128xi32>
    %eq3A_671 = arith.cmpi eq, %iota3A, %eq3A_670 : vector<128x128xi32>
    %broadcast_in_dim3A_672 = vector.shape_cast %add3A_668 : vector<128x1xf32> to vector<128x1xf32>
    %broadcast_in_dim3A_673 = vector.broadcast %broadcast_in_dim3A_672 : vector<128x1xf32> to vector<128x128xf32>
    %select_n3A_674 = arith.select %eq3A_671, %broadcast_in_dim3A_673, %select_n3A_658 : vector<128x128xi1>, vector<128x128xf32>
    %eq3A_675 = vector.broadcast %broadcast_in_dim3A_248 : vector<128x1xi32> to vector<128x128xi32>
    %eq3A_676 = arith.cmpi eq, %iota3A, %eq3A_675 : vector<128x128xi32>
    %convert_element_type3A_677 = arith.extui %eq3A_676 : vector<128x128xi1> to vector<128x128xi32>
    %convert_element_type3A_678 = arith.sitofp %convert_element_type3A_677 : vector<128x128xi32> to vector<128x128xf32>
    %mul3A_679 = vector.broadcast %mul3A_539 : vector<1x128xf32> to vector<128x128xf32>
    %mul3A_680 = arith.mulf %convert_element_type3A_678, %mul3A_679 : vector<128x128xf32>
    %reduce_sum3A_681 = arith.constant dense<0.000000e+00> : vector<128xf32>
    %reduce_sum3A_682 = vector.multi_reduction <add>, %mul3A_680, %reduce_sum3A_681 [1] : vector<128x128xf32> to vector<128xf32>
    %broadcast_in_dim3A_683 = vector.shape_cast %reduce_sum3A_682 : vector<128xf32> to vector<128x1xf32>
    %add3A_684 = arith.addf %broadcast_in_dim3A_683, %broadcast_in_dim3A_260 : vector<128x1xf32>
    %eq3A_685 = arith.constant 7 : i32
    %eq3A_686 = vector.broadcast %eq3A_685 : i32 to vector<128x128xi32>
    %eq3A_687 = arith.cmpi eq, %iota3A, %eq3A_686 : vector<128x128xi32>
    %broadcast_in_dim3A_688 = vector.shape_cast %add3A_684 : vector<128x1xf32> to vector<128x1xf32>
    %broadcast_in_dim3A_689 = vector.broadcast %broadcast_in_dim3A_688 : vector<128x1xf32> to vector<128x128xf32>
    %select_n3A_690 = arith.select %eq3A_687, %broadcast_in_dim3A_689, %select_n3A_674 : vector<128x128xi1>, vector<128x128xf32>
    %eq3A_691 = vector.broadcast %broadcast_in_dim3A_281 : vector<128x1xi32> to vector<128x128xi32>
    %eq3A_692 = arith.cmpi eq, %iota3A, %eq3A_691 : vector<128x128xi32>
    %convert_element_type3A_693 = arith.extui %eq3A_692 : vector<128x128xi1> to vector<128x128xi32>
    %convert_element_type3A_694 = arith.sitofp %convert_element_type3A_693 : vector<128x128xi32> to vector<128x128xf32>
    %mul3A_695 = vector.broadcast %mul3A_539 : vector<1x128xf32> to vector<128x128xf32>
    %mul3A_696 = arith.mulf %convert_element_type3A_694, %mul3A_695 : vector<128x128xf32>
    %reduce_sum3A_697 = arith.constant dense<0.000000e+00> : vector<128xf32>
    %reduce_sum3A_698 = vector.multi_reduction <add>, %mul3A_696, %reduce_sum3A_697 [1] : vector<128x128xf32> to vector<128xf32>
    %broadcast_in_dim3A_699 = vector.shape_cast %reduce_sum3A_698 : vector<128xf32> to vector<128x1xf32>
    %add3A_700 = arith.addf %broadcast_in_dim3A_699, %broadcast_in_dim3A_293 : vector<128x1xf32>
    %eq3A_701 = arith.constant 8 : i32
    %eq3A_702 = vector.broadcast %eq3A_701 : i32 to vector<128x128xi32>
    %eq3A_703 = arith.cmpi eq, %iota3A, %eq3A_702 : vector<128x128xi32>
    %broadcast_in_dim3A_704 = vector.shape_cast %add3A_700 : vector<128x1xf32> to vector<128x1xf32>
    %broadcast_in_dim3A_705 = vector.broadcast %broadcast_in_dim3A_704 : vector<128x1xf32> to vector<128x128xf32>
    %select_n3A_706 = arith.select %eq3A_703, %broadcast_in_dim3A_705, %select_n3A_690 : vector<128x128xi1>, vector<128x128xf32>
    %eq3A_707 = vector.broadcast %broadcast_in_dim3A_314 : vector<128x1xi32> to vector<128x128xi32>
    %eq3A_708 = arith.cmpi eq, %iota3A, %eq3A_707 : vector<128x128xi32>
    %convert_element_type3A_709 = arith.extui %eq3A_708 : vector<128x128xi1> to vector<128x128xi32>
    %convert_element_type3A_710 = arith.sitofp %convert_element_type3A_709 : vector<128x128xi32> to vector<128x128xf32>
    %mul3A_711 = vector.broadcast %mul3A_539 : vector<1x128xf32> to vector<128x128xf32>
    %mul3A_712 = arith.mulf %convert_element_type3A_710, %mul3A_711 : vector<128x128xf32>
    %reduce_sum3A_713 = arith.constant dense<0.000000e+00> : vector<128xf32>
    %reduce_sum3A_714 = vector.multi_reduction <add>, %mul3A_712, %reduce_sum3A_713 [1] : vector<128x128xf32> to vector<128xf32>
    %broadcast_in_dim3A_715 = vector.shape_cast %reduce_sum3A_714 : vector<128xf32> to vector<128x1xf32>
    %add3A_716 = arith.addf %broadcast_in_dim3A_715, %broadcast_in_dim3A_326 : vector<128x1xf32>
    %eq3A_717 = arith.constant 9 : i32
    %eq3A_718 = vector.broadcast %eq3A_717 : i32 to vector<128x128xi32>
    %eq3A_719 = arith.cmpi eq, %iota3A, %eq3A_718 : vector<128x128xi32>
    %broadcast_in_dim3A_720 = vector.shape_cast %add3A_716 : vector<128x1xf32> to vector<128x1xf32>
    %broadcast_in_dim3A_721 = vector.broadcast %broadcast_in_dim3A_720 : vector<128x1xf32> to vector<128x128xf32>
    %select_n3A_722 = arith.select %eq3A_719, %broadcast_in_dim3A_721, %select_n3A_706 : vector<128x128xi1>, vector<128x128xf32>
    %eq3A_723 = vector.broadcast %broadcast_in_dim3A_347 : vector<128x1xi32> to vector<128x128xi32>
    %eq3A_724 = arith.cmpi eq, %iota3A, %eq3A_723 : vector<128x128xi32>
    %convert_element_type3A_725 = arith.extui %eq3A_724 : vector<128x128xi1> to vector<128x128xi32>
    %convert_element_type3A_726 = arith.sitofp %convert_element_type3A_725 : vector<128x128xi32> to vector<128x128xf32>
    %mul3A_727 = vector.broadcast %mul3A_539 : vector<1x128xf32> to vector<128x128xf32>
    %mul3A_728 = arith.mulf %convert_element_type3A_726, %mul3A_727 : vector<128x128xf32>
    %reduce_sum3A_729 = arith.constant dense<0.000000e+00> : vector<128xf32>
    %reduce_sum3A_730 = vector.multi_reduction <add>, %mul3A_728, %reduce_sum3A_729 [1] : vector<128x128xf32> to vector<128xf32>
    %broadcast_in_dim3A_731 = vector.shape_cast %reduce_sum3A_730 : vector<128xf32> to vector<128x1xf32>
    %add3A_732 = arith.addf %broadcast_in_dim3A_731, %broadcast_in_dim3A_359 : vector<128x1xf32>
    %eq3A_733 = arith.constant 10 : i32
    %eq3A_734 = vector.broadcast %eq3A_733 : i32 to vector<128x128xi32>
    %eq3A_735 = arith.cmpi eq, %iota3A, %eq3A_734 : vector<128x128xi32>
    %broadcast_in_dim3A_736 = vector.shape_cast %add3A_732 : vector<128x1xf32> to vector<128x1xf32>
    %broadcast_in_dim3A_737 = vector.broadcast %broadcast_in_dim3A_736 : vector<128x1xf32> to vector<128x128xf32>
    %select_n3A_738 = arith.select %eq3A_735, %broadcast_in_dim3A_737, %select_n3A_722 : vector<128x128xi1>, vector<128x128xf32>
    %eq3A_739 = vector.broadcast %broadcast_in_dim3A_380 : vector<128x1xi32> to vector<128x128xi32>
    %eq3A_740 = arith.cmpi eq, %iota3A, %eq3A_739 : vector<128x128xi32>
    %convert_element_type3A_741 = arith.extui %eq3A_740 : vector<128x128xi1> to vector<128x128xi32>
    %convert_element_type3A_742 = arith.sitofp %convert_element_type3A_741 : vector<128x128xi32> to vector<128x128xf32>
    %mul3A_743 = vector.broadcast %mul3A_539 : vector<1x128xf32> to vector<128x128xf32>
    %mul3A_744 = arith.mulf %convert_element_type3A_742, %mul3A_743 : vector<128x128xf32>
    %reduce_sum3A_745 = arith.constant dense<0.000000e+00> : vector<128xf32>
    %reduce_sum3A_746 = vector.multi_reduction <add>, %mul3A_744, %reduce_sum3A_745 [1] : vector<128x128xf32> to vector<128xf32>
    %broadcast_in_dim3A_747 = vector.shape_cast %reduce_sum3A_746 : vector<128xf32> to vector<128x1xf32>
    %add3A_748 = arith.addf %broadcast_in_dim3A_747, %broadcast_in_dim3A_392 : vector<128x1xf32>
    %eq3A_749 = arith.constant 11 : i32
    %eq3A_750 = vector.broadcast %eq3A_749 : i32 to vector<128x128xi32>
    %eq3A_751 = arith.cmpi eq, %iota3A, %eq3A_750 : vector<128x128xi32>
    %broadcast_in_dim3A_752 = vector.shape_cast %add3A_748 : vector<128x1xf32> to vector<128x1xf32>
    %broadcast_in_dim3A_753 = vector.broadcast %broadcast_in_dim3A_752 : vector<128x1xf32> to vector<128x128xf32>
    %select_n3A_754 = arith.select %eq3A_751, %broadcast_in_dim3A_753, %select_n3A_738 : vector<128x128xi1>, vector<128x128xf32>
    %eq3A_755 = vector.broadcast %broadcast_in_dim3A_413 : vector<128x1xi32> to vector<128x128xi32>
    %eq3A_756 = arith.cmpi eq, %iota3A, %eq3A_755 : vector<128x128xi32>
    %convert_element_type3A_757 = arith.extui %eq3A_756 : vector<128x128xi1> to vector<128x128xi32>
    %convert_element_type3A_758 = arith.sitofp %convert_element_type3A_757 : vector<128x128xi32> to vector<128x128xf32>
    %mul3A_759 = vector.broadcast %mul3A_539 : vector<1x128xf32> to vector<128x128xf32>
    %mul3A_760 = arith.mulf %convert_element_type3A_758, %mul3A_759 : vector<128x128xf32>
    %reduce_sum3A_761 = arith.constant dense<0.000000e+00> : vector<128xf32>
    %reduce_sum3A_762 = vector.multi_reduction <add>, %mul3A_760, %reduce_sum3A_761 [1] : vector<128x128xf32> to vector<128xf32>
    %broadcast_in_dim3A_763 = vector.shape_cast %reduce_sum3A_762 : vector<128xf32> to vector<128x1xf32>
    %add3A_764 = arith.addf %broadcast_in_dim3A_763, %broadcast_in_dim3A_425 : vector<128x1xf32>
    %eq3A_765 = arith.constant 12 : i32
    %eq3A_766 = vector.broadcast %eq3A_765 : i32 to vector<128x128xi32>
    %eq3A_767 = arith.cmpi eq, %iota3A, %eq3A_766 : vector<128x128xi32>
    %broadcast_in_dim3A_768 = vector.shape_cast %add3A_764 : vector<128x1xf32> to vector<128x1xf32>
    %broadcast_in_dim3A_769 = vector.broadcast %broadcast_in_dim3A_768 : vector<128x1xf32> to vector<128x128xf32>
    %select_n3A_770 = arith.select %eq3A_767, %broadcast_in_dim3A_769, %select_n3A_754 : vector<128x128xi1>, vector<128x128xf32>
    %eq3A_771 = vector.broadcast %broadcast_in_dim3A_446 : vector<128x1xi32> to vector<128x128xi32>
    %eq3A_772 = arith.cmpi eq, %iota3A, %eq3A_771 : vector<128x128xi32>
    %convert_element_type3A_773 = arith.extui %eq3A_772 : vector<128x128xi1> to vector<128x128xi32>
    %convert_element_type3A_774 = arith.sitofp %convert_element_type3A_773 : vector<128x128xi32> to vector<128x128xf32>
    %mul3A_775 = vector.broadcast %mul3A_539 : vector<1x128xf32> to vector<128x128xf32>
    %mul3A_776 = arith.mulf %convert_element_type3A_774, %mul3A_775 : vector<128x128xf32>
    %reduce_sum3A_777 = arith.constant dense<0.000000e+00> : vector<128xf32>
    %reduce_sum3A_778 = vector.multi_reduction <add>, %mul3A_776, %reduce_sum3A_777 [1] : vector<128x128xf32> to vector<128xf32>
    %broadcast_in_dim3A_779 = vector.shape_cast %reduce_sum3A_778 : vector<128xf32> to vector<128x1xf32>
    %add3A_780 = arith.addf %broadcast_in_dim3A_779, %broadcast_in_dim3A_458 : vector<128x1xf32>
    %eq3A_781 = arith.constant 13 : i32
    %eq3A_782 = vector.broadcast %eq3A_781 : i32 to vector<128x128xi32>
    %eq3A_783 = arith.cmpi eq, %iota3A, %eq3A_782 : vector<128x128xi32>
    %broadcast_in_dim3A_784 = vector.shape_cast %add3A_780 : vector<128x1xf32> to vector<128x1xf32>
    %broadcast_in_dim3A_785 = vector.broadcast %broadcast_in_dim3A_784 : vector<128x1xf32> to vector<128x128xf32>
    %select_n3A_786 = arith.select %eq3A_783, %broadcast_in_dim3A_785, %select_n3A_770 : vector<128x128xi1>, vector<128x128xf32>
    %eq3A_787 = vector.broadcast %broadcast_in_dim3A_479 : vector<128x1xi32> to vector<128x128xi32>
    %eq3A_788 = arith.cmpi eq, %iota3A, %eq3A_787 : vector<128x128xi32>
    %convert_element_type3A_789 = arith.extui %eq3A_788 : vector<128x128xi1> to vector<128x128xi32>
    %convert_element_type3A_790 = arith.sitofp %convert_element_type3A_789 : vector<128x128xi32> to vector<128x128xf32>
    %mul3A_791 = vector.broadcast %mul3A_539 : vector<1x128xf32> to vector<128x128xf32>
    %mul3A_792 = arith.mulf %convert_element_type3A_790, %mul3A_791 : vector<128x128xf32>
    %reduce_sum3A_793 = arith.constant dense<0.000000e+00> : vector<128xf32>
    %reduce_sum3A_794 = vector.multi_reduction <add>, %mul3A_792, %reduce_sum3A_793 [1] : vector<128x128xf32> to vector<128xf32>
    %broadcast_in_dim3A_795 = vector.shape_cast %reduce_sum3A_794 : vector<128xf32> to vector<128x1xf32>
    %add3A_796 = arith.addf %broadcast_in_dim3A_795, %broadcast_in_dim3A_491 : vector<128x1xf32>
    %eq3A_797 = arith.constant 14 : i32
    %eq3A_798 = vector.broadcast %eq3A_797 : i32 to vector<128x128xi32>
    %eq3A_799 = arith.cmpi eq, %iota3A, %eq3A_798 : vector<128x128xi32>
    %broadcast_in_dim3A_800 = vector.shape_cast %add3A_796 : vector<128x1xf32> to vector<128x1xf32>
    %broadcast_in_dim3A_801 = vector.broadcast %broadcast_in_dim3A_800 : vector<128x1xf32> to vector<128x128xf32>
    %select_n3A_802 = arith.select %eq3A_799, %broadcast_in_dim3A_801, %select_n3A_786 : vector<128x128xi1>, vector<128x128xf32>
    %eq3A_803 = vector.broadcast %broadcast_in_dim3A_512 : vector<128x1xi32> to vector<128x128xi32>
    %eq3A_804 = arith.cmpi eq, %iota3A, %eq3A_803 : vector<128x128xi32>
    %convert_element_type3A_805 = arith.extui %eq3A_804 : vector<128x128xi1> to vector<128x128xi32>
    %convert_element_type3A_806 = arith.sitofp %convert_element_type3A_805 : vector<128x128xi32> to vector<128x128xf32>
    %mul3A_807 = vector.broadcast %mul3A_539 : vector<1x128xf32> to vector<128x128xf32>
    %mul3A_808 = arith.mulf %convert_element_type3A_806, %mul3A_807 : vector<128x128xf32>
    %reduce_sum3A_809 = arith.constant dense<0.000000e+00> : vector<128xf32>
    %reduce_sum3A_810 = vector.multi_reduction <add>, %mul3A_808, %reduce_sum3A_809 [1] : vector<128x128xf32> to vector<128xf32>
    %broadcast_in_dim3A_811 = vector.shape_cast %reduce_sum3A_810 : vector<128xf32> to vector<128x1xf32>
    %add3A_812 = arith.addf %broadcast_in_dim3A_811, %broadcast_in_dim3A_524 : vector<128x1xf32>
    %eq3A_813 = arith.constant 15 : i32
    %eq3A_814 = vector.broadcast %eq3A_813 : i32 to vector<128x128xi32>
    %eq3A_815 = arith.cmpi eq, %iota3A, %eq3A_814 : vector<128x128xi32>
    %broadcast_in_dim3A_816 = vector.shape_cast %add3A_812 : vector<128x1xf32> to vector<128x1xf32>
    %broadcast_in_dim3A_817 = vector.broadcast %broadcast_in_dim3A_816 : vector<128x1xf32> to vector<128x128xf32>
    %select_n3A_818 = arith.select %eq3A_815, %broadcast_in_dim3A_817, %select_n3A_802 : vector<128x128xi1>, vector<128x128xf32>
    %convert_element_type3A_819 = arith.fptosi %select_n3A_818 : vector<128x128xf32> to vector<128x128xi32>
    %swap3A_820 = arith.constant 0 : index
    %swap3A_821 = arith.constant 0 : index
    %swap3A_822 = vector.load %arg2[%swap3A_820, %swap3A_821] : memref<128x128xi32, #tpu.memory_space<vmem>>, vector<128x128xi32>
    tpu.vector_store %arg2[%swap3A_820, %swap3A_821], %convert_element_type3A_819 {strides = array<i32>} : memref<128x128xi32, #tpu.memory_space<vmem>>, vector<128x128xi32>,
    return
  }
  func.func @transform_0(%arg0: i32) -> (i32, i32) {
    %c0_i32 = arith.constant 0 : i32
    %c0_i32_0 = arith.constant 0 : i32
    %c0_i32_1 = arith.constant 0 : i32
    return %c0_i32, %c0_i32_0 : i32, i32
  }
  func.func @transform_1(%arg0: i32) -> (i32, i32) {
    %c0_i32 = arith.constant 0 : i32
    %c0_i32_0 = arith.constant 0 : i32
    %c0_i32_1 = arith.constant 0 : i32
    return %c0_i32, %c0_i32_0 : i32, i32
  }
  func.func @transform_2(%arg0: i32) -> (i32, i32) {
    %c0_i32 = arith.constant 0 : i32
    %c0_i32_0 = arith.constant 0 : i32
    %c0_i32_1 = arith.constant 0 : i32
    return %c0_i32, %c0_i32_0 : i32, i32
  }
}

module attributes {stable_mosaic.version = 14 : i64} {
  func.func @_ffn_body(%arg0: i32, %arg1: memref<128xi32, #tpu.memory_space<smem>>, %arg2: memref<128x768xf32, #tpu.memory_space<vmem>>, %arg3: memref<1x768x1024xf32, #tpu.memory_space<vmem>>, %arg4: memref<1x1024x768xf32, #tpu.memory_space<vmem>>, %arg5: memref<128x768xf32, #tpu.memory_space<vmem>>) attributes {dimension_semantics = [#tpu.dimension_semantics<arbitrary>], iteration_bounds = array<i64: 24>, scalar_prefetch = 1 : i64, scratch_operands = 0 : i64, tpu.core_type = #tpu.core_type<tc>, window_params = [{transform_indices = @transform_0, window_bounds = array<i64: 128, 768>}, {transform_indices = @transform_1, window_bounds = array<i64: 1, 768, 1024>}, {transform_indices = @transform_2, window_bounds = array<i64: 1, 1024, 768>}, {transform_indices = @transform_3, window_bounds = array<i64: 128, 768>}]} {
    %get3A = arith.constant 0 : index
    %get3A_0 = arith.constant 0 : index
    %get3A_1 = vector.load %arg2[%get3A, %get3A_0] : memref<128x768xf32, #tpu.memory_space<vmem>>, vector<128x768xf32>
    %get3A_2 = arith.constant 0 : index
    %get3A_3 = arith.constant 0 : index
    %get3A_4 = arith.constant 0 : index
    %get3A_5 = vector.load %arg3[%get3A_2, %get3A_3, %get3A_4] : memref<1x768x1024xf32, #tpu.memory_space<vmem>>, vector<1x768x1024xf32>
    %get3A_6 = vector.shape_cast %get3A_5 : vector<1x768x1024xf32> to vector<768x1024xf32>
    %dot_general3A = arith.constant dense<0.000000e+00> : vector<128x1024xf32>
    %dot_general3A_7 = tpu.matmul %get3A_1, %get3A_6, %dot_general3A {dimension_numbers = #tpu.dot_dimension_numbers<[1], [0], [0], [1], [0, 0, 1, 1], [], []>, transpose_lhs_hint = false} : vector<128x768xf32>, vector<768x1024xf32>, vector<128x1024xf32> -> vector<128x1024xf32>
    %max3A = arith.constant 0.000000e+00 : f32
    %max3A_8 = vector.broadcast %max3A : f32 to vector<128x1024xf32>
    %max3A_9 = arith.maximumf %dot_general3A_7, %max3A_8 : vector<128x1024xf32>
    %get3A_10 = arith.constant 0 : index
    %get3A_11 = arith.constant 0 : index
    %get3A_12 = arith.constant 0 : index
    %get3A_13 = vector.load %arg4[%get3A_10, %get3A_11, %get3A_12] : memref<1x1024x768xf32, #tpu.memory_space<vmem>>, vector<1x1024x768xf32>
    %get3A_14 = vector.shape_cast %get3A_13 : vector<1x1024x768xf32> to vector<1024x768xf32>
    %dot_general3A_15 = arith.constant dense<0.000000e+00> : vector<128x768xf32>
    %dot_general3A_16 = tpu.matmul %max3A_9, %get3A_14, %dot_general3A_15 {dimension_numbers = #tpu.dot_dimension_numbers<[1], [0], [0], [1], [0, 0, 1, 1], [], []>, transpose_lhs_hint = false} : vector<128x1024xf32>, vector<1024x768xf32>, vector<128x768xf32> -> vector<128x768xf32>
    %swap3A = arith.constant 0 : index
    %swap3A_17 = arith.constant 0 : index
    %swap3A_18 = vector.load %arg5[%swap3A, %swap3A_17] : memref<128x768xf32, #tpu.memory_space<vmem>>, vector<128x768xf32>
    tpu.vector_store %arg5[%swap3A, %swap3A_17], %dot_general3A_16 {strides = array<i32>} : memref<128x768xf32, #tpu.memory_space<vmem>>, vector<128x768xf32>,
    return
  }
  func.func @transform_0(%arg0: i32, %arg1: memref<128xi32, #tpu.memory_space<smem>>) -> (i32, i32) {
    %c0_i32 = arith.constant 0 : i32
    %c0_i32_0 = arith.constant 0 : i32
    return %arg0, %c0_i32 : i32, i32
  }
  func.func @transform_1(%arg0: i32, %arg1: memref<128xi32, #tpu.memory_space<smem>>) -> (i32, i32, i32) {
    %get3A = arith.index_cast %arg0 : i32 to index
    %get3A_0 = memref.load %arg1[%get3A] : memref<128xi32, #tpu.memory_space<smem>>
    %c0_i32 = arith.constant 0 : i32
    %c0_i32_1 = arith.constant 0 : i32
    %c0_i32_2 = arith.constant 0 : i32
    return %get3A_0, %c0_i32, %c0_i32_1 : i32, i32, i32
  }
  func.func @transform_2(%arg0: i32, %arg1: memref<128xi32, #tpu.memory_space<smem>>) -> (i32, i32, i32) {
    %get3A = arith.index_cast %arg0 : i32 to index
    %get3A_0 = memref.load %arg1[%get3A] : memref<128xi32, #tpu.memory_space<smem>>
    %c0_i32 = arith.constant 0 : i32
    %c0_i32_1 = arith.constant 0 : i32
    %c0_i32_2 = arith.constant 0 : i32
    return %get3A_0, %c0_i32, %c0_i32_1 : i32, i32, i32
  }
  func.func @transform_3(%arg0: i32, %arg1: memref<128xi32, #tpu.memory_space<smem>>) -> (i32, i32) {
    %c0_i32 = arith.constant 0 : i32
    %c0_i32_0 = arith.constant 0 : i32
    return %arg0, %c0_i32 : i32, i32
  }
}

module attributes {stable_mosaic.version = 14 : i64} {
  func.func @_mm_bias_body(%arg0: i32, %arg1: i32, %arg2: memref<2048x768xf32, #tpu.memory_space<vmem>>, %arg3: memref<768x1280xf32, #tpu.memory_space<vmem>>, %arg4: memref<1x1280xf32, #tpu.memory_space<vmem>>, %arg5: memref<2048x1280xf32, #tpu.memory_space<vmem>>) attributes {dimension_semantics = [#tpu.dimension_semantics<arbitrary>, #tpu.dimension_semantics<arbitrary>], iteration_bounds = array<i64: 1, 25>, scalar_prefetch = 0 : i64, scratch_operands = 0 : i64, tpu.core_type = #tpu.core_type<tc>, window_params = [{transform_indices = @transform_0, window_bounds = array<i64: 2048, 768>}, {transform_indices = @transform_1, window_bounds = array<i64: 768, 1280>}, {transform_indices = @transform_2, window_bounds = array<i64: 1, 1280>}, {transform_indices = @transform_3, window_bounds = array<i64: 2048, 1280>}]} {
    %get3A = arith.constant 0 : index
    %get3A_0 = arith.constant 0 : index
    %get3A_1 = vector.load %arg4[%get3A, %get3A_0] : memref<1x1280xf32, #tpu.memory_space<vmem>>, vector<1x1280xf32>
    %get3A_2 = arith.constant 0 : index
    %get3A_3 = arith.constant 0 : index
    %get3A_4 = vector.load %arg2[%get3A_2, %get3A_3] : memref<2048x768xf32, #tpu.memory_space<vmem>>, vector<2048x768xf32>
    %get3A_5 = arith.constant 0 : index
    %get3A_6 = arith.constant 0 : index
    %get3A_7 = vector.load %arg3[%get3A_5, %get3A_6] : memref<768x1280xf32, #tpu.memory_space<vmem>>, vector<768x1280xf32>
    %dot_general3A = arith.constant dense<0.000000e+00> : vector<2048x1280xf32>
    %dot_general3A_8 = tpu.matmul %get3A_4, %get3A_7, %dot_general3A {dimension_numbers = #tpu.dot_dimension_numbers<[1], [0], [0], [1], [0, 0, 1, 1], [], []>, transpose_lhs_hint = false} : vector<2048x768xf32>, vector<768x1280xf32>, vector<2048x1280xf32> -> vector<2048x1280xf32>
    %add3A = vector.broadcast %get3A_1 : vector<1x1280xf32> to vector<2048x1280xf32>
    %add3A_9 = arith.addf %add3A, %dot_general3A_8 : vector<2048x1280xf32>
    %swap3A = arith.constant 0 : index
    %swap3A_10 = arith.constant 0 : index
    %swap3A_11 = vector.load %arg5[%swap3A, %swap3A_10] : memref<2048x1280xf32, #tpu.memory_space<vmem>>, vector<2048x1280xf32>
    tpu.vector_store %arg5[%swap3A, %swap3A_10], %add3A_9 {strides = array<i32>} : memref<2048x1280xf32, #tpu.memory_space<vmem>>, vector<2048x1280xf32>,
    return
  }
  func.func @transform_0(%arg0: i32, %arg1: i32) -> (i32, i32) {
    %c0_i32 = arith.constant 0 : i32
    %c0_i32_0 = arith.constant 0 : i32
    return %arg0, %c0_i32 : i32, i32
  }
  func.func @transform_1(%arg0: i32, %arg1: i32) -> (i32, i32) {
    %c0_i32 = arith.constant 0 : i32
    %c0_i32_0 = arith.constant 0 : i32
    return %c0_i32, %arg1 : i32, i32
  }
  func.func @transform_2(%arg0: i32, %arg1: i32) -> (i32, i32) {
    %c0_i32 = arith.constant 0 : i32
    %c0_i32_0 = arith.constant 0 : i32
    return %c0_i32, %arg1 : i32, i32
  }
  func.func @transform_3(%arg0: i32, %arg1: i32) -> (i32, i32) {
    %c0_i32 = arith.constant 0 : i32
    return %arg0, %arg1 : i32, i32
  }
}

</mosaic_0001>

<sc_bundles>
// kernel: kernel.12.cloned.1.call-start
scs
__scs_entry_jumppad:
0x0: {  	(pc) =	sbr.rel $0x88, $3  }
0x1: {  	(tag) =	ssettag $0x0;
	lr =	simm.s32 $0x1  }
0x2: {  	[smem:$0x3F93] =	sst lr;
	_ =	strace $0xD0000000  }
0x3: {  	_ = 	snop  }
0x4: {  	_ = 	snop  }
0x5: {  	_ = 	snop  }
0x6: {  	_ = 	snop  }
0x7: {  	_ = 	snop  }
__scs_overlays_trampoline_lowered:
0x8: {  	[smem:$0x3FA2] =	sst s0  }
0x9: {  	[smem:$0x3FA3] =	sst s1  }
0xa: {  	[smem:$0x3FA4] =	sst s2  }
0xb: {  	[smem:$0x3FA5] =	sst s3  }
0xc: {  	[smem:$0x3FA6] =	sst s4  }
0xd: {  	[smem:$0x3FA7] =	sst s5  }
0xe: {  	[smem:$0x3FA8] =	sst s6  }
0xf: {  	[smem:$0x3FA9] =	sst s7  }
0x10: {  	[smem:$0x3FAA] =	sst s8  }
0x11: {  	[smem:$0x3FAB] =	sst s9;
	s0 =	simm.s32 @!p0 $0x0  }
0x12: {  	s1 =	sld [smem:$0x3F91];
	s0 =	simm.s32 @p0 $0x1  }
0x13: {  	[smem:$0x3FAC] =	sst s0;
	s0 =	simm.s32 @!p1 $0x0  }
0x14: {  	s2 =	sld [smem:$0x3F90];
	s0 =	simm.s32 @p1 $0x1  }
0x15: {  	[smem:$0x3FAD] =	sst s0;
	s0 =	simm.s32 @!p2 $0x0  }
0x16: {  	s3 =	sld [smem:$0x3FDB];
	s0 =	simm.s32 @p2 $0x1  }
0x17: {  	s4 =	simm.s32 $0x1BF5;
	[smem:$0x3FAF] =	sst s0  }
0x18: {  	s0 =	sld [smem:$0x3F92];
	_ =	swait.ge [sflag:s4], $0x0  }
0x19: {  	s7 =	sld [smem:$0x3F93]  }
0x1a: {  	s8 =	sadd.s32 $0xFFFFE003, lr  }
0x1b: {  	s9 =	sadd.s32 $0xFFFFFEF7, lr;
	s5 =	simm.s32 $0xFFFFFFFF;
	p2 =	slt.u32 s8, $0xFFFFF086  }
0x1c: {  	p1 =	slt.u32 s9, $0xF7A;
	s5 =	simm.s32 @!p2 $0x0  }
0x1d: {  	s5 =	simm.s32 @p1 $0x1;
	p0 =	seq.s32 s7, s2  }
0x1e: {  	s7 =	smul.u32 @!p0 $0xF7A, s2;
	p2 =	seq.s32 @!p0 s5, $0x0  }
0x1f: {  	s9 =	smul.u32 $0xF7A, s1;
	s8 =	simm.s32 @!p0 $0x1BF5;
	p2 =	por !p2, p0  }
0x20: {  	[sflag:s8] =	ssyncset.s32 @!p0 $0xFFFFF086;
	s6 =	sadd.s32 @!p0 s3, s7;
	s7 =	simm.s32 @!p0 $0x108  }
0x21: {  	s3 =	sadd.s32 s3, s9;
	s6 =	sadd.s32 @!p0 $0x88, s6;
	s7 =	simm.s32 @p2 $0x1082  }
0x22: {  	[simem:s7], [sflag:s8] =	dma.local @!p0 [hbm:s6], $0xF7A  }
0x23: {  	s9 =	sor.u32 $0xD0000000, s2;
	s6 =	simm.s32 $0x108;
	_ =	swait.ge @!p0 [sflag:s8], $0x0  }
0x24: {  	s3 =	sadd.s32 $0x88, s3;
	s6 =	simm.s32 @!p1 $0x1082;
	[sflag:s4] =	ssyncset.s32 $0xFFFFF086  }
0x25: {  	[simem:s6], [sflag:s4] =	dma.local [hbm:s3], $0xF7A  }
0x26: {  	[smem:$0x3F93] =	sst s1;
	(tag) =	ssettag s2;
	_ =	strace s9  }
0x27: {  	s1 =	sld [smem:$0x3FA3]  }
0x28: {  	s2 =	sld [smem:$0x3FA4]  }
0x29: {  	s4 =	sld [smem:$0x3FA6]  }
0x2a: {  	p0 =	seq.s32 s5, $0x0;
	s5 =	sld [smem:$0x3FA7]  }
0x2b: {  	s6 =	sld [smem:$0x3FA8]  }
0x2c: {  	s7 =	sld [smem:$0x3FA9]  }
0x2d: {  	s3 =	simm.s32 $0x108;
	s8 =	sld [smem:$0x3FAA]  }
0x2e: {  	s3 =	simm.s32 @!p0 $0x1082;
	s9 =	sld [smem:$0x3FAB]  }
0x2f: {  	lr =	sadd.s32 s0, s3;
	s0 =	sld [smem:$0x3FA2]  }
0x30: {  	s3 =	sld [smem:$0x3FA5]  }
0x31: {  	[smem:$0x3FAE] =	sst s10  }
0x32: {  	s10 =	sld [smem:$0x3FAC];
	_ =	sdelay $0x3  }
0x33: {  	p0 =	seq.s32 s10, $0x1;
	s10 =	sld [smem:$0x3FAE];
	_ =	sdelay $0x3  }
0x34: {  	[smem:$0x3FAE] =	sst s10  }
0x35: {  	s10 =	sld [smem:$0x3FAD];
	_ =	sdelay $0x3  }
0x36: {  	p1 =	seq.s32 s10, $0x1;
	s10 =	sld [smem:$0x3FAE];
	_ =	sdelay $0x3  }
0x37: {  	[smem:$0x3FAE] =	sst s10  }
0x38: {  	s10 =	sld [smem:$0x3FAF]  }
0x39: {  	_ = 	snop;
	(pc) =	sbr.ind lr, $3  }
0x3a: {  	_ = 	snop  }
0x3b: {  	_ = 	snop  }
0x3c: {  	p2 =	seq.s32 s10, $0x1;
	s10 =	sld [smem:$0x3FAE]  }
0x3d: {  	_ =	shalt  }
0x3e: {  	_ =	shalt  }
0x3f: {  	_ =	shalt  }
0x40: {  	_ =	shalt  }
0x41: {  	_ =	shalt  }
0x42: {  	_ =	shalt  }
0x43: {  	_ =	shalt  }
0x44: {  	_ =	shalt  }
0x45: {  	_ =	shalt  }
0x46: {  	_ =	shalt  }
0x47: {  	_ =	shalt  }
0x48: {  	_ =	shalt  }
0x49: {  	_ =	shalt  }
0x4a: {  	_ =	shalt  }
0x4b: {  	_ =	shalt  }
0x4c: {  	_ =	shalt  }
0x4d: {  	_ =	shalt  }
0x4e: {  	_ =	shalt  }
0x4f: {  	_ =	shalt  }
0x50: {  	_ =	shalt  }
0x51: {  	_ =	shalt  }
0x52: {  	_ =	shalt  }
0x53: {  	_ =	shalt  }
0x54: {  	_ =	shalt  }
0x55: {  	_ =	shalt  }
0x56: {  	_ =	shalt  }
0x57: {  	_ =	shalt  }
0x58: {  	_ =	shalt  }
0x59: {  	_ =	shalt  }
0x5a: {  	_ =	shalt  }
0x5b: {  	_ =	shalt  }
0x5c: {  	_ =	shalt  }
0x5d: {  	_ =	shalt  }
0x5e: {  	_ =	shalt  }
0x5f: {  	_ =	shalt  }
0x60: {  	_ =	shalt  }
0x61: {  	_ =	shalt  }
0x62: {  	_ =	shalt  }
0x63: {  	_ =	shalt  }
0x64: {  	_ =	shalt  }
0x65: {  	_ =	shalt  }
0x66: {  	_ =	shalt  }
0x67: {  	_ =	shalt  }
0x68: {  	_ =	shalt  }
0x69: {  	_ =	shalt  }
0x6a: {  	_ =	shalt  }
0x6b: {  	_ =	shalt  }
0x6c: {  	_ =	shalt  }
0x6d: {  	_ =	shalt  }
0x6e: {  	_ =	shalt  }
0x6f: {  	_ =	shalt  }
0x70: {  	_ =	shalt  }
0x71: {  	_ =	shalt  }
0x72: {  	_ =	shalt  }
0x73: {  	_ =	shalt  }
0x74: {  	_ =	shalt  }
0x75: {  	_ =	shalt  }
0x76: {  	_ =	shalt  }
0x77: {  	_ =	shalt  }
0x78: {  	_ =	shalt  }
0x79: {  	_ =	shalt  }
0x7a: {  	_ =	shalt  }
0x7b: {  	_ =	shalt  }
0x7c: {  	_ =	shalt  }
0x7d: {  	_ =	shalt  }
0x7e: {  	_ =	shalt  }
0x7f: {  	_ =	shalt  }
0x80: {  	_ =	shalt  }
0x81: {  	_ =	shalt  }
0x82: {  	_ =	shalt  }
0x83: {  	_ =	shalt  }
0x84: {  	_ =	shalt  }
0x85: {  	_ =	shalt  }
0x86: {  	_ =	shalt  }
0x87: {  	_ =	shalt  }
.Lfunc_end0:
.L_simem_size_0:
called_computation_lowered:
.L_overlay_start_0:
0x88: {  	s2 =	sld [smem:$0x3FD9]  }
0x89: {  	s3 =	sld [smem:$0x3FFE];
	_ =	sdelay $0x1  }
0x8a: {  	s1 =	srdreg.scid  }
0x8b: {  	s0 =	sand.u32 $0x1, s1  }
0x8c: {  	s18 =	sshll.u32 s0, $0xA;
	s2 =	sadd.s32 s3, s2  }
0x8d: {  	s2 =	sadd.s32 s2, s18  }
0x8e: {  	[smem:$0x3FBA] =	sst s2  }
0x8f: {  	_ = 	snop  }
0x90: {  	s2 =	sld [smem:$0x3FC9]  }
0x91: {  	s19 =	sld [smem:$0x3FC8]  }
0x92: {  	s4 =	sld [smem:$0x3FD0];
	(tm) =	ssettm $0x1  }
0x93: {  	s5 =	sld [smem:$0x3FFB];
	_ =	sdelay $0x3  }
0x94: {  	_ =	strace s5  }
0x95: {  	s5 =	sld [smem:$0x3FFC];
	_ =	sdelay $0x3  }
0x96: {  	_ =	strace s5  }
0x97: {  	s5 =	sld [smem:$0x3FFD];
	_ =	sdelay $0x3  }
0x98: {  	_ =	strace s5  }
0x99: {  	_ =	strace $0x8FFFFFFF  }
0x9a: {  	s20 =	sld [smem:$0x3FDB];
	_ =	sdelay $0x1  }
0x9b: {  	s6 =	simm.s32 $_scs_section_size  }
0x9c: {  	s7 =	simm.s32 $_size__tile_overlayer_lowered;
	s8 =	simm.s32 $_tile_overlayer_lowered  }
0x9d: {  	s23 =	simm.s32 $0x1BFF;
	s22 =	sshll.u32 s8, $0x1;
	s5 =	sadd.s32 s6, s20  }
0x9e: {  	s9 =	simm.s32 $0x0;
	s21 =	sshll.u32 s7, $0x1;
	s7 =	sadd.s32 s22, s5  }
0x9f: {  	[timem:s9], [sflag:s23] =	dma.local [hbm:s7], s21  }
0xa0: {  	_ =	swait.ge [sflag:s23], s21  }
0xa1: {  	s6 =	ssub.s32 $0x0, s21;
	[sflag:s23] =	ssyncset.done $0x0  }
0xa2: {  	[sflag:s23] =	ssyncadd.s32 s6;
	_ =	sdelay $0x1  }
0xa3: {  	s24 =	simm.s32 $0x1B8B  }
0xa4: {  	_ =	swait.ge [sflag:s24], $0x1  }
0xa5: {  	[sflag:s24] =	ssyncset.done $0x0  }
0xa6: {  	s25 =	simm.s32 $0x1B8E;
	[sflag:s24] =	ssyncadd.s32 $0xFFFFFFFF  }
0xa7: {  	s26 =	simm.s32 $execute0_lowered;
	[smem:$0x3FD2] =	sst s25  }
0xa8: {  	s6 =	sshll.u32 s26, $0x1;
	_ =	strace $0x80000046;
	[dreg:$0x1] =	wrdreg $0xFFFFFFFF  }
0xa9: {  	s28 =	simm.s32 $_size_execute0_lowered;
	s5 =	sadd.s32 s5, s6;
	[dreg:$0x0] =	wrdreg $0x0  }
0xaa: {  	s6 =	sshll.u32 s28, $0x1;
	[dreg:$0x2] =	wrdreg s5  }
0xab: {  	[dreg:$0x3] =	wrdreg s6  }
0xac: {  	[dreg:$0x4] =	wrdreg $0xC0  }
0xad: {  	_ =	task [dreg:s9], $0x5FFFF  }
0xae: {  	[dreg:$0x1] =	wrdreg $0xFFFFFFFF  }
0xaf: {  	[dreg:$0x0] =	wrdreg $0x60  }
0xb0: {  	[dreg:$0x2] =	wrdreg s19  }
0xb1: {  	[dreg:$0x3] =	wrdreg s2  }
0xb2: {  	[dreg:$0x4] =	wrdreg s4  }
0xb3: {  	[dreg:$0x5] =	wrdreg $0x9  }
0xb4: {  	_ =	task.clear_ibuf [dreg:s9], $0x6FFFF;
	_ =	strace $0x90000046  }
0xb5: {  	s29 =	simm.s32 $0x9;
	_ =	strace $0x80000048  }
0xb6: {  	_ =	swait.ge [sflag:s29], $0x1  }
0xb7: {  	[sflag:s29] =	ssyncadd.s32 $0xFFFFFFFF  }
0xb8: {  	_ =	strace $0x90000048  }
0xb9: {  	_ =	sfence  }
0xba: {  	s30 =	sld [smem:$0x0];
	_ =	sdelay $0x2  }
0xbb: {  	s31 =	sshll.u32 s1, $0xD;
	s1 =	sshrl.u32 s1, $0x2  }
0xbc: {  	s3 =	sand.u32 $0x4000, s31;
	s1 =	sadd.s32 s1, s30  }
0xbd: {  	s0 =	sor.u32 s3, s0;
	s1 =	sshll.u32 s1, $0x11  }
0xbe: {  	s0 =	sor.u32 s1, s0  }
0xbf: {  	s0 =	sadd.s32 $0x8F2B, s0  }
0xc0: {  	[sflag:s0] =	ssyncadd.remote.s32 $0x1  }
0xc1: {  	_ =	sfence.sel $0xFFFF  }
0xc2: {  	[dreg:$0x0] =	wrdreg $0xFFFFFFFF;
	(pc) =	sbr.abs _section_cstart, $3  }
0xc3: {  	[dreg:$0x1] =	wrdreg $0xFFFFFFFF  }
0xc4: {  	_ =	task.clear_ibuf [dreg:s9], $0x2FFFF;
	_ =	strace $0x9FFFFFFF  }
0xc5: {  	(tm) =	ssettm $0x7FFFFFFF  }
tec
execute0_lowered:
.L_overlay_start_1:
0x0: {  	(tag) =	ssettag $0x1  }
0x1: {  	s2 =	rddreg [dreg:$0x0]  }
0x2: {  	s0 =	rddreg [dreg:$0x1];
	s3 =	srdreg.scid  }
0x3: {  	s5 =	rddreg [dreg:$0x2];
	s1 =	stileid.u32  }
0x4: {  	s26 =	simm.s32 $0x880;
	s9 =	simm.s32 $0x1080;
	s10 =	simm.s32 $0x1880  }
0x5: {  	s11 =	simm.s32 $0x2080;
	s12 =	simm.s32 $0x2880;
	s13 =	simm.s32 $0x3080  }
0x6: {  	s14 =	simm.s32 $0x3880;
	s15 =	simm.s32 $0x4080;
	s16 =	simm.s32 $0x4880  }
0x7: {  	s17 =	simm.s32 $0x5080;
	s18 =	simm.s32 $0x5880;
	s19 =	simm.s32 $0x6080  }
0x8: {  	s20 =	simm.s32 $0x6880;
	s21 =	simm.s32 $0x7080;
	s22 =	simm.s32 $0x7880  }
0x9: {  	s23 =	simm.s32 $0x8080;
	s28 =	simm.s32 $0xA080;
	s29 =	simm.s32 $0xA880  }
0xa: {  	s30 =	simm.s32 $0xB080;
	s31 =	simm.s32 $0xB880;
	s4 =	sand.u32 $0x1, s3  }
0xb: {  	s6 =	sshll.u32 s1, $0x4;
	s3 =	simm.s32 $0x0;
	s7 =	sshll.u32 s4, $0x3  }
0xc: {  	s4 =	ssub.s32 $0x2, s4;
	[smem:$0x7FF] =	sst s3;
	s6 =	sor.u32 s7, s6  }
0xd: {  	s24 =	sshrl.u32 s4, $0x1;
	_ =	strace $0x80000047;
	[dreg:$0x6] =	wrdreg s26  }
0xe: {  	s26 =	simm.s32 $0x9880;
	s8 =	smul.u32 $0x300, s6;
	s7 =	ssub.s32 s4, s24  }
0xf: {  	s0 =	sadd.s32 s0, s6;
	s4 =	sadd.s32 $0x100, s2;
	s24 =	simm.s32 $0x8880  }
0x10: {  	v2 =	vlaneseq.u32;
	[dreg:$0x4] =	wrdreg s0;
	s6 =	smax.u32 s7, $0x1;
	s7 =	simm.s32 $0x2  }
0x11: {  	vm0 =	vmmov $0xffff;
	v1 =	vshrl.u32 v2, $0x3;
	s0 =	simm.s32 $0x1;
	s25 =	sadd.s32 s5, s8;
	s5 =	sadd.s32 $0x200, s2  }
0x12: {  	v0 =	vand.u32 $0x7, v2;
	v2 =	vor.u32 $0x8, v2;
	v1 =	vmul.u32 $0x8, v1;
	s8 =	simm.s32 $0x80;
	[dreg:$0x5] =	wrdreg s25;
	s25 =	simm.s32 $0x9080  }
.LBB2_1:
0x13: {  	s1 =	rddreg [dreg:$0x4]  }
0x14: {  	[tilespmem:s3], [sflag:$0x2] =	stream.linear.gather [hbm4b:s1+s3], $0x40, $0x38;
	[tilespmem:$0xC080] =	vst v63  }
0x15: {  	_ =	swait.ge [sflag:s7], $0x40  }
0x16: {  	[sflag:s7] =	ssyncset.done $0x0  }
0x17: {  	[sflag:s7] =	ssyncadd.s32 $0xFFFFFFC0  }
0x18: {  	v3 =	vld [tilespmem:$0x0];
	_ =	sdelay $0x4  }
0x19: {  	v4 =	vshrl.u32 v3, $0x3  }
0x1a: {  	v4 =	vmul.u32 $0x30, v4  }
0x1b: {  	v3 =	vand.u32 $0x7, v3  }
0x1c: {  	v3 =	vor.u32 v3, v4  }
0x1d: {  	v4 =	vperm.xlane v3, v0;
	_ =	sdelay $0x1  }
0x1e: {  	v4 =	vadd.s32 v1, v4;
	_ =	sdelay $0x3  }
0x1f: {  	v3 =	vperm.xlane v3, v2  }
0x20: {  	[tilespmem:s8], [sflag:$0x1] =	stream.indirect_vreg.gather [hbm4b:s2+s3], $0x80, v4, vm0, $0xb8;
	[tilespmem:$0xC080] =	vst v63  }
0x21: {  	s1 =	rddreg [dreg:$0x6];
	v3 =	vadd.s32 v1, v3  }
0x22: {  	[tilespmem:s1], [sflag:$0x1] =	stream.indirect_vreg.gather [hbm4b:s4+s3], $0x80, v4, vm0, $0xb8;
	[tilespmem:$0xC080] =	vst v63  }
0x23: {  	_ = 	snop  }
0x24: {  	[tilespmem:s9], [sflag:$0x1] =	stream.indirect_vreg.gather [hbm4b:s5+s3], $0x80, v4, vm0, $0xb8;
	[tilespmem:$0xC080] =	vst v63  }
0x25: {  	_ = 	snop  }
0x26: {  	[tilespmem:s10], [sflag:$0x1] =	stream.indirect_vreg.gather [hbm4b:s2+s3], $0x80, v3, vm0, $0xb8;
	[tilespmem:$0xC080] =	vst v63  }
0x27: {  	_ = 	snop  }
0x28: {  	[tilespmem:s11], [sflag:$0x1] =	stream.indirect_vreg.gather [hbm4b:s4+s3], $0x80, v3, vm0, $0xb8;
	[tilespmem:$0xC080] =	vst v63  }
0x29: {  	_ = 	snop  }
0x2a: {  	[tilespmem:s12], [sflag:$0x1] =	stream.indirect_vreg.gather [hbm4b:s5+s3], $0x80, v3, vm0, $0xb8;
	[tilespmem:$0xC080] =	vst v63  }
0x2b: {  	v3 =	vld [tilespmem:$0x10];
	_ =	sdelay $0x4  }
0x2c: {  	v61 =	vshrl.u32 v3, $0x3  }
0x2d: {  	v4 =	vmul.u32 $0x30, v61  }
0x2e: {  	v3 =	vand.u32 $0x7, v3  }
0x2f: {  	v3 =	vor.u32 v3, v4  }
0x30: {  	v4 =	vperm.xlane v3, v0;
	_ =	sdelay $0x1  }
0x31: {  	v4 =	vadd.s32 v1, v4;
	_ =	sdelay $0x3  }
0x32: {  	v3 =	vperm.xlane v3, v2  }
0x33: {  	[tilespmem:s13], [sflag:$0x1] =	stream.indirect_vreg.gather [hbm4b:s2+s3], $0x80, v4, vm0, $0xb8;
	[tilespmem:$0xC080] =	vst v63  }
0x34: {  	v3 =	vadd.s32 v1, v3  }
0x35: {  	[tilespmem:s14], [sflag:$0x1] =	stream.indirect_vreg.gather [hbm4b:s4+s3], $0x80, v4, vm0, $0xb8;
	[tilespmem:$0xC080] =	vst v63  }
0x36: {  	_ = 	snop  }
0x37: {  	[tilespmem:s15], [sflag:$0x1] =	stream.indirect_vreg.gather [hbm4b:s5+s3], $0x80, v4, vm0, $0xb8;
	[tilespmem:$0xC080] =	vst v63  }
0x38: {  	_ = 	snop  }
0x39: {  	[tilespmem:s16], [sflag:$0x1] =	stream.indirect_vreg.gather [hbm4b:s2+s3], $0x80, v3, vm0, $0xb8;
	[tilespmem:$0xC080] =	vst v63  }
0x3a: {  	_ = 	snop  }
0x3b: {  	[tilespmem:s17], [sflag:$0x1] =	stream.indirect_vreg.gather [hbm4b:s4+s3], $0x80, v3, vm0, $0xb8;
	[tilespmem:$0xC080] =	vst v63  }
0x3c: {  	_ = 	snop  }
0x3d: {  	[tilespmem:s18], [sflag:$0x1] =	stream.indirect_vreg.gather [hbm4b:s5+s3], $0x80, v3, vm0, $0xb8;
	[tilespmem:$0xC080] =	vst v63  }
0x3e: {  	v3 =	vld [tilespmem:$0x20];
	_ =	sdelay $0x4  }
0x3f: {  	v62 =	vshrl.u32 v3, $0x3  }
0x40: {  	v4 =	vmul.u32 $0x30, v62  }
0x41: {  	v3 =	vand.u32 $0x7, v3  }
0x42: {  	v3 =	vor.u32 v3, v4  }
0x43: {  	v4 =	vperm.xlane v3, v0;
	_ =	sdelay $0x1  }
0x44: {  	v4 =	vadd.s32 v1, v4;
	_ =	sdelay $0x3  }
0x45: {  	v3 =	vperm.xlane v3, v2  }
0x46: {  	[tilespmem:s19], [sflag:$0x1] =	stream.indirect_vreg.gather [hbm4b:s2+s3], $0x80, v4, vm0, $0xb8;
	[tilespmem:$0xC080] =	vst v63  }
0x47: {  	v3 =	vadd.s32 v1, v3  }
0x48: {  	[tilespmem:s20], [sflag:$0x1] =	stream.indirect_vreg.gather [hbm4b:s4+s3], $0x80, v4, vm0, $0xb8;
	[tilespmem:$0xC080] =	vst v63  }
0x49: {  	_ = 	snop  }
0x4a: {  	[tilespmem:s21], [sflag:$0x1] =	stream.indirect_vreg.gather [hbm4b:s5+s3], $0x80, v4, vm0, $0xb8;
	[tilespmem:$0xC080] =	vst v63  }
0x4b: {  	_ = 	snop  }
0x4c: {  	[tilespmem:s22], [sflag:$0x1] =	stream.indirect_vreg.gather [hbm4b:s2+s3], $0x80, v3, vm0, $0xb8;
	[tilespmem:$0xC080] =	vst v63  }
0x4d: {  	_ = 	snop  }
0x4e: {  	[tilespmem:s23], [sflag:$0x1] =	stream.indirect_vreg.gather [hbm4b:s4+s3], $0x80, v3, vm0, $0xb8;
	[tilespmem:$0xC080] =	vst v63  }
0x4f: {  	_ = 	snop  }
0x50: {  	[tilespmem:s24], [sflag:$0x1] =	stream.indirect_vreg.gather [hbm4b:s5+s3], $0x80, v3, vm0, $0xb8;
	[tilespmem:$0xC080] =	vst v63  }
0x51: {  	v3 =	vld [tilespmem:$0x30];
	_ =	sdelay $0x4  }
0x52: {  	v63 =	vshrl.u32 v3, $0x3  }
0x53: {  	v4 =	vmul.u32 $0x30, v63  }
0x54: {  	v3 =	vand.u32 $0x7, v3  }
0x55: {  	v3 =	vor.u32 v3, v4  }
0x56: {  	v4 =	vperm.xlane v3, v0;
	_ =	sdelay $0x1  }
0x57: {  	v4 =	vadd.s32 v1, v4;
	_ =	sdelay $0x3  }
0x58: {  	v3 =	vperm.xlane v3, v2  }
0x59: {  	[tilespmem:s25], [sflag:$0x1] =	stream.indirect_vreg.gather [hbm4b:s2+s3], $0x80, v4, vm0, $0xb8;
	[tilespmem:$0xC080] =	vst v63  }
0x5a: {  	v3 =	vadd.s32 v1, v3  }
0x5b: {  	[tilespmem:s26], [sflag:$0x1] =	stream.indirect_vreg.gather [hbm4b:s4+s3], $0x80, v4, vm0, $0xb8;
	[tilespmem:$0xC080] =	vst v63  }
0x5c: {  	_ = 	snop  }
0x5d: {  	[tilespmem:s28], [sflag:$0x1] =	stream.indirect_vreg.gather [hbm4b:s5+s3], $0x80, v4, vm0, $0xb8;
	[tilespmem:$0xC080] =	vst v63  }
0x5e: {  	_ = 	snop  }
0x5f: {  	[tilespmem:s29], [sflag:$0x1] =	stream.indirect_vreg.gather [hbm4b:s2+s3], $0x80, v3, vm0, $0xb8;
	[tilespmem:$0xC080] =	vst v63  }
0x60: {  	_ = 	snop  }
0x61: {  	[tilespmem:s30], [sflag:$0x1] =	stream.indirect_vreg.gather [hbm4b:s4+s3], $0x80, v3, vm0, $0xb8;
	[tilespmem:$0xC080] =	vst v63  }
0x62: {  	_ = 	snop  }
0x63: {  	[tilespmem:s31], [sflag:$0x1] =	stream.indirect_vreg.gather [hbm4b:s5+s3], $0x80, v3, vm0, $0xb8;
	[tilespmem:$0xC080] =	vst v63  }
0x64: {  	_ =	swait.ge [sflag:s0], $0xC000  }
0x65: {  	p0 =	sne.s32 s6, $0x1;
	[sflag:s0] =	ssyncset.done $0x0  }
.Ltmp0:
0x66: {  	s1 =	rddreg [dreg:$0x5];
	[sflag:s0] =	ssyncadd.s32 $0xFFFF4000;
	(pc) =	sbr.rel @p0 .LBB2_1-.Ltmp0, $4  }
0x67: {  	[hbm4b:s1+s3] =	stream.linear.scatter [tilespmem:s8], [sflag:$0x2], $0xC000, $0x38;
	[tilespmem:$0xC080] =	vst v63  }
0x68: {  	_ =	swait.ge [sflag:s7], $0xC000  }
0x69: {  	[sflag:s7] =	ssyncset.done $0x0  }
0x6a: {  	s6 =	sadd.s32 $0xFFFFFFFF, s6;
	[sflag:s7] =	ssyncadd.s32 $0xFFFF4000  }
0x6b: {  	_ =	sfence.sel $0x180000  }
0x6c: {  	[bflag:$0x0] =	sbarrier.arrive $0xFFFF  }
0x6d: {  	_ =	strace $0x90000047  }
0x6e: {  	s0 =	stileid.u32;
	[bflag:$0x2] =	sbarrier.arrive $0xFFFF  }
0x6f: {  	p0 =	sne.s32 s0, $0x0;
	s0 =	rddreg [dreg:$0x3]  }
0x70: {  	s0 =	sadd.s32 @!p0 $0x100000, s0  }
0x71: {  	[sflag:s0] =	ssyncadd.tile.s32 @!p0 $0x1;
	_ =	shalt  }
.Lfunc_end2:
_tile_overlayer_lowered:
.L_overlay_start_2:
0x72: {  	(tag) =	ssettag $0x2  }
0x73: {  	s0 =	rddreg [dreg:$0x0];
	s2 =	stileid.u32  }
0x74: {  	s1 =	rddreg [dreg:$0x1];
	p0 =	sne.s32 s2, $0x0  }
0x75: {  	s3 =	rddreg [dreg:$0x2];
	[bflag:$0x3] =	sbarrier.arrive $0xFFFF;
	s2 =	simm.s32 @!p0 $0x1C02  }
0x76: {  	[timem:s3], [sflag:s2] =	dma.local @!p0 [hbm:s0], s1  }
0x77: {  	s0 =	simm.s32 @!p0 $0x2  }
0x78: {  	_ =	swait.ge @!p0 [sflag:s0], s1  }
0x79: {  	s1 =	ssub.s32 @!p0 $0x0, s1;
	[sflag:s0] =	ssyncset.done @!p0 $0x0  }
0x7a: {  	[sflag:s0] =	ssyncadd.s32 @!p0 s1  }
0x7b: {  	[bflag:$0x3] =	sbarrier.arrive $0xFFFF  }
0x7c: {  	_ =	shalt  }

// kernel: kernel.15.cloned.1.call-start
scs
__scs_entry_jumppad:
0x0: {  	(pc) =	sbr.rel $0x88, $3  }
0x1: {  	(tag) =	ssettag $0x0;
	lr =	simm.s32 $0x1  }
0x2: {  	[smem:$0x3F93] =	sst lr;
	_ =	strace $0xD0000000  }
0x3: {  	_ = 	snop  }
0x4: {  	_ = 	snop  }
0x5: {  	_ = 	snop  }
0x6: {  	_ = 	snop  }
0x7: {  	_ = 	snop  }
__scs_overlays_trampoline_lowered:
0x8: {  	[smem:$0x3FA2] =	sst s0  }
0x9: {  	[smem:$0x3FA3] =	sst s1  }
0xa: {  	[smem:$0x3FA4] =	sst s2  }
0xb: {  	[smem:$0x3FA5] =	sst s3  }
0xc: {  	[smem:$0x3FA6] =	sst s4  }
0xd: {  	[smem:$0x3FA7] =	sst s5  }
0xe: {  	[smem:$0x3FA8] =	sst s6  }
0xf: {  	[smem:$0x3FA9] =	sst s7  }
0x10: {  	[smem:$0x3FAA] =	sst s8  }
0x11: {  	[smem:$0x3FAB] =	sst s9;
	s0 =	simm.s32 @!p0 $0x0  }
0x12: {  	s1 =	sld [smem:$0x3F91];
	s0 =	simm.s32 @p0 $0x1  }
0x13: {  	[smem:$0x3FAC] =	sst s0;
	s0 =	simm.s32 @!p1 $0x0  }
0x14: {  	s2 =	sld [smem:$0x3F90];
	s0 =	simm.s32 @p1 $0x1  }
0x15: {  	[smem:$0x3FAD] =	sst s0;
	s0 =	simm.s32 @!p2 $0x0  }
0x16: {  	s3 =	sld [smem:$0x3FDB];
	s0 =	simm.s32 @p2 $0x1  }
0x17: {  	s4 =	simm.s32 $0x1BF5;
	[smem:$0x3FAF] =	sst s0  }
0x18: {  	s0 =	sld [smem:$0x3F92];
	_ =	swait.ge [sflag:s4], $0x0  }
0x19: {  	s7 =	sld [smem:$0x3F93]  }
0x1a: {  	s8 =	sadd.s32 $0xFFFFE003, lr  }
0x1b: {  	s9 =	sadd.s32 $0xFFFFFEF7, lr;
	s5 =	simm.s32 $0xFFFFFFFF;
	p2 =	slt.u32 s8, $0xFFFFF086  }
0x1c: {  	p1 =	slt.u32 s9, $0xF7A;
	s5 =	simm.s32 @!p2 $0x0  }
0x1d: {  	s5 =	simm.s32 @p1 $0x1;
	p0 =	seq.s32 s7, s2  }
0x1e: {  	s7 =	smul.u32 @!p0 $0xF7A, s2;
	p2 =	seq.s32 @!p0 s5, $0x0  }
0x1f: {  	s9 =	smul.u32 $0xF7A, s1;
	s8 =	simm.s32 @!p0 $0x1BF5;
	p2 =	por !p2, p0  }
0x20: {  	[sflag:s8] =	ssyncset.s32 @!p0 $0xFFFFF086;
	s6 =	sadd.s32 @!p0 s3, s7;
	s7 =	simm.s32 @!p0 $0x108  }
0x21: {  	s3 =	sadd.s32 s3, s9;
	s6 =	sadd.s32 @!p0 $0x88, s6;
	s7 =	simm.s32 @p2 $0x1082  }
0x22: {  	[simem:s7], [sflag:s8] =	dma.local @!p0 [hbm:s6], $0xF7A  }
0x23: {  	s9 =	sor.u32 $0xD0000000, s2;
	s6 =	simm.s32 $0x108;
	_ =	swait.ge @!p0 [sflag:s8], $0x0  }
0x24: {  	s3 =	sadd.s32 $0x88, s3;
	s6 =	simm.s32 @!p1 $0x1082;
	[sflag:s4] =	ssyncset.s32 $0xFFFFF086  }
0x25: {  	[simem:s6], [sflag:s4] =	dma.local [hbm:s3], $0xF7A  }
0x26: {  	[smem:$0x3F93] =	sst s1;
	(tag) =	ssettag s2;
	_ =	strace s9  }
0x27: {  	s1 =	sld [smem:$0x3FA3]  }
0x28: {  	s2 =	sld [smem:$0x3FA4]  }
0x29: {  	s4 =	sld [smem:$0x3FA6]  }
0x2a: {  	p0 =	seq.s32 s5, $0x0;
	s5 =	sld [smem:$0x3FA7]  }
0x2b: {  	s6 =	sld [smem:$0x3FA8]  }
0x2c: {  	s7 =	sld [smem:$0x3FA9]  }
0x2d: {  	s3 =	simm.s32 $0x108;
	s8 =	sld [smem:$0x3FAA]  }
0x2e: {  	s3 =	simm.s32 @!p0 $0x1082;
	s9 =	sld [smem:$0x3FAB]  }
0x2f: {  	lr =	sadd.s32 s0, s3;
	s0 =	sld [smem:$0x3FA2]  }
0x30: {  	s3 =	sld [smem:$0x3FA5]  }
0x31: {  	[smem:$0x3FAE] =	sst s10  }
0x32: {  	s10 =	sld [smem:$0x3FAC];
	_ =	sdelay $0x3  }
0x33: {  	p0 =	seq.s32 s10, $0x1;
	s10 =	sld [smem:$0x3FAE];
	_ =	sdelay $0x3  }
0x34: {  	[smem:$0x3FAE] =	sst s10  }
0x35: {  	s10 =	sld [smem:$0x3FAD];
	_ =	sdelay $0x3  }
0x36: {  	p1 =	seq.s32 s10, $0x1;
	s10 =	sld [smem:$0x3FAE];
	_ =	sdelay $0x3  }
0x37: {  	[smem:$0x3FAE] =	sst s10  }
0x38: {  	s10 =	sld [smem:$0x3FAF]  }
0x39: {  	_ = 	snop;
	(pc) =	sbr.ind lr, $3  }
0x3a: {  	_ = 	snop  }
0x3b: {  	_ = 	snop  }
0x3c: {  	p2 =	seq.s32 s10, $0x1;
	s10 =	sld [smem:$0x3FAE]  }
0x3d: {  	_ =	shalt  }
0x3e: {  	_ =	shalt  }
0x3f: {  	_ =	shalt  }
0x40: {  	_ =	shalt  }
0x41: {  	_ =	shalt  }
0x42: {  	_ =	shalt  }
0x43: {  	_ =	shalt  }
0x44: {  	_ =	shalt  }
0x45: {  	_ =	shalt  }
0x46: {  	_ =	shalt  }
0x47: {  	_ =	shalt  }
0x48: {  	_ =	shalt  }
0x49: {  	_ =	shalt  }
0x4a: {  	_ =	shalt  }
0x4b: {  	_ =	shalt  }
0x4c: {  	_ =	shalt  }
0x4d: {  	_ =	shalt  }
0x4e: {  	_ =	shalt  }
0x4f: {  	_ =	shalt  }
0x50: {  	_ =	shalt  }
0x51: {  	_ =	shalt  }
0x52: {  	_ =	shalt  }
0x53: {  	_ =	shalt  }
0x54: {  	_ =	shalt  }
0x55: {  	_ =	shalt  }
0x56: {  	_ =	shalt  }
0x57: {  	_ =	shalt  }
0x58: {  	_ =	shalt  }
0x59: {  	_ =	shalt  }
0x5a: {  	_ =	shalt  }
0x5b: {  	_ =	shalt  }
0x5c: {  	_ =	shalt  }
0x5d: {  	_ =	shalt  }
0x5e: {  	_ =	shalt  }
0x5f: {  	_ =	shalt  }
0x60: {  	_ =	shalt  }
0x61: {  	_ =	shalt  }
0x62: {  	_ =	shalt  }
0x63: {  	_ =	shalt  }
0x64: {  	_ =	shalt  }
0x65: {  	_ =	shalt  }
0x66: {  	_ =	shalt  }
0x67: {  	_ =	shalt  }
0x68: {  	_ =	shalt  }
0x69: {  	_ =	shalt  }
0x6a: {  	_ =	shalt  }
0x6b: {  	_ =	shalt  }
0x6c: {  	_ =	shalt  }
0x6d: {  	_ =	shalt  }
0x6e: {  	_ =	shalt  }
0x6f: {  	_ =	shalt  }
0x70: {  	_ =	shalt  }
0x71: {  	_ =	shalt  }
0x72: {  	_ =	shalt  }
0x73: {  	_ =	shalt  }
0x74: {  	_ =	shalt  }
0x75: {  	_ =	shalt  }
0x76: {  	_ =	shalt  }
0x77: {  	_ =	shalt  }
0x78: {  	_ =	shalt  }
0x79: {  	_ =	shalt  }
0x7a: {  	_ =	shalt  }
0x7b: {  	_ =	shalt  }
0x7c: {  	_ =	shalt  }
0x7d: {  	_ =	shalt  }
0x7e: {  	_ =	shalt  }
0x7f: {  	_ =	shalt  }
0x80: {  	_ =	shalt  }
0x81: {  	_ =	shalt  }
0x82: {  	_ =	shalt  }
0x83: {  	_ =	shalt  }
0x84: {  	_ =	shalt  }
0x85: {  	_ =	shalt  }
0x86: {  	_ =	shalt  }
0x87: {  	_ =	shalt  }
.Lfunc_end0:
.L_simem_size_0:
called_computation.1_lowered:
.L_overlay_start_0:
0x88: {  	s2 =	sld [smem:$0x3FD9]  }
0x89: {  	s3 =	sld [smem:$0x3FFE];
	_ =	sdelay $0x1  }
0x8a: {  	s1 =	srdreg.scid  }
0x8b: {  	s0 =	sand.u32 $0x1, s1  }
0x8c: {  	s16 =	sshll.u32 s0, $0xA;
	s2 =	sadd.s32 s3, s2  }
0x8d: {  	s2 =	sadd.s32 s2, s16  }
0x8e: {  	[smem:$0x3FBA] =	sst s2  }
0x8f: {  	_ = 	snop  }
0x90: {  	(tm) =	ssettm $0x1  }
0x91: {  	s17 =	sld [smem:$0x3FFB];
	_ =	sdelay $0x3  }
0x92: {  	_ =	strace s17  }
0x93: {  	s2 =	sld [smem:$0x3FFC];
	_ =	sdelay $0x3  }
0x94: {  	_ =	strace s2  }
0x95: {  	s2 =	sld [smem:$0x3FFD];
	_ =	sdelay $0x3  }
0x96: {  	_ =	strace s2  }
0x97: {  	_ =	strace $0x8FFFFFFF  }
0x98: {  	s18 =	sld [smem:$0x3FDB];
	_ =	sdelay $0x1  }
0x99: {  	s19 =	simm.s32 $_scs_section_size  }
0x9a: {  	s4 =	simm.s32 $_size__tile_overlayer_lowered;
	s5 =	simm.s32 $_tile_overlayer_lowered  }
0x9b: {  	s22 =	simm.s32 $0x1BFF;
	s21 =	sshll.u32 s5, $0x1;
	s2 =	sadd.s32 s19, s18  }
0x9c: {  	s6 =	simm.s32 $0x0;
	s20 =	sshll.u32 s4, $0x1;
	s4 =	sadd.s32 s21, s2  }
0x9d: {  	[timem:s6], [sflag:s22] =	dma.local [hbm:s4], s20  }
0x9e: {  	_ =	swait.ge [sflag:s22], s20  }
0x9f: {  	s3 =	ssub.s32 $0x0, s20;
	[sflag:s22] =	ssyncset.done $0x0  }
0xa0: {  	[sflag:s22] =	ssyncadd.s32 s3;
	_ =	sdelay $0x1  }
0xa1: {  	s23 =	simm.s32 $0x1B8B  }
0xa2: {  	_ =	swait.ge [sflag:s23], $0x1  }
0xa3: {  	[sflag:s23] =	ssyncset.done $0x0  }
0xa4: {  	s25 =	simm.s32 $0x1B8E;
	s24 =	sld [smem:$0x3FFE];
	[sflag:s23] =	ssyncadd.s32 $0xFFFFFFFF  }
0xa5: {  	s26 =	simm.s32 $execute0_lowered;
	[smem:$0x3FD2] =	sst s25  }
0xa6: {  	s4 =	sshll.u32 s26, $0x1;
	_ =	strace $0x80000049;
	[dreg:$0x1] =	wrdreg $0xFFFFFFFF  }
0xa7: {  	s28 =	simm.s32 $_size_execute0_lowered;
	s2 =	sadd.s32 s2, s4;
	[dreg:$0x0] =	wrdreg $0x0  }
0xa8: {  	s4 =	sshll.u32 s28, $0x1;
	[dreg:$0x2] =	wrdreg s2  }
0xa9: {  	[dreg:$0x3] =	wrdreg s4  }
0xaa: {  	[dreg:$0x4] =	wrdreg $0xC0  }
0xab: {  	_ =	task [dreg:s6], $0x5FFFF  }
0xac: {  	[dreg:$0x1] =	wrdreg $0xFFFFFFFF  }
0xad: {  	[dreg:$0x0] =	wrdreg $0x60  }
0xae: {  	[dreg:$0x2] =	wrdreg s24  }
0xaf: {  	[dreg:$0x3] =	wrdreg $0x9  }
0xb0: {  	_ =	task.clear_ibuf [dreg:s6], $0x4FFFF;
	_ =	strace $0x90000049  }
0xb1: {  	s29 =	simm.s32 $0x9;
	_ =	strace $0x8000004B  }
0xb2: {  	_ =	swait.ge [sflag:s29], $0x1  }
0xb3: {  	[sflag:s29] =	ssyncadd.s32 $0xFFFFFFFF  }
0xb4: {  	_ =	strace $0x9000004B  }
0xb5: {  	_ =	sfence  }
0xb6: {  	s30 =	sld [smem:$0x0];
	_ =	sdelay $0x2  }
0xb7: {  	s31 =	sshll.u32 s1, $0xD;
	s1 =	sshrl.u32 s1, $0x2  }
0xb8: {  	s3 =	sand.u32 $0x4000, s31;
	s1 =	sadd.s32 s1, s30  }
0xb9: {  	s0 =	sor.u32 s3, s0;
	s1 =	sshll.u32 s1, $0x11  }
0xba: {  	s0 =	sor.u32 s1, s0  }
0xbb: {  	s0 =	sadd.s32 $0x8F2B, s0  }
0xbc: {  	[sflag:s0] =	ssyncadd.remote.s32 $0x1  }
0xbd: {  	_ =	sfence.sel $0xFFFF  }
0xbe: {  	[dreg:$0x0] =	wrdreg $0xFFFFFFFF;
	(pc) =	sbr.abs _section_cstart, $3  }
0xbf: {  	[dreg:$0x1] =	wrdreg $0xFFFFFFFF  }
0xc0: {  	_ =	task.clear_ibuf [dreg:s6], $0x2FFFF;
	_ =	strace $0x9FFFFFFF  }
0xc1: {  	(tm) =	ssettm $0x7FFFFFFF  }
tec
execute0_lowered:
.L_overlay_start_1:
0x0: {  	(tag) =	ssettag $0x1  }
0x1: {  	s1 =	srdreg.scid  }
0x2: {  	s0 =	stileid.u32;
	s5 =	rddreg [dreg:$0x0]  }
0x3: {  	s2 =	simm.s32 $0x0;
	s7 =	simm.s32 $0x2;
	s8 =	simm.s32 $0x80  }
0x4: {  	s26 =	simm.s32 $0x880;
	s9 =	simm.s32 $0x1080;
	s10 =	simm.s32 $0x1880  }
0x5: {  	s11 =	simm.s32 $0x2080;
	s12 =	simm.s32 $0x2880;
	s13 =	simm.s32 $0x3080  }
0x6: {  	s14 =	simm.s32 $0x3880;
	s15 =	simm.s32 $0x4080;
	s16 =	simm.s32 $0x4880  }
0x7: {  	s17 =	simm.s32 $0x5080;
	s18 =	simm.s32 $0x5880;
	s19 =	simm.s32 $0x6080  }
0x8: {  	s20 =	simm.s32 $0x6880;
	s21 =	simm.s32 $0x7080;
	s22 =	simm.s32 $0x7880  }
0x9: {  	s23 =	simm.s32 $0x8080;
	s24 =	simm.s32 $0x8880;
	s25 =	simm.s32 $0x9080  }
0xa: {  	s28 =	simm.s32 $0xA080;
	s29 =	simm.s32 $0xA880;
	s30 =	simm.s32 $0xB080  }
0xb: {  	s31 =	simm.s32 $0xB880;
	s1 =	sand.u32 $0x1, s1;
	[smem:$0x7FF] =	sst s2  }
0xc: {  	s3 =	sshll.u32 s0, $0x4;
	s4 =	sshll.u32 s1, $0x3;
	_ =	strace $0x8000004A  }
0xd: {  	s1 =	ssub.s32 $0x2, s1;
	[dreg:$0x4] =	wrdreg s26;
	s3 =	sor.u32 s4, s3  }
0xe: {  	s6 =	sshrl.u32 s1, $0x1;
	s4 =	smul.u32 $0x300, s3;
	s3 =	sadd.s32 s3, s5  }
0xf: {  	s26 =	simm.s32 $0x9880;
	s1 =	ssub.s32 s1, s6;
	s3 =	sadd.s32 $0x73C00, s3  }
0x10: {  	v2 =	vlaneseq.u32;
	s6 =	smax.u32 s1, $0x1;
	s1 =	simm.s32 $0x1;
	s4 =	sadd.s32 s4, s5  }
0x11: {  	vm0 =	vmmov $0xffff;
	v1 =	vshrl.u32 v2, $0x3;
	[dreg:$0x2] =	wrdreg s3;
	s3 =	sadd.s32 $0x73E00, s5;
	s4 =	sadd.s32 $0x43C00, s4  }
0x12: {  	v0 =	vand.u32 $0x7, v2;
	v2 =	vor.u32 $0x8, v2;
	v1 =	vmul.u32 $0x8, v1;
	[dreg:$0x3] =	wrdreg s4;
	s4 =	sadd.s32 $0x73F00, s5;
	s5 =	sadd.s32 $0x74000, s5  }
.LBB2_1:
0x13: {  	s0 =	rddreg [dreg:$0x2]  }
0x14: {  	[tilespmem:s2], [sflag:$0x2] =	stream.linear.gather [hbm4b:s0+s2], $0x40, $0x38;
	[tilespmem:$0xC080] =	vst v63  }
0x15: {  	_ =	swait.ge [sflag:s7], $0x40  }
0x16: {  	[sflag:s7] =	ssyncset.done $0x0  }
0x17: {  	s0 =	rddreg [dreg:$0x3];
	[sflag:s7] =	ssyncadd.s32 $0xFFFFFFC0  }
0x18: {  	[tilespmem:s8], [sflag:$0x2] =	stream.linear.gather [hbm4b:s0+s2], $0xC000, $0x38;
	[tilespmem:$0xC080] =	vst v63  }
0x19: {  	_ =	swait.ge [sflag:s7], $0xC000  }
0x1a: {  	[sflag:s7] =	ssyncset.done $0x0  }
0x1b: {  	[sflag:s7] =	ssyncadd.s32 $0xFFFF4000  }
0x1c: {  	v3 =	vld [tilespmem:$0x0];
	_ =	sdelay $0x4  }
0x1d: {  	v4 =	vshrl.u32 v3, $0x3  }
0x1e: {  	v4 =	vmul.u32 $0x30, v4  }
0x1f: {  	v3 =	vand.u32 $0x7, v3  }
0x20: {  	v3 =	vor.u32 v3, v4  }
0x21: {  	v4 =	vperm.xlane v3, v0;
	_ =	sdelay $0x1  }
0x22: {  	v4 =	vadd.s32 v1, v4;
	_ =	sdelay $0x3  }
0x23: {  	v3 =	vperm.xlane v3, v2  }
0x24: {  	[hbm4b:s3+s2] =	stream.indirect_vreg.scatter [tilespmem:s8], [sflag:$0x1], $0x80, v4, vm0, $0xb8;
	[tilespmem:$0xC080] =	vst v63  }
0x25: {  	s0 =	rddreg [dreg:$0x4];
	v3 =	vadd.s32 v1, v3  }
0x26: {  	[hbm4b:s4+s2] =	stream.indirect_vreg.scatter [tilespmem:s0], [sflag:$0x1], $0x80, v4, vm0, $0xb8;
	[tilespmem:$0xC080] =	vst v63  }
0x27: {  	_ = 	snop  }
0x28: {  	[hbm4b:s5+s2] =	stream.indirect_vreg.scatter [tilespmem:s9], [sflag:$0x1], $0x80, v4, vm0, $0xb8;
	[tilespmem:$0xC080] =	vst v63  }
0x29: {  	_ = 	snop  }
0x2a: {  	[hbm4b:s3+s2] =	stream.indirect_vreg.scatter [tilespmem:s10], [sflag:$0x1], $0x80, v3, vm0, $0xb8;
	[tilespmem:$0xC080] =	vst v63  }
0x2b: {  	_ = 	snop  }
0x2c: {  	[hbm4b:s4+s2] =	stream.indirect_vreg.scatter [tilespmem:s11], [sflag:$0x1], $0x80, v3, vm0, $0xb8;
	[tilespmem:$0xC080] =	vst v63  }
0x2d: {  	_ = 	snop  }
0x2e: {  	[hbm4b:s5+s2] =	stream.indirect_vreg.scatter [tilespmem:s12], [sflag:$0x1], $0x80, v3, vm0, $0xb8;
	[tilespmem:$0xC080] =	vst v63  }
0x2f: {  	v3 =	vld [tilespmem:$0x10];
	_ =	sdelay $0x4  }
0x30: {  	v61 =	vshrl.u32 v3, $0x3  }
0x31: {  	v4 =	vmul.u32 $0x30, v61  }
0x32: {  	v3 =	vand.u32 $0x7, v3  }
0x33: {  	v3 =	vor.u32 v3, v4  }
0x34: {  	v4 =	vperm.xlane v3, v0;
	_ =	sdelay $0x1  }
0x35: {  	v4 =	vadd.s32 v1, v4;
	_ =	sdelay $0x3  }
0x36: {  	v3 =	vperm.xlane v3, v2  }
0x37: {  	[hbm4b:s3+s2] =	stream.indirect_vreg.scatter [tilespmem:s13], [sflag:$0x1], $0x80, v4, vm0, $0xb8;
	[tilespmem:$0xC080] =	vst v63  }
0x38: {  	v3 =	vadd.s32 v1, v3  }
0x39: {  	[hbm4b:s4+s2] =	stream.indirect_vreg.scatter [tilespmem:s14], [sflag:$0x1], $0x80, v4, vm0, $0xb8;
	[tilespmem:$0xC080] =	vst v63  }
0x3a: {  	_ = 	snop  }
0x3b: {  	[hbm4b:s5+s2] =	stream.indirect_vreg.scatter [tilespmem:s15], [sflag:$0x1], $0x80, v4, vm0, $0xb8;
	[tilespmem:$0xC080] =	vst v63  }
0x3c: {  	_ = 	snop  }
0x3d: {  	[hbm4b:s3+s2] =	stream.indirect_vreg.scatter [tilespmem:s16], [sflag:$0x1], $0x80, v3, vm0, $0xb8;
	[tilespmem:$0xC080] =	vst v63  }
0x3e: {  	_ = 	snop  }
0x3f: {  	[hbm4b:s4+s2] =	stream.indirect_vreg.scatter [tilespmem:s17], [sflag:$0x1], $0x80, v3, vm0, $0xb8;
	[tilespmem:$0xC080] =	vst v63  }
0x40: {  	_ = 	snop  }
0x41: {  	[hbm4b:s5+s2] =	stream.indirect_vreg.scatter [tilespmem:s18], [sflag:$0x1], $0x80, v3, vm0, $0xb8;
	[tilespmem:$0xC080] =	vst v63  }
0x42: {  	v3 =	vld [tilespmem:$0x20];
	_ =	sdelay $0x4  }
0x43: {  	v62 =	vshrl.u32 v3, $0x3  }
0x44: {  	v4 =	vmul.u32 $0x30, v62  }
0x45: {  	v3 =	vand.u32 $0x7, v3  }
0x46: {  	v3 =	vor.u32 v3, v4  }
0x47: {  	v4 =	vperm.xlane v3, v0;
	_ =	sdelay $0x1  }
0x48: {  	v4 =	vadd.s32 v1, v4;
	_ =	sdelay $0x3  }
0x49: {  	v3 =	vperm.xlane v3, v2  }
0x4a: {  	[hbm4b:s3+s2] =	stream.indirect_vreg.scatter [tilespmem:s19], [sflag:$0x1], $0x80, v4, vm0, $0xb8;
	[tilespmem:$0xC080] =	vst v63  }
0x4b: {  	v3 =	vadd.s32 v1, v3  }
0x4c: {  	[hbm4b:s4+s2] =	stream.indirect_vreg.scatter [tilespmem:s20], [sflag:$0x1], $0x80, v4, vm0, $0xb8;
	[tilespmem:$0xC080] =	vst v63  }
0x4d: {  	_ = 	snop  }
0x4e: {  	[hbm4b:s5+s2] =	stream.indirect_vreg.scatter [tilespmem:s21], [sflag:$0x1], $0x80, v4, vm0, $0xb8;
	[tilespmem:$0xC080] =	vst v63  }
0x4f: {  	_ = 	snop  }
0x50: {  	[hbm4b:s3+s2] =	stream.indirect_vreg.scatter [tilespmem:s22], [sflag:$0x1], $0x80, v3, vm0, $0xb8;
	[tilespmem:$0xC080] =	vst v63  }
0x51: {  	_ = 	snop  }
0x52: {  	[hbm4b:s4+s2] =	stream.indirect_vreg.scatter [tilespmem:s23], [sflag:$0x1], $0x80, v3, vm0, $0xb8;
	[tilespmem:$0xC080] =	vst v63  }
0x53: {  	_ = 	snop  }
0x54: {  	[hbm4b:s5+s2] =	stream.indirect_vreg.scatter [tilespmem:s24], [sflag:$0x1], $0x80, v3, vm0, $0xb8;
	[tilespmem:$0xC080] =	vst v63  }
0x55: {  	v3 =	vld [tilespmem:$0x30];
	_ =	sdelay $0x4  }
0x56: {  	v63 =	vshrl.u32 v3, $0x3  }
0x57: {  	v4 =	vmul.u32 $0x30, v63  }
0x58: {  	v3 =	vand.u32 $0x7, v3  }
0x59: {  	v3 =	vor.u32 v3, v4  }
0x5a: {  	v4 =	vperm.xlane v3, v0;
	_ =	sdelay $0x1  }
0x5b: {  	v4 =	vadd.s32 v1, v4;
	_ =	sdelay $0x3  }
0x5c: {  	v3 =	vperm.xlane v3, v2  }
0x5d: {  	[hbm4b:s3+s2] =	stream.indirect_vreg.scatter [tilespmem:s25], [sflag:$0x1], $0x80, v4, vm0, $0xb8;
	[tilespmem:$0xC080] =	vst v63  }
0x5e: {  	v3 =	vadd.s32 v1, v3  }
0x5f: {  	[hbm4b:s4+s2] =	stream.indirect_vreg.scatter [tilespmem:s26], [sflag:$0x1], $0x80, v4, vm0, $0xb8;
	[tilespmem:$0xC080] =	vst v63  }
0x60: {  	_ = 	snop  }
0x61: {  	[hbm4b:s5+s2] =	stream.indirect_vreg.scatter [tilespmem:s28], [sflag:$0x1], $0x80, v4, vm0, $0xb8;
	[tilespmem:$0xC080] =	vst v63  }
0x62: {  	_ = 	snop  }
0x63: {  	[hbm4b:s3+s2] =	stream.indirect_vreg.scatter [tilespmem:s29], [sflag:$0x1], $0x80, v3, vm0, $0xb8;
	[tilespmem:$0xC080] =	vst v63  }
0x64: {  	p0 =	sne.s32 s6, $0x1  }
0x65: {  	[hbm4b:s4+s2] =	stream.indirect_vreg.scatter [tilespmem:s30], [sflag:$0x1], $0x80, v3, vm0, $0xb8;
	[tilespmem:$0xC080] =	vst v63  }
.Ltmp0:
0x66: {  	_ = 	snop;
	(pc) =	sbr.rel @p0 .LBB2_1-.Ltmp0, $4  }
0x67: {  	[hbm4b:s5+s2] =	stream.indirect_vreg.scatter [tilespmem:s31], [sflag:$0x1], $0x80, v3, vm0, $0xb8;
	[tilespmem:$0xC080] =	vst v63  }
0x68: {  	_ =	swait.ge [sflag:s1], $0xC000  }
0x69: {  	[sflag:s1] =	ssyncset.done $0x0  }
0x6a: {  	s6 =	sadd.s32 $0xFFFFFFFF, s6;
	[sflag:s1] =	ssyncadd.s32 $0xFFFF4000  }
0x6b: {  	_ =	sfence.sel $0x180000  }
0x6c: {  	[bflag:$0x0] =	sbarrier.arrive $0xFFFF  }
0x6d: {  	_ =	strace $0x9000004A  }
0x6e: {  	s0 =	stileid.u32;
	[bflag:$0x2] =	sbarrier.arrive $0xFFFF  }
0x6f: {  	p0 =	sne.s32 s0, $0x0;
	s0 =	rddreg [dreg:$0x1]  }
0x70: {  	s0 =	sadd.s32 @!p0 $0x100000, s0  }
0x71: {  	[sflag:s0] =	ssyncadd.tile.s32 @!p0 $0x1;
	_ =	shalt  }
.Lfunc_end2:
_tile_overlayer_lowered:
.L_overlay_start_2:
0x72: {  	(tag) =	ssettag $0x2  }
0x73: {  	s0 =	rddreg [dreg:$0x0];
	s2 =	stileid.u32  }
0x74: {  	s1 =	rddreg [dreg:$0x1];
	p0 =	sne.s32 s2, $0x0  }
0x75: {  	s3 =	rddreg [dreg:$0x2];
	[bflag:$0x3] =	sbarrier.arrive $0xFFFF;
	s2 =	simm.s32 @!p0 $0x1C02  }
0x76: {  	[timem:s3], [sflag:s2] =	dma.local @!p0 [hbm:s0], s1  }
0x77: {  	s0 =	simm.s32 @!p0 $0x2  }
0x78: {  	_ =	swait.ge @!p0 [sflag:s0], s1  }
0x79: {  	s1 =	ssub.s32 @!p0 $0x0, s1;
	[sflag:s0] =	ssyncset.done @!p0 $0x0  }
0x7a: {  	[sflag:s0] =	ssyncadd.s32 @!p0 s1  }
0x7b: {  	[bflag:$0x3] =	sbarrier.arrive $0xFFFF  }
0x7c: {  	_ =	shalt  }

// kernel: kernel.18.cloned.1.call-start
scs
__scs_entry_jumppad:
0x0: {  	(pc) =	sbr.rel $0x88, $3  }
0x1: {  	(tag) =	ssettag $0x0;
	lr =	simm.s32 $0x1  }
0x2: {  	[smem:$0x3F93] =	sst lr;
	_ =	strace $0xD0000000  }
0x3: {  	_ = 	snop  }
0x4: {  	_ = 	snop  }
0x5: {  	_ = 	snop  }
0x6: {  	_ = 	snop  }
0x7: {  	_ = 	snop  }
__scs_overlays_trampoline_lowered:
0x8: {  	[smem:$0x3FA2] =	sst s0  }
0x9: {  	[smem:$0x3FA3] =	sst s1  }
0xa: {  	[smem:$0x3FA4] =	sst s2  }
0xb: {  	[smem:$0x3FA5] =	sst s3  }
0xc: {  	[smem:$0x3FA6] =	sst s4  }
0xd: {  	[smem:$0x3FA7] =	sst s5  }
0xe: {  	[smem:$0x3FA8] =	sst s6  }
0xf: {  	[smem:$0x3FA9] =	sst s7  }
0x10: {  	[smem:$0x3FAA] =	sst s8  }
0x11: {  	[smem:$0x3FAB] =	sst s9;
	s0 =	simm.s32 @!p0 $0x0  }
0x12: {  	s1 =	sld [smem:$0x3F91];
	s0 =	simm.s32 @p0 $0x1  }
0x13: {  	[smem:$0x3FAC] =	sst s0;
	s0 =	simm.s32 @!p1 $0x0  }
0x14: {  	s2 =	sld [smem:$0x3F90];
	s0 =	simm.s32 @p1 $0x1  }
0x15: {  	[smem:$0x3FAD] =	sst s0;
	s0 =	simm.s32 @!p2 $0x0  }
0x16: {  	s3 =	sld [smem:$0x3FDB];
	s0 =	simm.s32 @p2 $0x1  }
0x17: {  	s4 =	simm.s32 $0x1BF5;
	[smem:$0x3FAF] =	sst s0  }
0x18: {  	s0 =	sld [smem:$0x3F92];
	_ =	swait.ge [sflag:s4], $0x0  }
0x19: {  	s7 =	sld [smem:$0x3F93]  }
0x1a: {  	s8 =	sadd.s32 $0xFFFFE003, lr  }
0x1b: {  	s9 =	sadd.s32 $0xFFFFFEF7, lr;
	s5 =	simm.s32 $0xFFFFFFFF;
	p2 =	slt.u32 s8, $0xFFFFF086  }
0x1c: {  	p1 =	slt.u32 s9, $0xF7A;
	s5 =	simm.s32 @!p2 $0x0  }
0x1d: {  	s5 =	simm.s32 @p1 $0x1;
	p0 =	seq.s32 s7, s2  }
0x1e: {  	s7 =	smul.u32 @!p0 $0xF7A, s2;
	p2 =	seq.s32 @!p0 s5, $0x0  }
0x1f: {  	s9 =	smul.u32 $0xF7A, s1;
	s8 =	simm.s32 @!p0 $0x1BF5;
	p2 =	por !p2, p0  }
0x20: {  	[sflag:s8] =	ssyncset.s32 @!p0 $0xFFFFF086;
	s6 =	sadd.s32 @!p0 s3, s7;
	s7 =	simm.s32 @!p0 $0x108  }
0x21: {  	s3 =	sadd.s32 s3, s9;
	s6 =	sadd.s32 @!p0 $0x88, s6;
	s7 =	simm.s32 @p2 $0x1082  }
0x22: {  	[simem:s7], [sflag:s8] =	dma.local @!p0 [hbm:s6], $0xF7A  }
0x23: {  	s9 =	sor.u32 $0xD0000000, s2;
	s6 =	simm.s32 $0x108;
	_ =	swait.ge @!p0 [sflag:s8], $0x0  }
0x24: {  	s3 =	sadd.s32 $0x88, s3;
	s6 =	simm.s32 @!p1 $0x1082;
	[sflag:s4] =	ssyncset.s32 $0xFFFFF086  }
0x25: {  	[simem:s6], [sflag:s4] =	dma.local [hbm:s3], $0xF7A  }
0x26: {  	[smem:$0x3F93] =	sst s1;
	(tag) =	ssettag s2;
	_ =	strace s9  }
0x27: {  	s1 =	sld [smem:$0x3FA3]  }
0x28: {  	s2 =	sld [smem:$0x3FA4]  }
0x29: {  	s4 =	sld [smem:$0x3FA6]  }
0x2a: {  	p0 =	seq.s32 s5, $0x0;
	s5 =	sld [smem:$0x3FA7]  }
0x2b: {  	s6 =	sld [smem:$0x3FA8]  }
0x2c: {  	s7 =	sld [smem:$0x3FA9]  }
0x2d: {  	s3 =	simm.s32 $0x108;
	s8 =	sld [smem:$0x3FAA]  }
0x2e: {  	s3 =	simm.s32 @!p0 $0x1082;
	s9 =	sld [smem:$0x3FAB]  }
0x2f: {  	lr =	sadd.s32 s0, s3;
	s0 =	sld [smem:$0x3FA2]  }
0x30: {  	s3 =	sld [smem:$0x3FA5]  }
0x31: {  	[smem:$0x3FAE] =	sst s10  }
0x32: {  	s10 =	sld [smem:$0x3FAC];
	_ =	sdelay $0x3  }
0x33: {  	p0 =	seq.s32 s10, $0x1;
	s10 =	sld [smem:$0x3FAE];
	_ =	sdelay $0x3  }
0x34: {  	[smem:$0x3FAE] =	sst s10  }
0x35: {  	s10 =	sld [smem:$0x3FAD];
	_ =	sdelay $0x3  }
0x36: {  	p1 =	seq.s32 s10, $0x1;
	s10 =	sld [smem:$0x3FAE];
	_ =	sdelay $0x3  }
0x37: {  	[smem:$0x3FAE] =	sst s10  }
0x38: {  	s10 =	sld [smem:$0x3FAF]  }
0x39: {  	_ = 	snop;
	(pc) =	sbr.ind lr, $3  }
0x3a: {  	_ = 	snop  }
0x3b: {  	_ = 	snop  }
0x3c: {  	p2 =	seq.s32 s10, $0x1;
	s10 =	sld [smem:$0x3FAE]  }
0x3d: {  	_ =	shalt  }
0x3e: {  	_ =	shalt  }
0x3f: {  	_ =	shalt  }
0x40: {  	_ =	shalt  }
0x41: {  	_ =	shalt  }
0x42: {  	_ =	shalt  }
0x43: {  	_ =	shalt  }
0x44: {  	_ =	shalt  }
0x45: {  	_ =	shalt  }
0x46: {  	_ =	shalt  }
0x47: {  	_ =	shalt  }
0x48: {  	_ =	shalt  }
0x49: {  	_ =	shalt  }
0x4a: {  	_ =	shalt  }
0x4b: {  	_ =	shalt  }
0x4c: {  	_ =	shalt  }
0x4d: {  	_ =	shalt  }
0x4e: {  	_ =	shalt  }
0x4f: {  	_ =	shalt  }
0x50: {  	_ =	shalt  }
0x51: {  	_ =	shalt  }
0x52: {  	_ =	shalt  }
0x53: {  	_ =	shalt  }
0x54: {  	_ =	shalt  }
0x55: {  	_ =	shalt  }
0x56: {  	_ =	shalt  }
0x57: {  	_ =	shalt  }
0x58: {  	_ =	shalt  }
0x59: {  	_ =	shalt  }
0x5a: {  	_ =	shalt  }
0x5b: {  	_ =	shalt  }
0x5c: {  	_ =	shalt  }
0x5d: {  	_ =	shalt  }
0x5e: {  	_ =	shalt  }
0x5f: {  	_ =	shalt  }
0x60: {  	_ =	shalt  }
0x61: {  	_ =	shalt  }
0x62: {  	_ =	shalt  }
0x63: {  	_ =	shalt  }
0x64: {  	_ =	shalt  }
0x65: {  	_ =	shalt  }
0x66: {  	_ =	shalt  }
0x67: {  	_ =	shalt  }
0x68: {  	_ =	shalt  }
0x69: {  	_ =	shalt  }
0x6a: {  	_ =	shalt  }
0x6b: {  	_ =	shalt  }
0x6c: {  	_ =	shalt  }
0x6d: {  	_ =	shalt  }
0x6e: {  	_ =	shalt  }
0x6f: {  	_ =	shalt  }
0x70: {  	_ =	shalt  }
0x71: {  	_ =	shalt  }
0x72: {  	_ =	shalt  }
0x73: {  	_ =	shalt  }
0x74: {  	_ =	shalt  }
0x75: {  	_ =	shalt  }
0x76: {  	_ =	shalt  }
0x77: {  	_ =	shalt  }
0x78: {  	_ =	shalt  }
0x79: {  	_ =	shalt  }
0x7a: {  	_ =	shalt  }
0x7b: {  	_ =	shalt  }
0x7c: {  	_ =	shalt  }
0x7d: {  	_ =	shalt  }
0x7e: {  	_ =	shalt  }
0x7f: {  	_ =	shalt  }
0x80: {  	_ =	shalt  }
0x81: {  	_ =	shalt  }
0x82: {  	_ =	shalt  }
0x83: {  	_ =	shalt  }
0x84: {  	_ =	shalt  }
0x85: {  	_ =	shalt  }
0x86: {  	_ =	shalt  }
0x87: {  	_ =	shalt  }
.Lfunc_end0:
.L_simem_size_0:
called_computation.2_lowered:
.L_overlay_start_0:
0x88: {  	s2 =	sld [smem:$0x3FD9]  }
0x89: {  	s3 =	sld [smem:$0x3FFE];
	_ =	sdelay $0x1  }
0x8a: {  	s1 =	srdreg.scid  }
0x8b: {  	s0 =	sand.u32 $0x1, s1  }
0x8c: {  	s17 =	sshll.u32 s0, $0xA;
	s2 =	sadd.s32 s3, s2  }
0x8d: {  	s2 =	sadd.s32 s2, s17  }
0x8e: {  	[smem:$0x3FBA] =	sst s2  }
0x8f: {  	_ = 	snop  }
0x90: {  	s2 =	sld [smem:$0x3FD0];
	(tm) =	ssettm $0x1  }
0x91: {  	s18 =	sld [smem:$0x3FFB];
	_ =	sdelay $0x3  }
0x92: {  	_ =	strace s18  }
0x93: {  	s3 =	sld [smem:$0x3FFC];
	_ =	sdelay $0x3  }
0x94: {  	_ =	strace s3  }
0x95: {  	s3 =	sld [smem:$0x3FFD];
	_ =	sdelay $0x3  }
0x96: {  	_ =	strace s3  }
0x97: {  	_ =	strace $0x8FFFFFFF  }
0x98: {  	s19 =	sld [smem:$0x3FDB];
	_ =	sdelay $0x1  }
0x99: {  	s4 =	simm.s32 $_scs_section_size  }
0x9a: {  	s5 =	simm.s32 $_size__tile_overlayer_lowered;
	s6 =	simm.s32 $_tile_overlayer_lowered  }
0x9b: {  	s22 =	simm.s32 $0x1BFF;
	s21 =	sshll.u32 s6, $0x1;
	s3 =	sadd.s32 s4, s19  }
0x9c: {  	s7 =	simm.s32 $0x0;
	s20 =	sshll.u32 s5, $0x1;
	s5 =	sadd.s32 s21, s3  }
0x9d: {  	[timem:s7], [sflag:s22] =	dma.local [hbm:s5], s20  }
0x9e: {  	_ =	swait.ge [sflag:s22], s20  }
0x9f: {  	s4 =	ssub.s32 $0x0, s20;
	[sflag:s22] =	ssyncset.done $0x0  }
0xa0: {  	[sflag:s22] =	ssyncadd.s32 s4;
	_ =	sdelay $0x1  }
0xa1: {  	s23 =	simm.s32 $0x1B8B  }
0xa2: {  	_ =	swait.ge [sflag:s23], $0x1  }
0xa3: {  	[sflag:s23] =	ssyncset.done $0x0  }
0xa4: {  	s25 =	simm.s32 $0x1B8E;
	s24 =	sld [smem:$0x3FFE];
	[sflag:s23] =	ssyncadd.s32 $0xFFFFFFFF  }
0xa5: {  	s26 =	simm.s32 $execute0_lowered;
	[smem:$0x3FD2] =	sst s25  }
0xa6: {  	s5 =	sshll.u32 s26, $0x1;
	_ =	strace $0x8000004C;
	[dreg:$0x1] =	wrdreg $0xFFFFFFFF  }
0xa7: {  	s28 =	simm.s32 $_size_execute0_lowered;
	s3 =	sadd.s32 s3, s5;
	[dreg:$0x0] =	wrdreg $0x0  }
0xa8: {  	s5 =	sshll.u32 s28, $0x1;
	[dreg:$0x2] =	wrdreg s3  }
0xa9: {  	[dreg:$0x3] =	wrdreg s5  }
0xaa: {  	[dreg:$0x4] =	wrdreg $0xC0  }
0xab: {  	_ =	task [dreg:s7], $0x5FFFF  }
0xac: {  	[dreg:$0x1] =	wrdreg $0xFFFFFFFF  }
0xad: {  	[dreg:$0x0] =	wrdreg $0x60  }
0xae: {  	[dreg:$0x2] =	wrdreg s2  }
0xaf: {  	[dreg:$0x3] =	wrdreg s24  }
0xb0: {  	[dreg:$0x4] =	wrdreg $0x9  }
0xb1: {  	_ =	task.clear_ibuf [dreg:s7], $0x5FFFF;
	_ =	strace $0x9000004C  }
0xb2: {  	s29 =	simm.s32 $0x9;
	_ =	strace $0x8000004E  }
0xb3: {  	_ =	swait.ge [sflag:s29], $0x1  }
0xb4: {  	[sflag:s29] =	ssyncadd.s32 $0xFFFFFFFF  }
0xb5: {  	_ =	strace $0x9000004E  }
0xb6: {  	_ =	sfence  }
0xb7: {  	s30 =	sld [smem:$0x0];
	_ =	sdelay $0x2  }
0xb8: {  	s31 =	sshll.u32 s1, $0xD;
	s1 =	sshrl.u32 s1, $0x2  }
0xb9: {  	s3 =	sand.u32 $0x4000, s31;
	s1 =	sadd.s32 s1, s30  }
0xba: {  	s0 =	sor.u32 s3, s0;
	s1 =	sshll.u32 s1, $0x11  }
0xbb: {  	s0 =	sor.u32 s1, s0  }
0xbc: {  	s0 =	sadd.s32 $0x8F2B, s0  }
0xbd: {  	[sflag:s0] =	ssyncadd.remote.s32 $0x1  }
0xbe: {  	_ =	sfence.sel $0xFFFF  }
0xbf: {  	[dreg:$0x0] =	wrdreg $0xFFFFFFFF;
	(pc) =	sbr.abs _section_cstart, $3  }
0xc0: {  	[dreg:$0x1] =	wrdreg $0xFFFFFFFF  }
0xc1: {  	_ =	task.clear_ibuf [dreg:s7], $0x2FFFF;
	_ =	strace $0x9FFFFFFF  }
0xc2: {  	(tm) =	ssettm $0x7FFFFFFF  }
0xc3: {  	_ =	shalt  }
tec
execute0_lowered:
.L_overlay_start_1:
0x0: {  	(tag) =	ssettag $0x1  }
0x1: {  	s1 =	srdreg.scid  }
0x2: {  	s2 =	rddreg [dreg:$0x0];
	s0 =	stileid.u32  }
0x3: {  	s4 =	rddreg [dreg:$0x1];
	s3 =	simm.s32 $0x0;
	s8 =	simm.s32 $0x80  }
0x4: {  	s26 =	simm.s32 $0x880;
	s9 =	simm.s32 $0x1080;
	s10 =	simm.s32 $0x1880  }
0x5: {  	s11 =	simm.s32 $0x2080;
	s12 =	simm.s32 $0x2880;
	s13 =	simm.s32 $0x3080  }
0x6: {  	s14 =	simm.s32 $0x3880;
	s15 =	simm.s32 $0x4080;
	s16 =	simm.s32 $0x4880  }
0x7: {  	s17 =	simm.s32 $0x5080;
	s18 =	simm.s32 $0x5880;
	s19 =	simm.s32 $0x6080  }
0x8: {  	s20 =	simm.s32 $0x6880;
	s21 =	simm.s32 $0x7080;
	s22 =	simm.s32 $0x7880  }
0x9: {  	s23 =	simm.s32 $0x8080;
	s24 =	simm.s32 $0x8880;
	s28 =	simm.s32 $0xA080  }
0xa: {  	s29 =	simm.s32 $0xA880;
	s30 =	simm.s32 $0xB080;
	s31 =	simm.s32 $0xB880  }
0xb: {  	s1 =	sand.u32 $0x1, s1;
	s5 =	sshll.u32 s0, $0x4;
	[smem:$0x7FF] =	sst s3  }
0xc: {  	s6 =	sshll.u32 s1, $0x3;
	s1 =	ssub.s32 $0x2, s1;
	_ =	strace $0x8000004D  }
0xd: {  	[dreg:$0x5] =	wrdreg s26;
	s26 =	simm.s32 $0x9880;
	s5 =	sor.u32 s6, s5  }
0xe: {  	s7 =	sshrl.u32 s1, $0x1;
	s6 =	smul.u32 $0x300, s5;
	s5 =	sadd.s32 s5, s4  }
0xf: {  	s1 =	ssub.s32 s1, s7;
	s7 =	simm.s32 $0x2;
	s25 =	sadd.s32 $0x73C00, s5  }
0x10: {  	v2 =	vlaneseq.u32;
	s5 =	sadd.s32 $0x200, s2;
	s6 =	sadd.s32 s6, s4;
	[dreg:$0x3] =	wrdreg s25  }
0x11: {  	vm0 =	vmmov $0xffff;
	v1 =	vshrl.u32 v2, $0x3;
	s4 =	sadd.s32 $0x100, s2;
	s25 =	simm.s32 $0x9080;
	s6 =	sadd.s32 $0x43C00, s6  }
0x12: {  	v0 =	vand.u32 $0x7, v2;
	v2 =	vor.u32 $0x8, v2;
	v1 =	vmul.u32 $0x8, v1;
	[dreg:$0x4] =	wrdreg s6;
	s6 =	smax.u32 s1, $0x1;
	s1 =	simm.s32 $0x1  }
.LBB2_1:
0x13: {  	s0 =	rddreg [dreg:$0x3]  }
0x14: {  	[tilespmem:s3], [sflag:$0x2] =	stream.linear.gather [hbm4b:s0+s3], $0x40, $0x38;
	[tilespmem:$0xC080] =	vst v63  }
0x15: {  	_ =	swait.ge [sflag:s7], $0x40  }
0x16: {  	[sflag:s7] =	ssyncset.done $0x0  }
0x17: {  	[sflag:s7] =	ssyncadd.s32 $0xFFFFFFC0  }
0x18: {  	v3 =	vld [tilespmem:$0x0];
	_ =	sdelay $0x4  }
0x19: {  	v4 =	vshrl.u32 v3, $0x3  }
0x1a: {  	v4 =	vmul.u32 $0x30, v4  }
0x1b: {  	v3 =	vand.u32 $0x7, v3  }
0x1c: {  	v3 =	vor.u32 v3, v4  }
0x1d: {  	v4 =	vperm.xlane v3, v0;
	_ =	sdelay $0x1  }
0x1e: {  	v4 =	vadd.s32 v1, v4;
	_ =	sdelay $0x3  }
0x1f: {  	v3 =	vperm.xlane v3, v2  }
0x20: {  	[tilespmem:s8], [sflag:$0x1] =	stream.indirect_vreg.gather [hbm4b:s2+s3], $0x80, v4, vm0, $0xb8;
	[tilespmem:$0xC080] =	vst v63  }
0x21: {  	s0 =	rddreg [dreg:$0x5];
	v3 =	vadd.s32 v1, v3  }
0x22: {  	[tilespmem:s0], [sflag:$0x1] =	stream.indirect_vreg.gather [hbm4b:s4+s3], $0x80, v4, vm0, $0xb8;
	[tilespmem:$0xC080] =	vst v63  }
0x23: {  	_ = 	snop  }
0x24: {  	[tilespmem:s9], [sflag:$0x1] =	stream.indirect_vreg.gather [hbm4b:s5+s3], $0x80, v4, vm0, $0xb8;
	[tilespmem:$0xC080] =	vst v63  }
0x25: {  	_ = 	snop  }
0x26: {  	[tilespmem:s10], [sflag:$0x1] =	stream.indirect_vreg.gather [hbm4b:s2+s3], $0x80, v3, vm0, $0xb8;
	[tilespmem:$0xC080] =	vst v63  }
0x27: {  	_ = 	snop  }
0x28: {  	[tilespmem:s11], [sflag:$0x1] =	stream.indirect_vreg.gather [hbm4b:s4+s3], $0x80, v3, vm0, $0xb8;
	[tilespmem:$0xC080] =	vst v63  }
0x29: {  	_ = 	snop  }
0x2a: {  	[tilespmem:s12], [sflag:$0x1] =	stream.indirect_vreg.gather [hbm4b:s5+s3], $0x80, v3, vm0, $0xb8;
	[tilespmem:$0xC080] =	vst v63  }
0x2b: {  	v3 =	vld [tilespmem:$0x10];
	_ =	sdelay $0x4  }
0x2c: {  	v61 =	vshrl.u32 v3, $0x3  }
0x2d: {  	v4 =	vmul.u32 $0x30, v61  }
0x2e: {  	v3 =	vand.u32 $0x7, v3  }
0x2f: {  	v3 =	vor.u32 v3, v4  }
0x30: {  	v4 =	vperm.xlane v3, v0;
	_ =	sdelay $0x1  }
0x31: {  	v4 =	vadd.s32 v1, v4;
	_ =	sdelay $0x3  }
0x32: {  	v3 =	vperm.xlane v3, v2  }
0x33: {  	[tilespmem:s13], [sflag:$0x1] =	stream.indirect_vreg.gather [hbm4b:s2+s3], $0x80, v4, vm0, $0xb8;
	[tilespmem:$0xC080] =	vst v63  }
0x34: {  	v3 =	vadd.s32 v1, v3  }
0x35: {  	[tilespmem:s14], [sflag:$0x1] =	stream.indirect_vreg.gather [hbm4b:s4+s3], $0x80, v4, vm0, $0xb8;
	[tilespmem:$0xC080] =	vst v63  }
0x36: {  	_ = 	snop  }
0x37: {  	[tilespmem:s15], [sflag:$0x1] =	stream.indirect_vreg.gather [hbm4b:s5+s3], $0x80, v4, vm0, $0xb8;
	[tilespmem:$0xC080] =	vst v63  }
0x38: {  	_ = 	snop  }
0x39: {  	[tilespmem:s16], [sflag:$0x1] =	stream.indirect_vreg.gather [hbm4b:s2+s3], $0x80, v3, vm0, $0xb8;
	[tilespmem:$0xC080] =	vst v63  }
0x3a: {  	_ = 	snop  }
0x3b: {  	[tilespmem:s17], [sflag:$0x1] =	stream.indirect_vreg.gather [hbm4b:s4+s3], $0x80, v3, vm0, $0xb8;
	[tilespmem:$0xC080] =	vst v63  }
0x3c: {  	_ = 	snop  }
0x3d: {  	[tilespmem:s18], [sflag:$0x1] =	stream.indirect_vreg.gather [hbm4b:s5+s3], $0x80, v3, vm0, $0xb8;
	[tilespmem:$0xC080] =	vst v63  }
0x3e: {  	v3 =	vld [tilespmem:$0x20];
	_ =	sdelay $0x4  }
0x3f: {  	v62 =	vshrl.u32 v3, $0x3  }
0x40: {  	v4 =	vmul.u32 $0x30, v62  }
0x41: {  	v3 =	vand.u32 $0x7, v3  }
0x42: {  	v3 =	vor.u32 v3, v4  }
0x43: {  	v4 =	vperm.xlane v3, v0;
	_ =	sdelay $0x1  }
0x44: {  	v4 =	vadd.s32 v1, v4;
	_ =	sdelay $0x3  }
0x45: {  	v3 =	vperm.xlane v3, v2  }
0x46: {  	[tilespmem:s19], [sflag:$0x1] =	stream.indirect_vreg.gather [hbm4b:s2+s3], $0x80, v4, vm0, $0xb8;
	[tilespmem:$0xC080] =	vst v63  }
0x47: {  	v3 =	vadd.s32 v1, v3  }
0x48: {  	[tilespmem:s20], [sflag:$0x1] =	stream.indirect_vreg.gather [hbm4b:s4+s3], $0x80, v4, vm0, $0xb8;
	[tilespmem:$0xC080] =	vst v63  }
0x49: {  	_ = 	snop  }
0x4a: {  	[tilespmem:s21], [sflag:$0x1] =	stream.indirect_vreg.gather [hbm4b:s5+s3], $0x80, v4, vm0, $0xb8;
	[tilespmem:$0xC080] =	vst v63  }
0x4b: {  	_ = 	snop  }
0x4c: {  	[tilespmem:s22], [sflag:$0x1] =	stream.indirect_vreg.gather [hbm4b:s2+s3], $0x80, v3, vm0, $0xb8;
	[tilespmem:$0xC080] =	vst v63  }
0x4d: {  	_ = 	snop  }
0x4e: {  	[tilespmem:s23], [sflag:$0x1] =	stream.indirect_vreg.gather [hbm4b:s4+s3], $0x80, v3, vm0, $0xb8;
	[tilespmem:$0xC080] =	vst v63  }
0x4f: {  	_ = 	snop  }
0x50: {  	[tilespmem:s24], [sflag:$0x1] =	stream.indirect_vreg.gather [hbm4b:s5+s3], $0x80, v3, vm0, $0xb8;
	[tilespmem:$0xC080] =	vst v63  }
0x51: {  	v3 =	vld [tilespmem:$0x30];
	_ =	sdelay $0x4  }
0x52: {  	v63 =	vshrl.u32 v3, $0x3  }
0x53: {  	v4 =	vmul.u32 $0x30, v63  }
0x54: {  	v3 =	vand.u32 $0x7, v3  }
0x55: {  	v3 =	vor.u32 v3, v4  }
0x56: {  	v4 =	vperm.xlane v3, v0;
	_ =	sdelay $0x1  }
0x57: {  	v4 =	vadd.s32 v1, v4;
	_ =	sdelay $0x3  }
0x58: {  	v3 =	vperm.xlane v3, v2  }
0x59: {  	[tilespmem:s25], [sflag:$0x1] =	stream.indirect_vreg.gather [hbm4b:s2+s3], $0x80, v4, vm0, $0xb8;
	[tilespmem:$0xC080] =	vst v63  }
0x5a: {  	v3 =	vadd.s32 v1, v3  }
0x5b: {  	[tilespmem:s26], [sflag:$0x1] =	stream.indirect_vreg.gather [hbm4b:s4+s3], $0x80, v4, vm0, $0xb8;
	[tilespmem:$0xC080] =	vst v63  }
0x5c: {  	_ = 	snop  }
0x5d: {  	[tilespmem:s28], [sflag:$0x1] =	stream.indirect_vreg.gather [hbm4b:s5+s3], $0x80, v4, vm0, $0xb8;
	[tilespmem:$0xC080] =	vst v63  }
0x5e: {  	_ = 	snop  }
0x5f: {  	[tilespmem:s29], [sflag:$0x1] =	stream.indirect_vreg.gather [hbm4b:s2+s3], $0x80, v3, vm0, $0xb8;
	[tilespmem:$0xC080] =	vst v63  }
0x60: {  	_ = 	snop  }
0x61: {  	[tilespmem:s30], [sflag:$0x1] =	stream.indirect_vreg.gather [hbm4b:s4+s3], $0x80, v3, vm0, $0xb8;
	[tilespmem:$0xC080] =	vst v63  }
0x62: {  	_ = 	snop  }
0x63: {  	[tilespmem:s31], [sflag:$0x1] =	stream.indirect_vreg.gather [hbm4b:s5+s3], $0x80, v3, vm0, $0xb8;
	[tilespmem:$0xC080] =	vst v63  }
0x64: {  	_ =	swait.ge [sflag:s1], $0xC000  }
0x65: {  	p0 =	sne.s32 s6, $0x1;
	[sflag:s1] =	ssyncset.done $0x0  }
.Ltmp0:
0x66: {  	s0 =	rddreg [dreg:$0x4];
	[sflag:s1] =	ssyncadd.s32 $0xFFFF4000;
	(pc) =	sbr.rel @p0 .LBB2_1-.Ltmp0, $4  }
0x67: {  	[hbm4b:s0+s3] =	stream.linear.scatter [tilespmem:s8], [sflag:$0x2], $0xC000, $0x38;
	[tilespmem:$0xC080] =	vst v63  }
0x68: {  	_ =	swait.ge [sflag:s7], $0xC000  }
0x69: {  	[sflag:s7] =	ssyncset.done $0x0  }
0x6a: {  	s6 =	sadd.s32 $0xFFFFFFFF, s6;
	[sflag:s7] =	ssyncadd.s32 $0xFFFF4000  }
0x6b: {  	_ =	sfence.sel $0x180000  }
0x6c: {  	[bflag:$0x0] =	sbarrier.arrive $0xFFFF  }
0x6d: {  	_ =	strace $0x9000004D  }
0x6e: {  	s0 =	stileid.u32;
	[bflag:$0x2] =	sbarrier.arrive $0xFFFF  }
0x6f: {  	p0 =	sne.s32 s0, $0x0;
	s0 =	rddreg [dreg:$0x2]  }
0x70: {  	s0 =	sadd.s32 @!p0 $0x100000, s0  }
0x71: {  	[sflag:s0] =	ssyncadd.tile.s32 @!p0 $0x1;
	_ =	shalt  }
.Lfunc_end2:
_tile_overlayer_lowered:
.L_overlay_start_2:
0x72: {  	(tag) =	ssettag $0x2  }
0x73: {  	s0 =	rddreg [dreg:$0x0];
	s2 =	stileid.u32  }
0x74: {  	s1 =	rddreg [dreg:$0x1];
	p0 =	sne.s32 s2, $0x0  }
0x75: {  	s3 =	rddreg [dreg:$0x2];
	[bflag:$0x3] =	sbarrier.arrive $0xFFFF;
	s2 =	simm.s32 @!p0 $0x1C02  }
0x76: {  	[timem:s3], [sflag:s2] =	dma.local @!p0 [hbm:s0], s1  }
0x77: {  	s0 =	simm.s32 @!p0 $0x2  }
0x78: {  	_ =	swait.ge @!p0 [sflag:s0], s1  }
0x79: {  	s1 =	ssub.s32 @!p0 $0x0, s1;
	[sflag:s0] =	ssyncset.done @!p0 $0x0  }
0x7a: {  	[sflag:s0] =	ssyncadd.s32 @!p0 s1  }
0x7b: {  	[bflag:$0x3] =	sbarrier.arrive $0xFFFF  }
0x7c: {  	_ =	shalt  }

// kernel: kernel.21.cloned.1.call-start
scs
__scs_entry_jumppad:
0x0: {  	(pc) =	sbr.rel $0x88, $3  }
0x1: {  	(tag) =	ssettag $0x0;
	lr =	simm.s32 $0x1  }
0x2: {  	[smem:$0x3F93] =	sst lr;
	_ =	strace $0xD0000000  }
0x3: {  	_ = 	snop  }
0x4: {  	_ = 	snop  }
0x5: {  	_ = 	snop  }
0x6: {  	_ = 	snop  }
0x7: {  	_ = 	snop  }
__scs_overlays_trampoline_lowered:
0x8: {  	[smem:$0x3FA2] =	sst s0  }
0x9: {  	[smem:$0x3FA3] =	sst s1  }
0xa: {  	[smem:$0x3FA4] =	sst s2  }
0xb: {  	[smem:$0x3FA5] =	sst s3  }
0xc: {  	[smem:$0x3FA6] =	sst s4  }
0xd: {  	[smem:$0x3FA7] =	sst s5  }
0xe: {  	[smem:$0x3FA8] =	sst s6  }
0xf: {  	[smem:$0x3FA9] =	sst s7  }
0x10: {  	[smem:$0x3FAA] =	sst s8  }
0x11: {  	[smem:$0x3FAB] =	sst s9;
	s0 =	simm.s32 @!p0 $0x0  }
0x12: {  	s1 =	sld [smem:$0x3F91];
	s0 =	simm.s32 @p0 $0x1  }
0x13: {  	[smem:$0x3FAC] =	sst s0;
	s0 =	simm.s32 @!p1 $0x0  }
0x14: {  	s2 =	sld [smem:$0x3F90];
	s0 =	simm.s32 @p1 $0x1  }
0x15: {  	[smem:$0x3FAD] =	sst s0;
	s0 =	simm.s32 @!p2 $0x0  }
0x16: {  	s3 =	sld [smem:$0x3FDB];
	s0 =	simm.s32 @p2 $0x1  }
0x17: {  	s4 =	simm.s32 $0x1BF5;
	[smem:$0x3FAF] =	sst s0  }
0x18: {  	s0 =	sld [smem:$0x3F92];
	_ =	swait.ge [sflag:s4], $0x0  }
0x19: {  	s7 =	sld [smem:$0x3F93]  }
0x1a: {  	s8 =	sadd.s32 $0xFFFFE003, lr  }
0x1b: {  	s9 =	sadd.s32 $0xFFFFFEF7, lr;
	s5 =	simm.s32 $0xFFFFFFFF;
	p2 =	slt.u32 s8, $0xFFFFF086  }
0x1c: {  	p1 =	slt.u32 s9, $0xF7A;
	s5 =	simm.s32 @!p2 $0x0  }
0x1d: {  	s5 =	simm.s32 @p1 $0x1;
	p0 =	seq.s32 s7, s2  }
0x1e: {  	s7 =	smul.u32 @!p0 $0xF7A, s2;
	p2 =	seq.s32 @!p0 s5, $0x0  }
0x1f: {  	s9 =	smul.u32 $0xF7A, s1;
	s8 =	simm.s32 @!p0 $0x1BF5;
	p2 =	por !p2, p0  }
0x20: {  	[sflag:s8] =	ssyncset.s32 @!p0 $0xFFFFF086;
	s6 =	sadd.s32 @!p0 s3, s7;
	s7 =	simm.s32 @!p0 $0x108  }
0x21: {  	s3 =	sadd.s32 s3, s9;
	s6 =	sadd.s32 @!p0 $0x88, s6;
	s7 =	simm.s32 @p2 $0x1082  }
0x22: {  	[simem:s7], [sflag:s8] =	dma.local @!p0 [hbm:s6], $0xF7A  }
0x23: {  	s9 =	sor.u32 $0xD0000000, s2;
	s6 =	simm.s32 $0x108;
	_ =	swait.ge @!p0 [sflag:s8], $0x0  }
0x24: {  	s3 =	sadd.s32 $0x88, s3;
	s6 =	simm.s32 @!p1 $0x1082;
	[sflag:s4] =	ssyncset.s32 $0xFFFFF086  }
0x25: {  	[simem:s6], [sflag:s4] =	dma.local [hbm:s3], $0xF7A  }
0x26: {  	[smem:$0x3F93] =	sst s1;
	(tag) =	ssettag s2;
	_ =	strace s9  }
0x27: {  	s1 =	sld [smem:$0x3FA3]  }
0x28: {  	s2 =	sld [smem:$0x3FA4]  }
0x29: {  	s4 =	sld [smem:$0x3FA6]  }
0x2a: {  	p0 =	seq.s32 s5, $0x0;
	s5 =	sld [smem:$0x3FA7]  }
0x2b: {  	s6 =	sld [smem:$0x3FA8]  }
0x2c: {  	s7 =	sld [smem:$0x3FA9]  }
0x2d: {  	s3 =	simm.s32 $0x108;
	s8 =	sld [smem:$0x3FAA]  }
0x2e: {  	s3 =	simm.s32 @!p0 $0x1082;
	s9 =	sld [smem:$0x3FAB]  }
0x2f: {  	lr =	sadd.s32 s0, s3;
	s0 =	sld [smem:$0x3FA2]  }
0x30: {  	s3 =	sld [smem:$0x3FA5]  }
0x31: {  	[smem:$0x3FAE] =	sst s10  }
0x32: {  	s10 =	sld [smem:$0x3FAC];
	_ =	sdelay $0x3  }
0x33: {  	p0 =	seq.s32 s10, $0x1;
	s10 =	sld [smem:$0x3FAE];
	_ =	sdelay $0x3  }
0x34: {  	[smem:$0x3FAE] =	sst s10  }
0x35: {  	s10 =	sld [smem:$0x3FAD];
	_ =	sdelay $0x3  }
0x36: {  	p1 =	seq.s32 s10, $0x1;
	s10 =	sld [smem:$0x3FAE];
	_ =	sdelay $0x3  }
0x37: {  	[smem:$0x3FAE] =	sst s10  }
0x38: {  	s10 =	sld [smem:$0x3FAF]  }
0x39: {  	_ = 	snop;
	(pc) =	sbr.ind lr, $3  }
0x3a: {  	_ = 	snop  }
0x3b: {  	_ = 	snop  }
0x3c: {  	p2 =	seq.s32 s10, $0x1;
	s10 =	sld [smem:$0x3FAE]  }
0x3d: {  	_ =	shalt  }
0x3e: {  	_ =	shalt  }
0x3f: {  	_ =	shalt  }
0x40: {  	_ =	shalt  }
0x41: {  	_ =	shalt  }
0x42: {  	_ =	shalt  }
0x43: {  	_ =	shalt  }
0x44: {  	_ =	shalt  }
0x45: {  	_ =	shalt  }
0x46: {  	_ =	shalt  }
0x47: {  	_ =	shalt  }
0x48: {  	_ =	shalt  }
0x49: {  	_ =	shalt  }
0x4a: {  	_ =	shalt  }
0x4b: {  	_ =	shalt  }
0x4c: {  	_ =	shalt  }
0x4d: {  	_ =	shalt  }
0x4e: {  	_ =	shalt  }
0x4f: {  	_ =	shalt  }
0x50: {  	_ =	shalt  }
0x51: {  	_ =	shalt  }
0x52: {  	_ =	shalt  }
0x53: {  	_ =	shalt  }
0x54: {  	_ =	shalt  }
0x55: {  	_ =	shalt  }
0x56: {  	_ =	shalt  }
0x57: {  	_ =	shalt  }
0x58: {  	_ =	shalt  }
0x59: {  	_ =	shalt  }
0x5a: {  	_ =	shalt  }
0x5b: {  	_ =	shalt  }
0x5c: {  	_ =	shalt  }
0x5d: {  	_ =	shalt  }
0x5e: {  	_ =	shalt  }
0x5f: {  	_ =	shalt  }
0x60: {  	_ =	shalt  }
0x61: {  	_ =	shalt  }
0x62: {  	_ =	shalt  }
0x63: {  	_ =	shalt  }
0x64: {  	_ =	shalt  }
0x65: {  	_ =	shalt  }
0x66: {  	_ =	shalt  }
0x67: {  	_ =	shalt  }
0x68: {  	_ =	shalt  }
0x69: {  	_ =	shalt  }
0x6a: {  	_ =	shalt  }
0x6b: {  	_ =	shalt  }
0x6c: {  	_ =	shalt  }
0x6d: {  	_ =	shalt  }
0x6e: {  	_ =	shalt  }
0x6f: {  	_ =	shalt  }
0x70: {  	_ =	shalt  }
0x71: {  	_ =	shalt  }
0x72: {  	_ =	shalt  }
0x73: {  	_ =	shalt  }
0x74: {  	_ =	shalt  }
0x75: {  	_ =	shalt  }
0x76: {  	_ =	shalt  }
0x77: {  	_ =	shalt  }
0x78: {  	_ =	shalt  }
0x79: {  	_ =	shalt  }
0x7a: {  	_ =	shalt  }
0x7b: {  	_ =	shalt  }
0x7c: {  	_ =	shalt  }
0x7d: {  	_ =	shalt  }
0x7e: {  	_ =	shalt  }
0x7f: {  	_ =	shalt  }
0x80: {  	_ =	shalt  }
0x81: {  	_ =	shalt  }
0x82: {  	_ =	shalt  }
0x83: {  	_ =	shalt  }
0x84: {  	_ =	shalt  }
0x85: {  	_ =	shalt  }
0x86: {  	_ =	shalt  }
0x87: {  	_ =	shalt  }
.Lfunc_end0:
.L_simem_size_0:
called_computation.3_lowered:
.L_overlay_start_0:
0x88: {  	s2 =	sld [smem:$0x3FD9]  }
0x89: {  	s3 =	sld [smem:$0x3FFE];
	_ =	sdelay $0x1  }
0x8a: {  	s1 =	srdreg.scid  }
0x8b: {  	s0 =	sand.u32 $0x1, s1  }
0x8c: {  	s17 =	sshll.u32 s0, $0xA;
	s2 =	sadd.s32 s3, s2  }
0x8d: {  	s2 =	sadd.s32 s2, s17  }
0x8e: {  	[smem:$0x3FBA] =	sst s2  }
0x8f: {  	_ = 	snop  }
0x90: {  	s2 =	sld [smem:$0x3FD0];
	(tm) =	ssettm $0x1  }
0x91: {  	s18 =	sld [smem:$0x3FFB];
	_ =	sdelay $0x3  }
0x92: {  	_ =	strace s18  }
0x93: {  	s3 =	sld [smem:$0x3FFC];
	_ =	sdelay $0x3  }
0x94: {  	_ =	strace s3  }
0x95: {  	s3 =	sld [smem:$0x3FFD];
	_ =	sdelay $0x3  }
0x96: {  	_ =	strace s3  }
0x97: {  	_ =	strace $0x8FFFFFFF  }
0x98: {  	s19 =	sld [smem:$0x3FDB];
	_ =	sdelay $0x1  }
0x99: {  	s4 =	simm.s32 $_scs_section_size  }
0x9a: {  	s5 =	simm.s32 $_size__tile_overlayer_lowered;
	s6 =	simm.s32 $_tile_overlayer_lowered  }
0x9b: {  	s22 =	simm.s32 $0x1BFF;
	s21 =	sshll.u32 s6, $0x1;
	s3 =	sadd.s32 s4, s19  }
0x9c: {  	s7 =	simm.s32 $0x0;
	s20 =	sshll.u32 s5, $0x1;
	s5 =	sadd.s32 s21, s3  }
0x9d: {  	[timem:s7], [sflag:s22] =	dma.local [hbm:s5], s20  }
0x9e: {  	_ =	swait.ge [sflag:s22], s20  }
0x9f: {  	s4 =	ssub.s32 $0x0, s20;
	[sflag:s22] =	ssyncset.done $0x0  }
0xa0: {  	[sflag:s22] =	ssyncadd.s32 s4;
	_ =	sdelay $0x1  }
0xa1: {  	s23 =	simm.s32 $0x1B8B  }
0xa2: {  	_ =	swait.ge [sflag:s23], $0x1  }
0xa3: {  	[sflag:s23] =	ssyncset.done $0x0  }
0xa4: {  	s25 =	simm.s32 $0x1B8E;
	s24 =	sld [smem:$0x3FFE];
	[sflag:s23] =	ssyncadd.s32 $0xFFFFFFFF  }
0xa5: {  	s26 =	simm.s32 $execute0_lowered;
	[smem:$0x3FD2] =	sst s25  }
0xa6: {  	s5 =	sshll.u32 s26, $0x1;
	_ =	strace $0x8000004F;
	[dreg:$0x1] =	wrdreg $0xFFFFFFFF  }
0xa7: {  	s28 =	simm.s32 $_size_execute0_lowered;
	s3 =	sadd.s32 s3, s5;
	[dreg:$0x0] =	wrdreg $0x0  }
0xa8: {  	s5 =	sshll.u32 s28, $0x1;
	[dreg:$0x2] =	wrdreg s3  }
0xa9: {  	[dreg:$0x3] =	wrdreg s5  }
0xaa: {  	[dreg:$0x4] =	wrdreg $0xC0  }
0xab: {  	_ =	task [dreg:s7], $0x5FFFF  }
0xac: {  	[dreg:$0x1] =	wrdreg $0xFFFFFFFF  }
0xad: {  	[dreg:$0x0] =	wrdreg $0x60  }
0xae: {  	[dreg:$0x2] =	wrdreg s24  }
0xaf: {  	[dreg:$0x3] =	wrdreg s2  }
0xb0: {  	[dreg:$0x4] =	wrdreg $0x9  }
0xb1: {  	_ =	task.clear_ibuf [dreg:s7], $0x5FFFF;
	_ =	strace $0x9000004F  }
0xb2: {  	s29 =	simm.s32 $0x9;
	_ =	strace $0x80000051  }
0xb3: {  	_ =	swait.ge [sflag:s29], $0x1  }
0xb4: {  	[sflag:s29] =	ssyncadd.s32 $0xFFFFFFFF  }
0xb5: {  	_ =	strace $0x90000051  }
0xb6: {  	_ =	sfence  }
0xb7: {  	s30 =	sld [smem:$0x0];
	_ =	sdelay $0x2  }
0xb8: {  	s31 =	sshll.u32 s1, $0xD;
	s1 =	sshrl.u32 s1, $0x2  }
0xb9: {  	s3 =	sand.u32 $0x4000, s31;
	s1 =	sadd.s32 s1, s30  }
0xba: {  	s0 =	sor.u32 s3, s0;
	s1 =	sshll.u32 s1, $0x11  }
0xbb: {  	s0 =	sor.u32 s1, s0  }
0xbc: {  	s0 =	sadd.s32 $0x8F2B, s0  }
0xbd: {  	[sflag:s0] =	ssyncadd.remote.s32 $0x1  }
0xbe: {  	_ =	sfence.sel $0xFFFF  }
0xbf: {  	[dreg:$0x0] =	wrdreg $0xFFFFFFFF;
	(pc) =	sbr.abs _section_cstart, $3  }
0xc0: {  	[dreg:$0x1] =	wrdreg $0xFFFFFFFF  }
0xc1: {  	_ =	task.clear_ibuf [dreg:s7], $0x2FFFF;
	_ =	strace $0x9FFFFFFF  }
0xc2: {  	(tm) =	ssettm $0x7FFFFFFF  }
0xc3: {  	_ =	shalt  }
tec
execute0_lowered:
.L_overlay_start_1:
0x0: {  	(tag) =	ssettag $0x1  }
0x1: {  	s1 =	srdreg.scid  }
0x2: {  	s4 =	rddreg [dreg:$0x0];
	s0 =	stileid.u32  }
0x3: {  	s2 =	rddreg [dreg:$0x1];
	s3 =	simm.s32 $0x0;
	s7 =	simm.s32 $0x2  }
0x4: {  	s8 =	simm.s32 $0x80;
	s26 =	simm.s32 $0x880;
	s9 =	simm.s32 $0x1080  }
0x5: {  	s10 =	simm.s32 $0x1880;
	s11 =	simm.s32 $0x2080;
	s12 =	simm.s32 $0x2880  }
0x6: {  	s13 =	simm.s32 $0x3080;
	s14 =	simm.s32 $0x3880;
	s15 =	simm.s32 $0x4080  }
0x7: {  	s16 =	simm.s32 $0x4880;
	s17 =	simm.s32 $0x5080;
	s18 =	simm.s32 $0x5880  }
0x8: {  	s19 =	simm.s32 $0x6080;
	s20 =	simm.s32 $0x6880;
	s21 =	simm.s32 $0x7080  }
0x9: {  	s22 =	simm.s32 $0x7880;
	s23 =	simm.s32 $0x8080;
	s24 =	simm.s32 $0x8880  }
0xa: {  	s28 =	simm.s32 $0xA080;
	s29 =	simm.s32 $0xA880;
	s30 =	simm.s32 $0xB080  }
0xb: {  	s31 =	simm.s32 $0xB880;
	s1 =	sand.u32 $0x1, s1;
	[smem:$0x7FF] =	sst s3  }
0xc: {  	s5 =	sshll.u32 s0, $0x4;
	s6 =	sshll.u32 s1, $0x3;
	_ =	strace $0x80000050  }
0xd: {  	s1 =	ssub.s32 $0x2, s1;
	[dreg:$0x5] =	wrdreg s26;
	s5 =	sor.u32 s6, s5  }
0xe: {  	s25 =	sshrl.u32 s1, $0x1;
	s6 =	smul.u32 $0x300, s5;
	s5 =	sadd.s32 s5, s4  }
0xf: {  	s26 =	simm.s32 $0x9880;
	s1 =	ssub.s32 s1, s25;
	s5 =	sadd.s32 $0x34600, s5  }
0x10: {  	v2 =	vlaneseq.u32;
	s25 =	simm.s32 $0x9080;
	s4 =	sadd.s32 s6, s4;
	[dreg:$0x3] =	wrdreg s5  }
0x11: {  	vm0 =	vmmov $0xffff;
	v1 =	vshrl.u32 v2, $0x3;
	s5 =	sadd.s32 $0x200, s2;
	s6 =	smax.u32 s1, $0x1;
	s4 =	sadd.s32 $0x4600, s4  }
0x12: {  	v0 =	vand.u32 $0x7, v2;
	v2 =	vor.u32 $0x8, v2;
	v1 =	vmul.u32 $0x8, v1;
	s1 =	simm.s32 $0x1;
	[dreg:$0x4] =	wrdreg s4;
	s4 =	sadd.s32 $0x100, s2  }
.LBB2_1:
0x13: {  	s0 =	rddreg [dreg:$0x3]  }
0x14: {  	[tilespmem:s3], [sflag:$0x2] =	stream.linear.gather [hbm4b:s0+s3], $0x40, $0x38;
	[tilespmem:$0xC080] =	vst v63  }
0x15: {  	_ =	swait.ge [sflag:s7], $0x40  }
0x16: {  	[sflag:s7] =	ssyncset.done $0x0  }
0x17: {  	s0 =	rddreg [dreg:$0x4];
	[sflag:s7] =	ssyncadd.s32 $0xFFFFFFC0  }
0x18: {  	[tilespmem:s8], [sflag:$0x2] =	stream.linear.gather [hbm4b:s0+s3], $0xC000, $0x38;
	[tilespmem:$0xC080] =	vst v63  }
0x19: {  	_ =	swait.ge [sflag:s7], $0xC000  }
0x1a: {  	[sflag:s7] =	ssyncset.done $0x0  }
0x1b: {  	[sflag:s7] =	ssyncadd.s32 $0xFFFF4000  }
0x1c: {  	v3 =	vld [tilespmem:$0x0];
	_ =	sdelay $0x4  }
0x1d: {  	v4 =	vshrl.u32 v3, $0x3  }
0x1e: {  	v4 =	vmul.u32 $0x30, v4  }
0x1f: {  	v3 =	vand.u32 $0x7, v3  }
0x20: {  	v3 =	vor.u32 v3, v4  }
0x21: {  	v4 =	vperm.xlane v3, v0;
	_ =	sdelay $0x1  }
0x22: {  	v4 =	vadd.s32 v1, v4;
	_ =	sdelay $0x3  }
0x23: {  	v3 =	vperm.xlane v3, v2  }
0x24: {  	[hbm4b:s2+s3] =	stream.indirect_vreg.scatter [tilespmem:s8], [sflag:$0x1], $0x80, v4, vm0, $0xb8;
	[tilespmem:$0xC080] =	vst v63  }
0x25: {  	s0 =	rddreg [dreg:$0x5];
	v3 =	vadd.s32 v1, v3  }
0x26: {  	[hbm4b:s4+s3] =	stream.indirect_vreg.scatter [tilespmem:s0], [sflag:$0x1], $0x80, v4, vm0, $0xb8;
	[tilespmem:$0xC080] =	vst v63  }
0x27: {  	_ = 	snop  }
0x28: {  	[hbm4b:s5+s3] =	stream.indirect_vreg.scatter [tilespmem:s9], [sflag:$0x1], $0x80, v4, vm0, $0xb8;
	[tilespmem:$0xC080] =	vst v63  }
0x29: {  	_ = 	snop  }
0x2a: {  	[hbm4b:s2+s3] =	stream.indirect_vreg.scatter [tilespmem:s10], [sflag:$0x1], $0x80, v3, vm0, $0xb8;
	[tilespmem:$0xC080] =	vst v63  }
0x2b: {  	_ = 	snop  }
0x2c: {  	[hbm4b:s4+s3] =	stream.indirect_vreg.scatter [tilespmem:s11], [sflag:$0x1], $0x80, v3, vm0, $0xb8;
	[tilespmem:$0xC080] =	vst v63  }
0x2d: {  	_ = 	snop  }
0x2e: {  	[hbm4b:s5+s3] =	stream.indirect_vreg.scatter [tilespmem:s12], [sflag:$0x1], $0x80, v3, vm0, $0xb8;
	[tilespmem:$0xC080] =	vst v63  }
0x2f: {  	v3 =	vld [tilespmem:$0x10];
	_ =	sdelay $0x4  }
0x30: {  	v61 =	vshrl.u32 v3, $0x3  }
0x31: {  	v4 =	vmul.u32 $0x30, v61  }
0x32: {  	v3 =	vand.u32 $0x7, v3  }
0x33: {  	v3 =	vor.u32 v3, v4  }
0x34: {  	v4 =	vperm.xlane v3, v0;
	_ =	sdelay $0x1  }
0x35: {  	v4 =	vadd.s32 v1, v4;
	_ =	sdelay $0x3  }
0x36: {  	v3 =	vperm.xlane v3, v2  }
0x37: {  	[hbm4b:s2+s3] =	stream.indirect_vreg.scatter [tilespmem:s13], [sflag:$0x1], $0x80, v4, vm0, $0xb8;
	[tilespmem:$0xC080] =	vst v63  }
0x38: {  	v3 =	vadd.s32 v1, v3  }
0x39: {  	[hbm4b:s4+s3] =	stream.indirect_vreg.scatter [tilespmem:s14], [sflag:$0x1], $0x80, v4, vm0, $0xb8;
	[tilespmem:$0xC080] =	vst v63  }
0x3a: {  	_ = 	snop  }
0x3b: {  	[hbm4b:s5+s3] =	stream.indirect_vreg.scatter [tilespmem:s15], [sflag:$0x1], $0x80, v4, vm0, $0xb8;
	[tilespmem:$0xC080] =	vst v63  }
0x3c: {  	_ = 	snop  }
0x3d: {  	[hbm4b:s2+s3] =	stream.indirect_vreg.scatter [tilespmem:s16], [sflag:$0x1], $0x80, v3, vm0, $0xb8;
	[tilespmem:$0xC080] =	vst v63  }
0x3e: {  	_ = 	snop  }
0x3f: {  	[hbm4b:s4+s3] =	stream.indirect_vreg.scatter [tilespmem:s17], [sflag:$0x1], $0x80, v3, vm0, $0xb8;
	[tilespmem:$0xC080] =	vst v63  }
0x40: {  	_ = 	snop  }
0x41: {  	[hbm4b:s5+s3] =	stream.indirect_vreg.scatter [tilespmem:s18], [sflag:$0x1], $0x80, v3, vm0, $0xb8;
	[tilespmem:$0xC080] =	vst v63  }
0x42: {  	v3 =	vld [tilespmem:$0x20];
	_ =	sdelay $0x4  }
0x43: {  	v62 =	vshrl.u32 v3, $0x3  }
0x44: {  	v4 =	vmul.u32 $0x30, v62  }
0x45: {  	v3 =	vand.u32 $0x7, v3  }
0x46: {  	v3 =	vor.u32 v3, v4  }
0x47: {  	v4 =	vperm.xlane v3, v0;
	_ =	sdelay $0x1  }
0x48: {  	v4 =	vadd.s32 v1, v4;
	_ =	sdelay $0x3  }
0x49: {  	v3 =	vperm.xlane v3, v2  }
0x4a: {  	[hbm4b:s2+s3] =	stream.indirect_vreg.scatter [tilespmem:s19], [sflag:$0x1], $0x80, v4, vm0, $0xb8;
	[tilespmem:$0xC080] =	vst v63  }
0x4b: {  	v3 =	vadd.s32 v1, v3  }
0x4c: {  	[hbm4b:s4+s3] =	stream.indirect_vreg.scatter [tilespmem:s20], [sflag:$0x1], $0x80, v4, vm0, $0xb8;
	[tilespmem:$0xC080] =	vst v63  }
0x4d: {  	_ = 	snop  }
0x4e: {  	[hbm4b:s5+s3] =	stream.indirect_vreg.scatter [tilespmem:s21], [sflag:$0x1], $0x80, v4, vm0, $0xb8;
	[tilespmem:$0xC080] =	vst v63  }
0x4f: {  	_ = 	snop  }
0x50: {  	[hbm4b:s2+s3] =	stream.indirect_vreg.scatter [tilespmem:s22], [sflag:$0x1], $0x80, v3, vm0, $0xb8;
	[tilespmem:$0xC080] =	vst v63  }
0x51: {  	_ = 	snop  }
0x52: {  	[hbm4b:s4+s3] =	stream.indirect_vreg.scatter [tilespmem:s23], [sflag:$0x1], $0x80, v3, vm0, $0xb8;
	[tilespmem:$0xC080] =	vst v63  }
0x53: {  	_ = 	snop  }
0x54: {  	[hbm4b:s5+s3] =	stream.indirect_vreg.scatter [tilespmem:s24], [sflag:$0x1], $0x80, v3, vm0, $0xb8;
	[tilespmem:$0xC080] =	vst v63  }
0x55: {  	v3 =	vld [tilespmem:$0x30];
	_ =	sdelay $0x4  }
0x56: {  	v63 =	vshrl.u32 v3, $0x3  }
0x57: {  	v4 =	vmul.u32 $0x30, v63  }
0x58: {  	v3 =	vand.u32 $0x7, v3  }
0x59: {  	v3 =	vor.u32 v3, v4  }
0x5a: {  	v4 =	vperm.xlane v3, v0;
	_ =	sdelay $0x1  }
0x5b: {  	v4 =	vadd.s32 v1, v4;
	_ =	sdelay $0x3  }
0x5c: {  	v3 =	vperm.xlane v3, v2  }
0x5d: {  	[hbm4b:s2+s3] =	stream.indirect_vreg.scatter [tilespmem:s25], [sflag:$0x1], $0x80, v4, vm0, $0xb8;
	[tilespmem:$0xC080] =	vst v63  }
0x5e: {  	v3 =	vadd.s32 v1, v3  }
0x5f: {  	[hbm4b:s4+s3] =	stream.indirect_vreg.scatter [tilespmem:s26], [sflag:$0x1], $0x80, v4, vm0, $0xb8;
	[tilespmem:$0xC080] =	vst v63  }
0x60: {  	_ = 	snop  }
0x61: {  	[hbm4b:s5+s3] =	stream.indirect_vreg.scatter [tilespmem:s28], [sflag:$0x1], $0x80, v4, vm0, $0xb8;
	[tilespmem:$0xC080] =	vst v63  }
0x62: {  	_ = 	snop  }
0x63: {  	[hbm4b:s2+s3] =	stream.indirect_vreg.scatter [tilespmem:s29], [sflag:$0x1], $0x80, v3, vm0, $0xb8;
	[tilespmem:$0xC080] =	vst v63  }
0x64: {  	p0 =	sne.s32 s6, $0x1  }
0x65: {  	[hbm4b:s4+s3] =	stream.indirect_vreg.scatter [tilespmem:s30], [sflag:$0x1], $0x80, v3, vm0, $0xb8;
	[tilespmem:$0xC080] =	vst v63  }
.Ltmp0:
0x66: {  	_ = 	snop;
	(pc) =	sbr.rel @p0 .LBB2_1-.Ltmp0, $4  }
0x67: {  	[hbm4b:s5+s3] =	stream.indirect_vreg.scatter [tilespmem:s31], [sflag:$0x1], $0x80, v3, vm0, $0xb8;
	[tilespmem:$0xC080] =	vst v63  }
0x68: {  	_ =	swait.ge [sflag:s1], $0xC000  }
0x69: {  	[sflag:s1] =	ssyncset.done $0x0  }
0x6a: {  	s6 =	sadd.s32 $0xFFFFFFFF, s6;
	[sflag:s1] =	ssyncadd.s32 $0xFFFF4000  }
0x6b: {  	_ =	sfence.sel $0x180000  }
0x6c: {  	[bflag:$0x0] =	sbarrier.arrive $0xFFFF  }
0x6d: {  	_ =	strace $0x90000050  }
0x6e: {  	s0 =	stileid.u32;
	[bflag:$0x2] =	sbarrier.arrive $0xFFFF  }
0x6f: {  	p0 =	sne.s32 s0, $0x0;
	s0 =	rddreg [dreg:$0x2]  }
0x70: {  	s0 =	sadd.s32 @!p0 $0x100000, s0  }
0x71: {  	[sflag:s0] =	ssyncadd.tile.s32 @!p0 $0x1;
	_ =	shalt  }
.Lfunc_end2:
_tile_overlayer_lowered:
.L_overlay_start_2:
0x72: {  	(tag) =	ssettag $0x2  }
0x73: {  	s0 =	rddreg [dreg:$0x0];
	s2 =	stileid.u32  }
0x74: {  	s1 =	rddreg [dreg:$0x1];
	p0 =	sne.s32 s2, $0x0  }
0x75: {  	s3 =	rddreg [dreg:$0x2];
	[bflag:$0x3] =	sbarrier.arrive $0xFFFF;
	s2 =	simm.s32 @!p0 $0x1C02  }
0x76: {  	[timem:s3], [sflag:s2] =	dma.local @!p0 [hbm:s0], s1  }
0x77: {  	s0 =	simm.s32 @!p0 $0x2  }
0x78: {  	_ =	swait.ge @!p0 [sflag:s0], s1  }
0x79: {  	s1 =	ssub.s32 @!p0 $0x0, s1;
	[sflag:s0] =	ssyncset.done @!p0 $0x0  }
0x7a: {  	[sflag:s0] =	ssyncadd.s32 @!p0 s1  }
0x7b: {  	[bflag:$0x3] =	sbarrier.arrive $0xFFFF  }
0x7c: {  	_ =	shalt  }

// kernel: kernel.24.cloned.1.call-start
scs
__scs_entry_jumppad:
0x0: {  	(pc) =	sbr.rel $0x88, $3  }
0x1: {  	(tag) =	ssettag $0x0;
	lr =	simm.s32 $0x1  }
0x2: {  	[smem:$0x3F93] =	sst lr;
	_ =	strace $0xD0000000  }
0x3: {  	_ = 	snop  }
0x4: {  	_ = 	snop  }
0x5: {  	_ = 	snop  }
0x6: {  	_ = 	snop  }
0x7: {  	_ = 	snop  }
__scs_overlays_trampoline_lowered:
0x8: {  	[smem:$0x3FA2] =	sst s0  }
0x9: {  	[smem:$0x3FA3] =	sst s1  }
0xa: {  	[smem:$0x3FA4] =	sst s2  }
0xb: {  	[smem:$0x3FA5] =	sst s3  }
0xc: {  	[smem:$0x3FA6] =	sst s4  }
0xd: {  	[smem:$0x3FA7] =	sst s5  }
0xe: {  	[smem:$0x3FA8] =	sst s6  }
0xf: {  	[smem:$0x3FA9] =	sst s7  }
0x10: {  	[smem:$0x3FAA] =	sst s8  }
0x11: {  	[smem:$0x3FAB] =	sst s9;
	s0 =	simm.s32 @!p0 $0x0  }
0x12: {  	s1 =	sld [smem:$0x3F91];
	s0 =	simm.s32 @p0 $0x1  }
0x13: {  	[smem:$0x3FAC] =	sst s0;
	s0 =	simm.s32 @!p1 $0x0  }
0x14: {  	s2 =	sld [smem:$0x3F90];
	s0 =	simm.s32 @p1 $0x1  }
0x15: {  	[smem:$0x3FAD] =	sst s0;
	s0 =	simm.s32 @!p2 $0x0  }
0x16: {  	s3 =	sld [smem:$0x3FDB];
	s0 =	simm.s32 @p2 $0x1  }
0x17: {  	s4 =	simm.s32 $0x1BF5;
	[smem:$0x3FAF] =	sst s0  }
0x18: {  	s0 =	sld [smem:$0x3F92];
	_ =	swait.ge [sflag:s4], $0x0  }
0x19: {  	s7 =	sld [smem:$0x3F93]  }
0x1a: {  	s8 =	sadd.s32 $0xFFFFE003, lr  }
0x1b: {  	s9 =	sadd.s32 $0xFFFFFEF7, lr;
	s5 =	simm.s32 $0xFFFFFFFF;
	p2 =	slt.u32 s8, $0xFFFFF086  }
0x1c: {  	p1 =	slt.u32 s9, $0xF7A;
	s5 =	simm.s32 @!p2 $0x0  }
0x1d: {  	s5 =	simm.s32 @p1 $0x1;
	p0 =	seq.s32 s7, s2  }
0x1e: {  	s7 =	smul.u32 @!p0 $0xF7A, s2;
	p2 =	seq.s32 @!p0 s5, $0x0  }
0x1f: {  	s9 =	smul.u32 $0xF7A, s1;
	s8 =	simm.s32 @!p0 $0x1BF5;
	p2 =	por !p2, p0  }
0x20: {  	[sflag:s8] =	ssyncset.s32 @!p0 $0xFFFFF086;
	s6 =	sadd.s32 @!p0 s3, s7;
	s7 =	simm.s32 @!p0 $0x108  }
0x21: {  	s3 =	sadd.s32 s3, s9;
	s6 =	sadd.s32 @!p0 $0x88, s6;
	s7 =	simm.s32 @p2 $0x1082  }
0x22: {  	[simem:s7], [sflag:s8] =	dma.local @!p0 [hbm:s6], $0xF7A  }
0x23: {  	s9 =	sor.u32 $0xD0000000, s2;
	s6 =	simm.s32 $0x108;
	_ =	swait.ge @!p0 [sflag:s8], $0x0  }
0x24: {  	s3 =	sadd.s32 $0x88, s3;
	s6 =	simm.s32 @!p1 $0x1082;
	[sflag:s4] =	ssyncset.s32 $0xFFFFF086  }
0x25: {  	[simem:s6], [sflag:s4] =	dma.local [hbm:s3], $0xF7A  }
0x26: {  	[smem:$0x3F93] =	sst s1;
	(tag) =	ssettag s2;
	_ =	strace s9  }
0x27: {  	s1 =	sld [smem:$0x3FA3]  }
0x28: {  	s2 =	sld [smem:$0x3FA4]  }
0x29: {  	s4 =	sld [smem:$0x3FA6]  }
0x2a: {  	p0 =	seq.s32 s5, $0x0;
	s5 =	sld [smem:$0x3FA7]  }
0x2b: {  	s6 =	sld [smem:$0x3FA8]  }
0x2c: {  	s7 =	sld [smem:$0x3FA9]  }
0x2d: {  	s3 =	simm.s32 $0x108;
	s8 =	sld [smem:$0x3FAA]  }
0x2e: {  	s3 =	simm.s32 @!p0 $0x1082;
	s9 =	sld [smem:$0x3FAB]  }
0x2f: {  	lr =	sadd.s32 s0, s3;
	s0 =	sld [smem:$0x3FA2]  }
0x30: {  	s3 =	sld [smem:$0x3FA5]  }
0x31: {  	[smem:$0x3FAE] =	sst s10  }
0x32: {  	s10 =	sld [smem:$0x3FAC];
	_ =	sdelay $0x3  }
0x33: {  	p0 =	seq.s32 s10, $0x1;
	s10 =	sld [smem:$0x3FAE];
	_ =	sdelay $0x3  }
0x34: {  	[smem:$0x3FAE] =	sst s10  }
0x35: {  	s10 =	sld [smem:$0x3FAD];
	_ =	sdelay $0x3  }
0x36: {  	p1 =	seq.s32 s10, $0x1;
	s10 =	sld [smem:$0x3FAE];
	_ =	sdelay $0x3  }
0x37: {  	[smem:$0x3FAE] =	sst s10  }
0x38: {  	s10 =	sld [smem:$0x3FAF]  }
0x39: {  	_ = 	snop;
	(pc) =	sbr.ind lr, $3  }
0x3a: {  	_ = 	snop  }
0x3b: {  	_ = 	snop  }
0x3c: {  	p2 =	seq.s32 s10, $0x1;
	s10 =	sld [smem:$0x3FAE]  }
0x3d: {  	_ =	shalt  }
0x3e: {  	_ =	shalt  }
0x3f: {  	_ =	shalt  }
0x40: {  	_ =	shalt  }
0x41: {  	_ =	shalt  }
0x42: {  	_ =	shalt  }
0x43: {  	_ =	shalt  }
0x44: {  	_ =	shalt  }
0x45: {  	_ =	shalt  }
0x46: {  	_ =	shalt  }
0x47: {  	_ =	shalt  }
0x48: {  	_ =	shalt  }
0x49: {  	_ =	shalt  }
0x4a: {  	_ =	shalt  }
0x4b: {  	_ =	shalt  }
0x4c: {  	_ =	shalt  }
0x4d: {  	_ =	shalt  }
0x4e: {  	_ =	shalt  }
0x4f: {  	_ =	shalt  }
0x50: {  	_ =	shalt  }
0x51: {  	_ =	shalt  }
0x52: {  	_ =	shalt  }
0x53: {  	_ =	shalt  }
0x54: {  	_ =	shalt  }
0x55: {  	_ =	shalt  }
0x56: {  	_ =	shalt  }
0x57: {  	_ =	shalt  }
0x58: {  	_ =	shalt  }
0x59: {  	_ =	shalt  }
0x5a: {  	_ =	shalt  }
0x5b: {  	_ =	shalt  }
0x5c: {  	_ =	shalt  }
0x5d: {  	_ =	shalt  }
0x5e: {  	_ =	shalt  }
0x5f: {  	_ =	shalt  }
0x60: {  	_ =	shalt  }
0x61: {  	_ =	shalt  }
0x62: {  	_ =	shalt  }
0x63: {  	_ =	shalt  }
0x64: {  	_ =	shalt  }
0x65: {  	_ =	shalt  }
0x66: {  	_ =	shalt  }
0x67: {  	_ =	shalt  }
0x68: {  	_ =	shalt  }
0x69: {  	_ =	shalt  }
0x6a: {  	_ =	shalt  }
0x6b: {  	_ =	shalt  }
0x6c: {  	_ =	shalt  }
0x6d: {  	_ =	shalt  }
0x6e: {  	_ =	shalt  }
0x6f: {  	_ =	shalt  }
0x70: {  	_ =	shalt  }
0x71: {  	_ =	shalt  }
0x72: {  	_ =	shalt  }
0x73: {  	_ =	shalt  }
0x74: {  	_ =	shalt  }
0x75: {  	_ =	shalt  }
0x76: {  	_ =	shalt  }
0x77: {  	_ =	shalt  }
0x78: {  	_ =	shalt  }
0x79: {  	_ =	shalt  }
0x7a: {  	_ =	shalt  }
0x7b: {  	_ =	shalt  }
0x7c: {  	_ =	shalt  }
0x7d: {  	_ =	shalt  }
0x7e: {  	_ =	shalt  }
0x7f: {  	_ =	shalt  }
0x80: {  	_ =	shalt  }
0x81: {  	_ =	shalt  }
0x82: {  	_ =	shalt  }
0x83: {  	_ =	shalt  }
0x84: {  	_ =	shalt  }
0x85: {  	_ =	shalt  }
0x86: {  	_ =	shalt  }
0x87: {  	_ =	shalt  }
.Lfunc_end0:
.L_simem_size_0:
called_computation.4_lowered:
.L_overlay_start_0:
0x88: {  	s2 =	sld [smem:$0x3FD9]  }
0x89: {  	s3 =	sld [smem:$0x3FFE];
	_ =	sdelay $0x1  }
0x8a: {  	s1 =	srdreg.scid  }
0x8b: {  	s0 =	sand.u32 $0x1, s1  }
0x8c: {  	s17 =	sshll.u32 s0, $0xA;
	s2 =	sadd.s32 s3, s2  }
0x8d: {  	s2 =	sadd.s32 s2, s17  }
0x8e: {  	[smem:$0x3FBA] =	sst s2  }
0x8f: {  	_ = 	snop  }
0x90: {  	s2 =	sld [smem:$0x3FD0];
	(tm) =	ssettm $0x1  }
0x91: {  	s18 =	sld [smem:$0x3FFB];
	_ =	sdelay $0x3  }
0x92: {  	_ =	strace s18  }
0x93: {  	s3 =	sld [smem:$0x3FFC];
	_ =	sdelay $0x3  }
0x94: {  	_ =	strace s3  }
0x95: {  	s3 =	sld [smem:$0x3FFD];
	_ =	sdelay $0x3  }
0x96: {  	_ =	strace s3  }
0x97: {  	_ =	strace $0x8FFFFFFF  }
0x98: {  	s19 =	sld [smem:$0x3FDB];
	_ =	sdelay $0x1  }
0x99: {  	s4 =	simm.s32 $_scs_section_size  }
0x9a: {  	s5 =	simm.s32 $_size__tile_overlayer_lowered;
	s6 =	simm.s32 $_tile_overlayer_lowered  }
0x9b: {  	s22 =	simm.s32 $0x1BFF;
	s21 =	sshll.u32 s6, $0x1;
	s3 =	sadd.s32 s4, s19  }
0x9c: {  	s7 =	simm.s32 $0x0;
	s20 =	sshll.u32 s5, $0x1;
	s5 =	sadd.s32 s21, s3  }
0x9d: {  	[timem:s7], [sflag:s22] =	dma.local [hbm:s5], s20  }
0x9e: {  	_ =	swait.ge [sflag:s22], s20  }
0x9f: {  	s4 =	ssub.s32 $0x0, s20;
	[sflag:s22] =	ssyncset.done $0x0  }
0xa0: {  	[sflag:s22] =	ssyncadd.s32 s4;
	_ =	sdelay $0x1  }
0xa1: {  	s23 =	simm.s32 $0x1B8B  }
0xa2: {  	_ =	swait.ge [sflag:s23], $0x1  }
0xa3: {  	[sflag:s23] =	ssyncset.done $0x0  }
0xa4: {  	s25 =	simm.s32 $0x1B8E;
	s24 =	sld [smem:$0x3FFE];
	[sflag:s23] =	ssyncadd.s32 $0xFFFFFFFF  }
0xa5: {  	s26 =	simm.s32 $execute0_lowered;
	[smem:$0x3FD2] =	sst s25  }
0xa6: {  	s5 =	sshll.u32 s26, $0x1;
	_ =	strace $0x80000052;
	[dreg:$0x1] =	wrdreg $0xFFFFFFFF  }
0xa7: {  	s28 =	simm.s32 $_size_execute0_lowered;
	s3 =	sadd.s32 s3, s5;
	[dreg:$0x0] =	wrdreg $0x0  }
0xa8: {  	s5 =	sshll.u32 s28, $0x1;
	[dreg:$0x2] =	wrdreg s3  }
0xa9: {  	[dreg:$0x3] =	wrdreg s5  }
0xaa: {  	[dreg:$0x4] =	wrdreg $0xC0  }
0xab: {  	_ =	task [dreg:s7], $0x5FFFF  }
0xac: {  	[dreg:$0x1] =	wrdreg $0xFFFFFFFF  }
0xad: {  	[dreg:$0x0] =	wrdreg $0x60  }
0xae: {  	[dreg:$0x2] =	wrdreg s2  }
0xaf: {  	[dreg:$0x3] =	wrdreg s24  }
0xb0: {  	[dreg:$0x4] =	wrdreg $0x9  }
0xb1: {  	_ =	task.clear_ibuf [dreg:s7], $0x5FFFF;
	_ =	strace $0x90000052  }
0xb2: {  	s29 =	simm.s32 $0x9;
	_ =	strace $0x80000054  }
0xb3: {  	_ =	swait.ge [sflag:s29], $0x1  }
0xb4: {  	[sflag:s29] =	ssyncadd.s32 $0xFFFFFFFF  }
0xb5: {  	_ =	strace $0x90000054  }
0xb6: {  	_ =	sfence  }
0xb7: {  	s30 =	sld [smem:$0x0];
	_ =	sdelay $0x2  }
0xb8: {  	s31 =	sshll.u32 s1, $0xD;
	s1 =	sshrl.u32 s1, $0x2  }
0xb9: {  	s3 =	sand.u32 $0x4000, s31;
	s1 =	sadd.s32 s1, s30  }
0xba: {  	s0 =	sor.u32 s3, s0;
	s1 =	sshll.u32 s1, $0x11  }
0xbb: {  	s0 =	sor.u32 s1, s0  }
0xbc: {  	s0 =	sadd.s32 $0x8F2B, s0  }
0xbd: {  	[sflag:s0] =	ssyncadd.remote.s32 $0x1  }
0xbe: {  	_ =	sfence.sel $0xFFFF  }
0xbf: {  	[dreg:$0x0] =	wrdreg $0xFFFFFFFF;
	(pc) =	sbr.abs _section_cstart, $3  }
0xc0: {  	[dreg:$0x1] =	wrdreg $0xFFFFFFFF  }
0xc1: {  	_ =	task.clear_ibuf [dreg:s7], $0x2FFFF;
	_ =	strace $0x9FFFFFFF  }
0xc2: {  	(tm) =	ssettm $0x7FFFFFFF  }
0xc3: {  	_ =	shalt  }
tec
execute0_lowered:
.L_overlay_start_1:
0x0: {  	(tag) =	ssettag $0x1  }
0x1: {  	s1 =	srdreg.scid  }
0x2: {  	s2 =	rddreg [dreg:$0x0];
	s0 =	stileid.u32  }
0x3: {  	s4 =	rddreg [dreg:$0x1];
	s3 =	simm.s32 $0x0;
	s8 =	simm.s32 $0x80  }
0x4: {  	s26 =	simm.s32 $0x880;
	s9 =	simm.s32 $0x1080;
	s10 =	simm.s32 $0x1880  }
0x5: {  	s11 =	simm.s32 $0x2080;
	s12 =	simm.s32 $0x2880;
	s13 =	simm.s32 $0x3080  }
0x6: {  	s14 =	simm.s32 $0x3880;
	s15 =	simm.s32 $0x4080;
	s16 =	simm.s32 $0x4880  }
0x7: {  	s17 =	simm.s32 $0x5080;
	s18 =	simm.s32 $0x5880;
	s19 =	simm.s32 $0x6080  }
0x8: {  	s20 =	simm.s32 $0x6880;
	s21 =	simm.s32 $0x7080;
	s22 =	simm.s32 $0x7880  }
0x9: {  	s23 =	simm.s32 $0x8080;
	s24 =	simm.s32 $0x8880;
	s28 =	simm.s32 $0xA080  }
0xa: {  	s29 =	simm.s32 $0xA880;
	s30 =	simm.s32 $0xB080;
	s31 =	simm.s32 $0xB880  }
0xb: {  	s1 =	sand.u32 $0x1, s1;
	s5 =	sshll.u32 s0, $0x4;
	[smem:$0x7FF] =	sst s3  }
0xc: {  	s6 =	sshll.u32 s1, $0x3;
	s1 =	ssub.s32 $0x2, s1;
	_ =	strace $0x80000053  }
0xd: {  	[dreg:$0x5] =	wrdreg s26;
	s26 =	simm.s32 $0x9880;
	s5 =	sor.u32 s6, s5  }
0xe: {  	s7 =	sshrl.u32 s1, $0x1;
	s6 =	smul.u32 $0x300, s5;
	s5 =	sadd.s32 s5, s4  }
0xf: {  	s1 =	ssub.s32 s1, s7;
	s7 =	simm.s32 $0x2;
	s25 =	sadd.s32 $0x34600, s5  }
0x10: {  	v2 =	vlaneseq.u32;
	s5 =	sadd.s32 $0x200, s2;
	s6 =	sadd.s32 s6, s4;
	[dreg:$0x3] =	wrdreg s25  }
0x11: {  	vm0 =	vmmov $0xffff;
	v1 =	vshrl.u32 v2, $0x3;
	s4 =	sadd.s32 $0x100, s2;
	s25 =	simm.s32 $0x9080;
	s6 =	sadd.s32 $0x4600, s6  }
0x12: {  	v0 =	vand.u32 $0x7, v2;
	v2 =	vor.u32 $0x8, v2;
	v1 =	vmul.u32 $0x8, v1;
	[dreg:$0x4] =	wrdreg s6;
	s6 =	smax.u32 s1, $0x1;
	s1 =	simm.s32 $0x1  }
.LBB2_1:
0x13: {  	s0 =	rddreg [dreg:$0x3]  }
0x14: {  	[tilespmem:s3], [sflag:$0x2] =	stream.linear.gather [hbm4b:s0+s3], $0x40, $0x38;
	[tilespmem:$0xC080] =	vst v63  }
0x15: {  	_ =	swait.ge [sflag:s7], $0x40  }
0x16: {  	[sflag:s7] =	ssyncset.done $0x0  }
0x17: {  	[sflag:s7] =	ssyncadd.s32 $0xFFFFFFC0  }
0x18: {  	v3 =	vld [tilespmem:$0x0];
	_ =	sdelay $0x4  }
0x19: {  	v4 =	vshrl.u32 v3, $0x3  }
0x1a: {  	v4 =	vmul.u32 $0x30, v4  }
0x1b: {  	v3 =	vand.u32 $0x7, v3  }
0x1c: {  	v3 =	vor.u32 v3, v4  }
0x1d: {  	v4 =	vperm.xlane v3, v0;
	_ =	sdelay $0x1  }
0x1e: {  	v4 =	vadd.s32 v1, v4;
	_ =	sdelay $0x3  }
0x1f: {  	v3 =	vperm.xlane v3, v2  }
0x20: {  	[tilespmem:s8], [sflag:$0x1] =	stream.indirect_vreg.gather [hbm4b:s2+s3], $0x80, v4, vm0, $0xb8;
	[tilespmem:$0xC080] =	vst v63  }
0x21: {  	s0 =	rddreg [dreg:$0x5];
	v3 =	vadd.s32 v1, v3  }
0x22: {  	[tilespmem:s0], [sflag:$0x1] =	stream.indirect_vreg.gather [hbm4b:s4+s3], $0x80, v4, vm0, $0xb8;
	[tilespmem:$0xC080] =	vst v63  }
0x23: {  	_ = 	snop  }
0x24: {  	[tilespmem:s9], [sflag:$0x1] =	stream.indirect_vreg.gather [hbm4b:s5+s3], $0x80, v4, vm0, $0xb8;
	[tilespmem:$0xC080] =	vst v63  }
0x25: {  	_ = 	snop  }
0x26: {  	[tilespmem:s10], [sflag:$0x1] =	stream.indirect_vreg.gather [hbm4b:s2+s3], $0x80, v3, vm0, $0xb8;
	[tilespmem:$0xC080] =	vst v63  }
0x27: {  	_ = 	snop  }
0x28: {  	[tilespmem:s11], [sflag:$0x1] =	stream.indirect_vreg.gather [hbm4b:s4+s3], $0x80, v3, vm0, $0xb8;
	[tilespmem:$0xC080] =	vst v63  }
0x29: {  	_ = 	snop  }
0x2a: {  	[tilespmem:s12], [sflag:$0x1] =	stream.indirect_vreg.gather [hbm4b:s5+s3], $0x80, v3, vm0, $0xb8;
	[tilespmem:$0xC080] =	vst v63  }
0x2b: {  	v3 =	vld [tilespmem:$0x10];
	_ =	sdelay $0x4  }
0x2c: {  	v61 =	vshrl.u32 v3, $0x3  }
0x2d: {  	v4 =	vmul.u32 $0x30, v61  }
0x2e: {  	v3 =	vand.u32 $0x7, v3  }
0x2f: {  	v3 =	vor.u32 v3, v4  }
0x30: {  	v4 =	vperm.xlane v3, v0;
	_ =	sdelay $0x1  }
0x31: {  	v4 =	vadd.s32 v1, v4;
	_ =	sdelay $0x3  }
0x32: {  	v3 =	vperm.xlane v3, v2  }
0x33: {  	[tilespmem:s13], [sflag:$0x1] =	stream.indirect_vreg.gather [hbm4b:s2+s3], $0x80, v4, vm0, $0xb8;
	[tilespmem:$0xC080] =	vst v63  }
0x34: {  	v3 =	vadd.s32 v1, v3  }
0x35: {  	[tilespmem:s14], [sflag:$0x1] =	stream.indirect_vreg.gather [hbm4b:s4+s3], $0x80, v4, vm0, $0xb8;
	[tilespmem:$0xC080] =	vst v63  }
0x36: {  	_ = 	snop  }
0x37: {  	[tilespmem:s15], [sflag:$0x1] =	stream.indirect_vreg.gather [hbm4b:s5+s3], $0x80, v4, vm0, $0xb8;
	[tilespmem:$0xC080] =	vst v63  }
0x38: {  	_ = 	snop  }
0x39: {  	[tilespmem:s16], [sflag:$0x1] =	stream.indirect_vreg.gather [hbm4b:s2+s3], $0x80, v3, vm0, $0xb8;
	[tilespmem:$0xC080] =	vst v63  }
0x3a: {  	_ = 	snop  }
0x3b: {  	[tilespmem:s17], [sflag:$0x1] =	stream.indirect_vreg.gather [hbm4b:s4+s3], $0x80, v3, vm0, $0xb8;
	[tilespmem:$0xC080] =	vst v63  }
0x3c: {  	_ = 	snop  }
0x3d: {  	[tilespmem:s18], [sflag:$0x1] =	stream.indirect_vreg.gather [hbm4b:s5+s3], $0x80, v3, vm0, $0xb8;
	[tilespmem:$0xC080] =	vst v63  }
0x3e: {  	v3 =	vld [tilespmem:$0x20];
	_ =	sdelay $0x4  }
0x3f: {  	v62 =	vshrl.u32 v3, $0x3  }
0x40: {  	v4 =	vmul.u32 $0x30, v62  }
0x41: {  	v3 =	vand.u32 $0x7, v3  }
0x42: {  	v3 =	vor.u32 v3, v4  }
0x43: {  	v4 =	vperm.xlane v3, v0;
	_ =	sdelay $0x1  }
0x44: {  	v4 =	vadd.s32 v1, v4;
	_ =	sdelay $0x3  }
0x45: {  	v3 =	vperm.xlane v3, v2  }
0x46: {  	[tilespmem:s19], [sflag:$0x1] =	stream.indirect_vreg.gather [hbm4b:s2+s3], $0x80, v4, vm0, $0xb8;
	[tilespmem:$0xC080] =	vst v63  }
0x47: {  	v3 =	vadd.s32 v1, v3  }
0x48: {  	[tilespmem:s20], [sflag:$0x1] =	stream.indirect_vreg.gather [hbm4b:s4+s3], $0x80, v4, vm0, $0xb8;
	[tilespmem:$0xC080] =	vst v63  }
0x49: {  	_ = 	snop  }
0x4a: {  	[tilespmem:s21], [sflag:$0x1] =	stream.indirect_vreg.gather [hbm4b:s5+s3], $0x80, v4, vm0, $0xb8;
	[tilespmem:$0xC080] =	vst v63  }
0x4b: {  	_ = 	snop  }
0x4c: {  	[tilespmem:s22], [sflag:$0x1] =	stream.indirect_vreg.gather [hbm4b:s2+s3], $0x80, v3, vm0, $0xb8;
	[tilespmem:$0xC080] =	vst v63  }
0x4d: {  	_ = 	snop  }
0x4e: {  	[tilespmem:s23], [sflag:$0x1] =	stream.indirect_vreg.gather [hbm4b:s4+s3], $0x80, v3, vm0, $0xb8;
	[tilespmem:$0xC080] =	vst v63  }
0x4f: {  	_ = 	snop  }
0x50: {  	[tilespmem:s24], [sflag:$0x1] =	stream.indirect_vreg.gather [hbm4b:s5+s3], $0x80, v3, vm0, $0xb8;
	[tilespmem:$0xC080] =	vst v63  }
0x51: {  	v3 =	vld [tilespmem:$0x30];
	_ =	sdelay $0x4  }
0x52: {  	v63 =	vshrl.u32 v3, $0x3  }
0x53: {  	v4 =	vmul.u32 $0x30, v63  }
0x54: {  	v3 =	vand.u32 $0x7, v3  }
0x55: {  	v3 =	vor.u32 v3, v4  }
0x56: {  	v4 =	vperm.xlane v3, v0;
	_ =	sdelay $0x1  }
0x57: {  	v4 =	vadd.s32 v1, v4;
	_ =	sdelay $0x3  }
0x58: {  	v3 =	vperm.xlane v3, v2  }
0x59: {  	[tilespmem:s25], [sflag:$0x1] =	stream.indirect_vreg.gather [hbm4b:s2+s3], $0x80, v4, vm0, $0xb8;
	[tilespmem:$0xC080] =	vst v63  }
0x5a: {  	v3 =	vadd.s32 v1, v3  }
0x5b: {  	[tilespmem:s26], [sflag:$0x1] =	stream.indirect_vreg.gather [hbm4b:s4+s3], $0x80, v4, vm0, $0xb8;
	[tilespmem:$0xC080] =	vst v63  }
0x5c: {  	_ = 	snop  }
0x5d: {  	[tilespmem:s28], [sflag:$0x1] =	stream.indirect_vreg.gather [hbm4b:s5+s3], $0x80, v4, vm0, $0xb8;
	[tilespmem:$0xC080] =	vst v63  }
0x5e: {  	_ = 	snop  }
0x5f: {  	[tilespmem:s29], [sflag:$0x1] =	stream.indirect_vreg.gather [hbm4b:s2+s3], $0x80, v3, vm0, $0xb8;
	[tilespmem:$0xC080] =	vst v63  }
0x60: {  	_ = 	snop  }
0x61: {  	[tilespmem:s30], [sflag:$0x1] =	stream.indirect_vreg.gather [hbm4b:s4+s3], $0x80, v3, vm0, $0xb8;
	[tilespmem:$0xC080] =	vst v63  }
0x62: {  	_ = 	snop  }
0x63: {  	[tilespmem:s31], [sflag:$0x1] =	stream.indirect_vreg.gather [hbm4b:s5+s3], $0x80, v3, vm0, $0xb8;
	[tilespmem:$0xC080] =	vst v63  }
0x64: {  	_ =	swait.ge [sflag:s1], $0xC000  }
0x65: {  	p0 =	sne.s32 s6, $0x1;
	[sflag:s1] =	ssyncset.done $0x0  }
.Ltmp0:
0x66: {  	s0 =	rddreg [dreg:$0x4];
	[sflag:s1] =	ssyncadd.s32 $0xFFFF4000;
	(pc) =	sbr.rel @p0 .LBB2_1-.Ltmp0, $4  }
0x67: {  	[hbm4b:s0+s3] =	stream.linear.scatter [tilespmem:s8], [sflag:$0x2], $0xC000, $0x38;
	[tilespmem:$0xC080] =	vst v63  }
0x68: {  	_ =	swait.ge [sflag:s7], $0xC000  }
0x69: {  	[sflag:s7] =	ssyncset.done $0x0  }
0x6a: {  	s6 =	sadd.s32 $0xFFFFFFFF, s6;
	[sflag:s7] =	ssyncadd.s32 $0xFFFF4000  }
0x6b: {  	_ =	sfence.sel $0x180000  }
0x6c: {  	[bflag:$0x0] =	sbarrier.arrive $0xFFFF  }
0x6d: {  	_ =	strace $0x90000053  }
0x6e: {  	s0 =	stileid.u32;
	[bflag:$0x2] =	sbarrier.arrive $0xFFFF  }
0x6f: {  	p0 =	sne.s32 s0, $0x0;
	s0 =	rddreg [dreg:$0x2]  }
0x70: {  	s0 =	sadd.s32 @!p0 $0x100000, s0  }
0x71: {  	[sflag:s0] =	ssyncadd.tile.s32 @!p0 $0x1;
	_ =	shalt  }
.Lfunc_end2:
_tile_overlayer_lowered:
.L_overlay_start_2:
0x72: {  	(tag) =	ssettag $0x2  }
0x73: {  	s0 =	rddreg [dreg:$0x0];
	s2 =	stileid.u32  }
0x74: {  	s1 =	rddreg [dreg:$0x1];
	p0 =	sne.s32 s2, $0x0  }
0x75: {  	s3 =	rddreg [dreg:$0x2];
	[bflag:$0x3] =	sbarrier.arrive $0xFFFF;
	s2 =	simm.s32 @!p0 $0x1C02  }
0x76: {  	[timem:s3], [sflag:s2] =	dma.local @!p0 [hbm:s0], s1  }
0x77: {  	s0 =	simm.s32 @!p0 $0x2  }
0x78: {  	_ =	swait.ge @!p0 [sflag:s0], s1  }
0x79: {  	s1 =	ssub.s32 @!p0 $0x0, s1;
	[sflag:s0] =	ssyncset.done @!p0 $0x0  }
0x7a: {  	[sflag:s0] =	ssyncadd.s32 @!p0 s1  }
0x7b: {  	[bflag:$0x3] =	sbarrier.arrive $0xFFFF  }
0x7c: {  	_ =	shalt  }

</sc_bundles>
